<compile_context>
chip_gen: v7x
topology: tpu7x:2x2x1
jax: 0.10.2.dev20260603
libtpu: 0.0.44.dev20260713+nightly
codegen_flags: <defaults>
</compile_context>

<pallas_src>
import functools

import jax
import jax.numpy as jnp
from jax import lax
from jax.experimental import pallas as pl
from jax.experimental.pallas import tpu as pltpu
from jax.experimental.pallas import tpu_sc as plsc

_NC = 2
_NS = 16
_L = 16


def _slab_body(cw_ref, rw_ref, o_ref):
    cwT = cw_ref[...].T
    rwT = rw_ref[...].T
    d, w = cwT.shape
    h = rwT.shape[1]
    o_ref[0:d] = jnp.broadcast_to(cwT[:, None, :], (d, h, w))
    o_ref[d:] = jnp.broadcast_to(rwT[:, :, None], (d, h, w))


def _bcast_body(slab_hbm, o_hbm, buf, sem):
    bs = o_hbm.shape[0]
    wid = lax.axis_index("s") * _NC + lax.axis_index("c")
    c0 = wid * _L
    pltpu.sync_copy(slab_hbm.at[pl.ds(c0, _L)], buf)
    for b in range(bs):
        pltpu.async_copy(buf, o_hbm.at[b, pl.ds(c0, _L)], sem)
    for b in range(bs):
        pltpu.make_async_copy(buf, o_hbm.at[b, pl.ds(c0, _L)], sem).wait()


def kernel(mask, row_weight, col_weight):
    bs, h, w = mask.shape
    d = row_weight.shape[1]

    slab = pl.pallas_call(
        _slab_body,
        in_specs=[
            pl.BlockSpec(memory_space=pltpu.VMEM),
            pl.BlockSpec(memory_space=pltpu.VMEM),
        ],
        out_specs=pl.BlockSpec(memory_space=pltpu.VMEM),
        out_shape=jax.ShapeDtypeStruct((2 * d, h, w), jnp.float32),
    )(col_weight, row_weight)

    mesh = plsc.VectorSubcoreMesh(core_axis_name="c", subcore_axis_name="s")
    bcast = functools.partial(
        pl.kernel,
        out_type=jax.ShapeDtypeStruct((bs, 2 * d, h, w), jnp.float32),
        mesh=mesh,
        scratch_types=[
            pltpu.VMEM((_L, h, w), jnp.float32),
            pltpu.SemaphoreType.DMA,
        ],
        compiler_params=pltpu.CompilerParams(use_tc_tiling_on_sc=True),
    )(_bcast_body)
    return bcast(slab)

# --- scband reference (transcript-rebuilt; emitter-appended) ---
"""Pipeline reference for scband-position-embedding-learned-18287970746974 (READ-ONLY COPY).

The authoritative reference and input builder live on the scoring server;
editing this copy changes nothing except your own understanding.
"""

import jax, jax.numpy as jnp
import numpy as np

NUM_POS_FEATS = 256
ROW_NUM_EMBED = 50
COL_NUM_EMBED = 50

def setup_inputs(seed: int = 0) -> dict:
    key = jax.random.key(seed)
    k1, k2 = jax.random.split(key)
    mask = jnp.zeros((16, 50, 50), dtype=jnp.bool_)
    row_weight = jax.random.uniform(k1, (ROW_NUM_EMBED, NUM_POS_FEATS), dtype=jnp.float32)
    col_weight = jax.random.uniform(k2, (COL_NUM_EMBED, NUM_POS_FEATS), dtype=jnp.float32)
    return {"mask": mask, "row_weight": row_weight, "col_weight": col_weight}

def reference(mask, row_weight, col_weight):
    bs, h, w = mask.shape
    x = jnp.arange(w)
    y = jnp.arange(h)
    x_emb = jnp.take(col_weight, x, axis=0)  # (w, d)
    y_emb = jnp.take(row_weight, y, axis=0)  # (h, d)
    a = jnp.broadcast_to(x_emb[None, :, :], (h, w, x_emb.shape[-1]))
    b = jnp.broadcast_to(y_emb[:, None, :], (h, w, y_emb.shape[-1]))
    pos = jnp.concatenate([a, b], axis=-1)            # (h, w, 2d)
    pos = jnp.transpose(pos, (2, 0, 1))               # (2d, h, w)
    pos = jnp.broadcast_to(pos[None, :, :, :], (bs,) + pos.shape)
    return pos

if __name__ == "__main__":
    import jax
    _d = setup_inputs()
    print(jax.jit(kernel)(*tuple(_d.values())))

</pallas_src>

<mosaic_0001>
#map = affine_map<(d0, d1) -> (0, 0, 0)>
#map1 = affine_map<(d0, d1) -> (0, 0, 0, 0)>
module attributes {stable_mosaic.version = 14 : i64} {
  func.func @_bcast_body(%arg0: i32, %arg1: i32, %arg2: memref<512x50x50xf32, #tpu.memory_space<hbm>>, %arg3: memref<16x512x50x50xf32, #tpu.memory_space<hbm>>, %arg4: memref<16x50x50xf32, #tpu.memory_space<vmem>>, %arg5: memref<!tpu.dma_semaphore, #tpu.memory_space<semaphore_mem>>) attributes {dimension_semantics = [#tpu.dimension_semantics<core_parallel>, #tpu.dimension_semantics<subcore_parallel>], iteration_bounds = array<i64: 2, 16>, scalar_prefetch = 0 : i64, scratch_operands = 2 : i64, tpu.core_type = #tpu.core_type<sc_vector_subcore>, window_params = [{transform_indices = #map}, {transform_indices = #map1}]} {
    %mul3A = arith.constant 2 : i32
    %mul3A_0 = arith.muli %arg1, %mul3A : i32
    %add3A = arith.addi %mul3A_0, %arg0 : i32
    %mul3A_1 = arith.constant 16 : i32
    %mul3A_2 = arith.muli %add3A, %mul3A_1 : i32
    "tpu.region"() ({
      %run_scoped3A = tpu.sem_alloc : memref<!tpu.dma_semaphore, #tpu.memory_space<semaphore_mem>>
      %dma_start3A_289 = arith.constant 0 : i32
      %dma_start3A_290 = arith.constant 0 : i32
      %dma_start3A_291 = tpu.memref_slice %arg2[%mul3A_2, %dma_start3A_289, %dma_start3A_290] : memref<512x50x50xf32, #tpu.memory_space<hbm>> -> memref<16x50x50xf32, #tpu.memory_space<hbm>>
      %dma_start3A_292 = arith.constant 0 : i32
      %dma_start3A_293 = arith.constant 0 : i32
      %dma_start3A_294 = tpu.memref_slice %arg2[%mul3A_2, %dma_start3A_292, %dma_start3A_293] : memref<512x50x50xf32, #tpu.memory_space<hbm>> -> memref<16x50x50xf32, #tpu.memory_space<hbm>>
      tpu.enqueue_dma source(%dma_start3A_294 : memref<16x50x50xf32, #tpu.memory_space<hbm>>) target(%arg4 : memref<16x50x50xf32, #tpu.memory_space<vmem>>) target_semaphore(%run_scoped3A : memref<!tpu.dma_semaphore, #tpu.memory_space<semaphore_mem>>)
      %dma_wait3A_295 = arith.constant 0 : i32
      %dma_wait3A_296 = arith.constant 0 : i32
      %dma_wait3A_297 = tpu.memref_slice %arg2[%mul3A_2, %dma_wait3A_295, %dma_wait3A_296] : memref<512x50x50xf32, #tpu.memory_space<hbm>> -> memref<16x50x50xf32, #tpu.memory_space<hbm>>
      %dma_wait3A_298 = arith.constant 0 : i32
      %dma_wait3A_299 = arith.constant 0 : i32
      %dma_wait3A_300 = tpu.memref_slice %arg2[%mul3A_2, %dma_wait3A_298, %dma_wait3A_299] : memref<512x50x50xf32, #tpu.memory_space<hbm>> -> memref<16x50x50xf32, #tpu.memory_space<hbm>>
      tpu.wait_dma2 semaphore(%run_scoped3A : memref<!tpu.dma_semaphore, #tpu.memory_space<semaphore_mem>>) src(%dma_wait3A_300 : memref<16x50x50xf32, #tpu.memory_space<hbm>>) dst(%arg4 : memref<16x50x50xf32, #tpu.memory_space<vmem>>)
      tpu.yield
    }) : () -> ()
    %dma_start3A = arith.constant 0 : i32
    %dma_start3A_3 = arith.constant 0 : i32
    %dma_start3A_4 = arith.constant 0 : i32
    %dma_start3A_5 = tpu.memref_slice %arg3[%dma_start3A, %mul3A_2, %dma_start3A_3, %dma_start3A_4] : memref<16x512x50x50xf32, #tpu.memory_space<hbm>> -> memref<1x16x50x50xf32, #tpu.memory_space<hbm>>
    %dma_start3A_6 = tpu.memref_squeeze %dma_start3A_5 : memref<1x16x50x50xf32, #tpu.memory_space<hbm>> -> memref<16x50x50xf32, #tpu.memory_space<hbm>>
    %dma_start3A_7 = arith.constant 0 : i32
    %dma_start3A_8 = arith.constant 0 : i32
    %dma_start3A_9 = tpu.memref_slice %arg3[%dma_start3A, %mul3A_2, %dma_start3A_7, %dma_start3A_8] : memref<16x512x50x50xf32, #tpu.memory_space<hbm>> -> memref<1x16x50x50xf32, #tpu.memory_space<hbm>>
    %dma_start3A_10 = tpu.memref_squeeze %dma_start3A_9 : memref<1x16x50x50xf32, #tpu.memory_space<hbm>> -> memref<16x50x50xf32, #tpu.memory_space<hbm>>
    tpu.enqueue_dma source(%arg4 : memref<16x50x50xf32, #tpu.memory_space<vmem>>) target(%dma_start3A_10 : memref<16x50x50xf32, #tpu.memory_space<hbm>>) target_semaphore(%arg5 : memref<!tpu.dma_semaphore, #tpu.memory_space<semaphore_mem>>)
    %dma_start3A_11 = arith.constant 1 : i32
    %dma_start3A_12 = arith.constant 0 : i32
    %dma_start3A_13 = arith.constant 0 : i32
    %dma_start3A_14 = tpu.memref_slice %arg3[%dma_start3A_11, %mul3A_2, %dma_start3A_12, %dma_start3A_13] : memref<16x512x50x50xf32, #tpu.memory_space<hbm>> -> memref<1x16x50x50xf32, #tpu.memory_space<hbm>>
    %dma_start3A_15 = tpu.memref_squeeze %dma_start3A_14 : memref<1x16x50x50xf32, #tpu.memory_space<hbm>> -> memref<16x50x50xf32, #tpu.memory_space<hbm>>
    %dma_start3A_16 = arith.constant 0 : i32
    %dma_start3A_17 = arith.constant 0 : i32
    %dma_start3A_18 = tpu.memref_slice %arg3[%dma_start3A_11, %mul3A_2, %dma_start3A_16, %dma_start3A_17] : memref<16x512x50x50xf32, #tpu.memory_space<hbm>> -> memref<1x16x50x50xf32, #tpu.memory_space<hbm>>
    %dma_start3A_19 = tpu.memref_squeeze %dma_start3A_18 : memref<1x16x50x50xf32, #tpu.memory_space<hbm>> -> memref<16x50x50xf32, #tpu.memory_space<hbm>>
    tpu.enqueue_dma source(%arg4 : memref<16x50x50xf32, #tpu.memory_space<vmem>>) target(%dma_start3A_19 : memref<16x50x50xf32, #tpu.memory_space<hbm>>) target_semaphore(%arg5 : memref<!tpu.dma_semaphore, #tpu.memory_space<semaphore_mem>>)
    %dma_start3A_20 = arith.constant 2 : i32
    %dma_start3A_21 = arith.constant 0 : i32
    %dma_start3A_22 = arith.constant 0 : i32
    %dma_start3A_23 = tpu.memref_slice %arg3[%dma_start3A_20, %mul3A_2, %dma_start3A_21, %dma_start3A_22] : memref<16x512x50x50xf32, #tpu.memory_space<hbm>> -> memref<1x16x50x50xf32, #tpu.memory_space<hbm>>
    %dma_start3A_24 = tpu.memref_squeeze %dma_start3A_23 : memref<1x16x50x50xf32, #tpu.memory_space<hbm>> -> memref<16x50x50xf32, #tpu.memory_space<hbm>>
    %dma_start3A_25 = arith.constant 0 : i32
    %dma_start3A_26 = arith.constant 0 : i32
    %dma_start3A_27 = tpu.memref_slice %arg3[%dma_start3A_20, %mul3A_2, %dma_start3A_25, %dma_start3A_26] : memref<16x512x50x50xf32, #tpu.memory_space<hbm>> -> memref<1x16x50x50xf32, #tpu.memory_space<hbm>>
    %dma_start3A_28 = tpu.memref_squeeze %dma_start3A_27 : memref<1x16x50x50xf32, #tpu.memory_space<hbm>> -> memref<16x50x50xf32, #tpu.memory_space<hbm>>
    tpu.enqueue_dma source(%arg4 : memref<16x50x50xf32, #tpu.memory_space<vmem>>) target(%dma_start3A_28 : memref<16x50x50xf32, #tpu.memory_space<hbm>>) target_semaphore(%arg5 : memref<!tpu.dma_semaphore, #tpu.memory_space<semaphore_mem>>)
    %dma_start3A_29 = arith.constant 3 : i32
    %dma_start3A_30 = arith.constant 0 : i32
    %dma_start3A_31 = arith.constant 0 : i32
    %dma_start3A_32 = tpu.memref_slice %arg3[%dma_start3A_29, %mul3A_2, %dma_start3A_30, %dma_start3A_31] : memref<16x512x50x50xf32, #tpu.memory_space<hbm>> -> memref<1x16x50x50xf32, #tpu.memory_space<hbm>>
    %dma_start3A_33 = tpu.memref_squeeze %dma_start3A_32 : memref<1x16x50x50xf32, #tpu.memory_space<hbm>> -> memref<16x50x50xf32, #tpu.memory_space<hbm>>
    %dma_start3A_34 = arith.constant 0 : i32
    %dma_start3A_35 = arith.constant 0 : i32
    %dma_start3A_36 = tpu.memref_slice %arg3[%dma_start3A_29, %mul3A_2, %dma_start3A_34, %dma_start3A_35] : memref<16x512x50x50xf32, #tpu.memory_space<hbm>> -> memref<1x16x50x50xf32, #tpu.memory_space<hbm>>
    %dma_start3A_37 = tpu.memref_squeeze %dma_start3A_36 : memref<1x16x50x50xf32, #tpu.memory_space<hbm>> -> memref<16x50x50xf32, #tpu.memory_space<hbm>>
    tpu.enqueue_dma source(%arg4 : memref<16x50x50xf32, #tpu.memory_space<vmem>>) target(%dma_start3A_37 : memref<16x50x50xf32, #tpu.memory_space<hbm>>) target_semaphore(%arg5 : memref<!tpu.dma_semaphore, #tpu.memory_space<semaphore_mem>>)
    %dma_start3A_38 = arith.constant 4 : i32
    %dma_start3A_39 = arith.constant 0 : i32
    %dma_start3A_40 = arith.constant 0 : i32
    %dma_start3A_41 = tpu.memref_slice %arg3[%dma_start3A_38, %mul3A_2, %dma_start3A_39, %dma_start3A_40] : memref<16x512x50x50xf32, #tpu.memory_space<hbm>> -> memref<1x16x50x50xf32, #tpu.memory_space<hbm>>
    %dma_start3A_42 = tpu.memref_squeeze %dma_start3A_41 : memref<1x16x50x50xf32, #tpu.memory_space<hbm>> -> memref<16x50x50xf32, #tpu.memory_space<hbm>>
    %dma_start3A_43 = arith.constant 0 : i32
    %dma_start3A_44 = arith.constant 0 : i32
    %dma_start3A_45 = tpu.memref_slice %arg3[%dma_start3A_38, %mul3A_2, %dma_start3A_43, %dma_start3A_44] : memref<16x512x50x50xf32, #tpu.memory_space<hbm>> -> memref<1x16x50x50xf32, #tpu.memory_space<hbm>>
    %dma_start3A_46 = tpu.memref_squeeze %dma_start3A_45 : memref<1x16x50x50xf32, #tpu.memory_space<hbm>> -> memref<16x50x50xf32, #tpu.memory_space<hbm>>
    tpu.enqueue_dma source(%arg4 : memref<16x50x50xf32, #tpu.memory_space<vmem>>) target(%dma_start3A_46 : memref<16x50x50xf32, #tpu.memory_space<hbm>>) target_semaphore(%arg5 : memref<!tpu.dma_semaphore, #tpu.memory_space<semaphore_mem>>)
    %dma_start3A_47 = arith.constant 5 : i32
    %dma_start3A_48 = arith.constant 0 : i32
    %dma_start3A_49 = arith.constant 0 : i32
    %dma_start3A_50 = tpu.memref_slice %arg3[%dma_start3A_47, %mul3A_2, %dma_start3A_48, %dma_start3A_49] : memref<16x512x50x50xf32, #tpu.memory_space<hbm>> -> memref<1x16x50x50xf32, #tpu.memory_space<hbm>>
    %dma_start3A_51 = tpu.memref_squeeze %dma_start3A_50 : memref<1x16x50x50xf32, #tpu.memory_space<hbm>> -> memref<16x50x50xf32, #tpu.memory_space<hbm>>
    %dma_start3A_52 = arith.constant 0 : i32
    %dma_start3A_53 = arith.constant 0 : i32
    %dma_start3A_54 = tpu.memref_slice %arg3[%dma_start3A_47, %mul3A_2, %dma_start3A_52, %dma_start3A_53] : memref<16x512x50x50xf32, #tpu.memory_space<hbm>> -> memref<1x16x50x50xf32, #tpu.memory_space<hbm>>
    %dma_start3A_55 = tpu.memref_squeeze %dma_start3A_54 : memref<1x16x50x50xf32, #tpu.memory_space<hbm>> -> memref<16x50x50xf32, #tpu.memory_space<hbm>>
    tpu.enqueue_dma source(%arg4 : memref<16x50x50xf32, #tpu.memory_space<vmem>>) target(%dma_start3A_55 : memref<16x50x50xf32, #tpu.memory_space<hbm>>) target_semaphore(%arg5 : memref<!tpu.dma_semaphore, #tpu.memory_space<semaphore_mem>>)
    %dma_start3A_56 = arith.constant 6 : i32
    %dma_start3A_57 = arith.constant 0 : i32
    %dma_start3A_58 = arith.constant 0 : i32
    %dma_start3A_59 = tpu.memref_slice %arg3[%dma_start3A_56, %mul3A_2, %dma_start3A_57, %dma_start3A_58] : memref<16x512x50x50xf32, #tpu.memory_space<hbm>> -> memref<1x16x50x50xf32, #tpu.memory_space<hbm>>
    %dma_start3A_60 = tpu.memref_squeeze %dma_start3A_59 : memref<1x16x50x50xf32, #tpu.memory_space<hbm>> -> memref<16x50x50xf32, #tpu.memory_space<hbm>>
    %dma_start3A_61 = arith.constant 0 : i32
    %dma_start3A_62 = arith.constant 0 : i32
    %dma_start3A_63 = tpu.memref_slice %arg3[%dma_start3A_56, %mul3A_2, %dma_start3A_61, %dma_start3A_62] : memref<16x512x50x50xf32, #tpu.memory_space<hbm>> -> memref<1x16x50x50xf32, #tpu.memory_space<hbm>>
    %dma_start3A_64 = tpu.memref_squeeze %dma_start3A_63 : memref<1x16x50x50xf32, #tpu.memory_space<hbm>> -> memref<16x50x50xf32, #tpu.memory_space<hbm>>
    tpu.enqueue_dma source(%arg4 : memref<16x50x50xf32, #tpu.memory_space<vmem>>) target(%dma_start3A_64 : memref<16x50x50xf32, #tpu.memory_space<hbm>>) target_semaphore(%arg5 : memref<!tpu.dma_semaphore, #tpu.memory_space<semaphore_mem>>)
    %dma_start3A_65 = arith.constant 7 : i32
    %dma_start3A_66 = arith.constant 0 : i32
    %dma_start3A_67 = arith.constant 0 : i32
    %dma_start3A_68 = tpu.memref_slice %arg3[%dma_start3A_65, %mul3A_2, %dma_start3A_66, %dma_start3A_67] : memref<16x512x50x50xf32, #tpu.memory_space<hbm>> -> memref<1x16x50x50xf32, #tpu.memory_space<hbm>>
    %dma_start3A_69 = tpu.memref_squeeze %dma_start3A_68 : memref<1x16x50x50xf32, #tpu.memory_space<hbm>> -> memref<16x50x50xf32, #tpu.memory_space<hbm>>
    %dma_start3A_70 = arith.constant 0 : i32
    %dma_start3A_71 = arith.constant 0 : i32
    %dma_start3A_72 = tpu.memref_slice %arg3[%dma_start3A_65, %mul3A_2, %dma_start3A_70, %dma_start3A_71] : memref<16x512x50x50xf32, #tpu.memory_space<hbm>> -> memref<1x16x50x50xf32, #tpu.memory_space<hbm>>
    %dma_start3A_73 = tpu.memref_squeeze %dma_start3A_72 : memref<1x16x50x50xf32, #tpu.memory_space<hbm>> -> memref<16x50x50xf32, #tpu.memory_space<hbm>>
    tpu.enqueue_dma source(%arg4 : memref<16x50x50xf32, #tpu.memory_space<vmem>>) target(%dma_start3A_73 : memref<16x50x50xf32, #tpu.memory_space<hbm>>) target_semaphore(%arg5 : memref<!tpu.dma_semaphore, #tpu.memory_space<semaphore_mem>>)
    %dma_start3A_74 = arith.constant 8 : i32
    %dma_start3A_75 = arith.constant 0 : i32
    %dma_start3A_76 = arith.constant 0 : i32
    %dma_start3A_77 = tpu.memref_slice %arg3[%dma_start3A_74, %mul3A_2, %dma_start3A_75, %dma_start3A_76] : memref<16x512x50x50xf32, #tpu.memory_space<hbm>> -> memref<1x16x50x50xf32, #tpu.memory_space<hbm>>
    %dma_start3A_78 = tpu.memref_squeeze %dma_start3A_77 : memref<1x16x50x50xf32, #tpu.memory_space<hbm>> -> memref<16x50x50xf32, #tpu.memory_space<hbm>>
    %dma_start3A_79 = arith.constant 0 : i32
    %dma_start3A_80 = arith.constant 0 : i32
    %dma_start3A_81 = tpu.memref_slice %arg3[%dma_start3A_74, %mul3A_2, %dma_start3A_79, %dma_start3A_80] : memref<16x512x50x50xf32, #tpu.memory_space<hbm>> -> memref<1x16x50x50xf32, #tpu.memory_space<hbm>>
    %dma_start3A_82 = tpu.memref_squeeze %dma_start3A_81 : memref<1x16x50x50xf32, #tpu.memory_space<hbm>> -> memref<16x50x50xf32, #tpu.memory_space<hbm>>
    tpu.enqueue_dma source(%arg4 : memref<16x50x50xf32, #tpu.memory_space<vmem>>) target(%dma_start3A_82 : memref<16x50x50xf32, #tpu.memory_space<hbm>>) target_semaphore(%arg5 : memref<!tpu.dma_semaphore, #tpu.memory_space<semaphore_mem>>)
    %dma_start3A_83 = arith.constant 9 : i32
    %dma_start3A_84 = arith.constant 0 : i32
    %dma_start3A_85 = arith.constant 0 : i32
    %dma_start3A_86 = tpu.memref_slice %arg3[%dma_start3A_83, %mul3A_2, %dma_start3A_84, %dma_start3A_85] : memref<16x512x50x50xf32, #tpu.memory_space<hbm>> -> memref<1x16x50x50xf32, #tpu.memory_space<hbm>>
    %dma_start3A_87 = tpu.memref_squeeze %dma_start3A_86 : memref<1x16x50x50xf32, #tpu.memory_space<hbm>> -> memref<16x50x50xf32, #tpu.memory_space<hbm>>
    %dma_start3A_88 = arith.constant 0 : i32
    %dma_start3A_89 = arith.constant 0 : i32
    %dma_start3A_90 = tpu.memref_slice %arg3[%dma_start3A_83, %mul3A_2, %dma_start3A_88, %dma_start3A_89] : memref<16x512x50x50xf32, #tpu.memory_space<hbm>> -> memref<1x16x50x50xf32, #tpu.memory_space<hbm>>
    %dma_start3A_91 = tpu.memref_squeeze %dma_start3A_90 : memref<1x16x50x50xf32, #tpu.memory_space<hbm>> -> memref<16x50x50xf32, #tpu.memory_space<hbm>>
    tpu.enqueue_dma source(%arg4 : memref<16x50x50xf32, #tpu.memory_space<vmem>>) target(%dma_start3A_91 : memref<16x50x50xf32, #tpu.memory_space<hbm>>) target_semaphore(%arg5 : memref<!tpu.dma_semaphore, #tpu.memory_space<semaphore_mem>>)
    %dma_start3A_92 = arith.constant 10 : i32
    %dma_start3A_93 = arith.constant 0 : i32
    %dma_start3A_94 = arith.constant 0 : i32
    %dma_start3A_95 = tpu.memref_slice %arg3[%dma_start3A_92, %mul3A_2, %dma_start3A_93, %dma_start3A_94] : memref<16x512x50x50xf32, #tpu.memory_space<hbm>> -> memref<1x16x50x50xf32, #tpu.memory_space<hbm>>
    %dma_start3A_96 = tpu.memref_squeeze %dma_start3A_95 : memref<1x16x50x50xf32, #tpu.memory_space<hbm>> -> memref<16x50x50xf32, #tpu.memory_space<hbm>>
    %dma_start3A_97 = arith.constant 0 : i32
    %dma_start3A_98 = arith.constant 0 : i32
    %dma_start3A_99 = tpu.memref_slice %arg3[%dma_start3A_92, %mul3A_2, %dma_start3A_97, %dma_start3A_98] : memref<16x512x50x50xf32, #tpu.memory_space<hbm>> -> memref<1x16x50x50xf32, #tpu.memory_space<hbm>>
    %dma_start3A_100 = tpu.memref_squeeze %dma_start3A_99 : memref<1x16x50x50xf32, #tpu.memory_space<hbm>> -> memref<16x50x50xf32, #tpu.memory_space<hbm>>
    tpu.enqueue_dma source(%arg4 : memref<16x50x50xf32, #tpu.memory_space<vmem>>) target(%dma_start3A_100 : memref<16x50x50xf32, #tpu.memory_space<hbm>>) target_semaphore(%arg5 : memref<!tpu.dma_semaphore, #tpu.memory_space<semaphore_mem>>)
    %dma_start3A_101 = arith.constant 11 : i32
    %dma_start3A_102 = arith.constant 0 : i32
    %dma_start3A_103 = arith.constant 0 : i32
    %dma_start3A_104 = tpu.memref_slice %arg3[%dma_start3A_101, %mul3A_2, %dma_start3A_102, %dma_start3A_103] : memref<16x512x50x50xf32, #tpu.memory_space<hbm>> -> memref<1x16x50x50xf32, #tpu.memory_space<hbm>>
    %dma_start3A_105 = tpu.memref_squeeze %dma_start3A_104 : memref<1x16x50x50xf32, #tpu.memory_space<hbm>> -> memref<16x50x50xf32, #tpu.memory_space<hbm>>
    %dma_start3A_106 = arith.constant 0 : i32
    %dma_start3A_107 = arith.constant 0 : i32
    %dma_start3A_108 = tpu.memref_slice %arg3[%dma_start3A_101, %mul3A_2, %dma_start3A_106, %dma_start3A_107] : memref<16x512x50x50xf32, #tpu.memory_space<hbm>> -> memref<1x16x50x50xf32, #tpu.memory_space<hbm>>
    %dma_start3A_109 = tpu.memref_squeeze %dma_start3A_108 : memref<1x16x50x50xf32, #tpu.memory_space<hbm>> -> memref<16x50x50xf32, #tpu.memory_space<hbm>>
    tpu.enqueue_dma source(%arg4 : memref<16x50x50xf32, #tpu.memory_space<vmem>>) target(%dma_start3A_109 : memref<16x50x50xf32, #tpu.memory_space<hbm>>) target_semaphore(%arg5 : memref<!tpu.dma_semaphore, #tpu.memory_space<semaphore_mem>>)
    %dma_start3A_110 = arith.constant 12 : i32
    %dma_start3A_111 = arith.constant 0 : i32
    %dma_start3A_112 = arith.constant 0 : i32
    %dma_start3A_113 = tpu.memref_slice %arg3[%dma_start3A_110, %mul3A_2, %dma_start3A_111, %dma_start3A_112] : memref<16x512x50x50xf32, #tpu.memory_space<hbm>> -> memref<1x16x50x50xf32, #tpu.memory_space<hbm>>
    %dma_start3A_114 = tpu.memref_squeeze %dma_start3A_113 : memref<1x16x50x50xf32, #tpu.memory_space<hbm>> -> memref<16x50x50xf32, #tpu.memory_space<hbm>>
    %dma_start3A_115 = arith.constant 0 : i32
    %dma_start3A_116 = arith.constant 0 : i32
    %dma_start3A_117 = tpu.memref_slice %arg3[%dma_start3A_110, %mul3A_2, %dma_start3A_115, %dma_start3A_116] : memref<16x512x50x50xf32, #tpu.memory_space<hbm>> -> memref<1x16x50x50xf32, #tpu.memory_space<hbm>>
    %dma_start3A_118 = tpu.memref_squeeze %dma_start3A_117 : memref<1x16x50x50xf32, #tpu.memory_space<hbm>> -> memref<16x50x50xf32, #tpu.memory_space<hbm>>
    tpu.enqueue_dma source(%arg4 : memref<16x50x50xf32, #tpu.memory_space<vmem>>) target(%dma_start3A_118 : memref<16x50x50xf32, #tpu.memory_space<hbm>>) target_semaphore(%arg5 : memref<!tpu.dma_semaphore, #tpu.memory_space<semaphore_mem>>)
    %dma_start3A_119 = arith.constant 13 : i32
    %dma_start3A_120 = arith.constant 0 : i32
    %dma_start3A_121 = arith.constant 0 : i32
    %dma_start3A_122 = tpu.memref_slice %arg3[%dma_start3A_119, %mul3A_2, %dma_start3A_120, %dma_start3A_121] : memref<16x512x50x50xf32, #tpu.memory_space<hbm>> -> memref<1x16x50x50xf32, #tpu.memory_space<hbm>>
    %dma_start3A_123 = tpu.memref_squeeze %dma_start3A_122 : memref<1x16x50x50xf32, #tpu.memory_space<hbm>> -> memref<16x50x50xf32, #tpu.memory_space<hbm>>
    %dma_start3A_124 = arith.constant 0 : i32
    %dma_start3A_125 = arith.constant 0 : i32
    %dma_start3A_126 = tpu.memref_slice %arg3[%dma_start3A_119, %mul3A_2, %dma_start3A_124, %dma_start3A_125] : memref<16x512x50x50xf32, #tpu.memory_space<hbm>> -> memref<1x16x50x50xf32, #tpu.memory_space<hbm>>
    %dma_start3A_127 = tpu.memref_squeeze %dma_start3A_126 : memref<1x16x50x50xf32, #tpu.memory_space<hbm>> -> memref<16x50x50xf32, #tpu.memory_space<hbm>>
    tpu.enqueue_dma source(%arg4 : memref<16x50x50xf32, #tpu.memory_space<vmem>>) target(%dma_start3A_127 : memref<16x50x50xf32, #tpu.memory_space<hbm>>) target_semaphore(%arg5 : memref<!tpu.dma_semaphore, #tpu.memory_space<semaphore_mem>>)
    %dma_start3A_128 = arith.constant 14 : i32
    %dma_start3A_129 = arith.constant 0 : i32
    %dma_start3A_130 = arith.constant 0 : i32
    %dma_start3A_131 = tpu.memref_slice %arg3[%dma_start3A_128, %mul3A_2, %dma_start3A_129, %dma_start3A_130] : memref<16x512x50x50xf32, #tpu.memory_space<hbm>> -> memref<1x16x50x50xf32, #tpu.memory_space<hbm>>
    %dma_start3A_132 = tpu.memref_squeeze %dma_start3A_131 : memref<1x16x50x50xf32, #tpu.memory_space<hbm>> -> memref<16x50x50xf32, #tpu.memory_space<hbm>>
    %dma_start3A_133 = arith.constant 0 : i32
    %dma_start3A_134 = arith.constant 0 : i32
    %dma_start3A_135 = tpu.memref_slice %arg3[%dma_start3A_128, %mul3A_2, %dma_start3A_133, %dma_start3A_134] : memref<16x512x50x50xf32, #tpu.memory_space<hbm>> -> memref<1x16x50x50xf32, #tpu.memory_space<hbm>>
    %dma_start3A_136 = tpu.memref_squeeze %dma_start3A_135 : memref<1x16x50x50xf32, #tpu.memory_space<hbm>> -> memref<16x50x50xf32, #tpu.memory_space<hbm>>
    tpu.enqueue_dma source(%arg4 : memref<16x50x50xf32, #tpu.memory_space<vmem>>) target(%dma_start3A_136 : memref<16x50x50xf32, #tpu.memory_space<hbm>>) target_semaphore(%arg5 : memref<!tpu.dma_semaphore, #tpu.memory_space<semaphore_mem>>)
    %dma_start3A_137 = arith.constant 15 : i32
    %dma_start3A_138 = arith.constant 0 : i32
    %dma_start3A_139 = arith.constant 0 : i32
    %dma_start3A_140 = tpu.memref_slice %arg3[%dma_start3A_137, %mul3A_2, %dma_start3A_138, %dma_start3A_139] : memref<16x512x50x50xf32, #tpu.memory_space<hbm>> -> memref<1x16x50x50xf32, #tpu.memory_space<hbm>>
    %dma_start3A_141 = tpu.memref_squeeze %dma_start3A_140 : memref<1x16x50x50xf32, #tpu.memory_space<hbm>> -> memref<16x50x50xf32, #tpu.memory_space<hbm>>
    %dma_start3A_142 = arith.constant 0 : i32
    %dma_start3A_143 = arith.constant 0 : i32
    %dma_start3A_144 = tpu.memref_slice %arg3[%dma_start3A_137, %mul3A_2, %dma_start3A_142, %dma_start3A_143] : memref<16x512x50x50xf32, #tpu.memory_space<hbm>> -> memref<1x16x50x50xf32, #tpu.memory_space<hbm>>
    %dma_start3A_145 = tpu.memref_squeeze %dma_start3A_144 : memref<1x16x50x50xf32, #tpu.memory_space<hbm>> -> memref<16x50x50xf32, #tpu.memory_space<hbm>>
    tpu.enqueue_dma source(%arg4 : memref<16x50x50xf32, #tpu.memory_space<vmem>>) target(%dma_start3A_145 : memref<16x50x50xf32, #tpu.memory_space<hbm>>) target_semaphore(%arg5 : memref<!tpu.dma_semaphore, #tpu.memory_space<semaphore_mem>>)
    %dma_wait3A = arith.constant 0 : i32
    %dma_wait3A_146 = arith.constant 0 : i32
    %dma_wait3A_147 = arith.constant 0 : i32
    %dma_wait3A_148 = tpu.memref_slice %arg3[%dma_wait3A, %mul3A_2, %dma_wait3A_146, %dma_wait3A_147] : memref<16x512x50x50xf32, #tpu.memory_space<hbm>> -> memref<1x16x50x50xf32, #tpu.memory_space<hbm>>
    %dma_wait3A_149 = tpu.memref_squeeze %dma_wait3A_148 : memref<1x16x50x50xf32, #tpu.memory_space<hbm>> -> memref<16x50x50xf32, #tpu.memory_space<hbm>>
    %dma_wait3A_150 = arith.constant 0 : i32
    %dma_wait3A_151 = arith.constant 0 : i32
    %dma_wait3A_152 = tpu.memref_slice %arg3[%dma_wait3A, %mul3A_2, %dma_wait3A_150, %dma_wait3A_151] : memref<16x512x50x50xf32, #tpu.memory_space<hbm>> -> memref<1x16x50x50xf32, #tpu.memory_space<hbm>>
    %dma_wait3A_153 = tpu.memref_squeeze %dma_wait3A_152 : memref<1x16x50x50xf32, #tpu.memory_space<hbm>> -> memref<16x50x50xf32, #tpu.memory_space<hbm>>
    tpu.wait_dma2 semaphore(%arg5 : memref<!tpu.dma_semaphore, #tpu.memory_space<semaphore_mem>>) src(%arg4 : memref<16x50x50xf32, #tpu.memory_space<vmem>>) dst(%dma_wait3A_153 : memref<16x50x50xf32, #tpu.memory_space<hbm>>)
    %dma_wait3A_154 = arith.constant 1 : i32
    %dma_wait3A_155 = arith.constant 0 : i32
    %dma_wait3A_156 = arith.constant 0 : i32
    %dma_wait3A_157 = tpu.memref_slice %arg3[%dma_wait3A_154, %mul3A_2, %dma_wait3A_155, %dma_wait3A_156] : memref<16x512x50x50xf32, #tpu.memory_space<hbm>> -> memref<1x16x50x50xf32, #tpu.memory_space<hbm>>
    %dma_wait3A_158 = tpu.memref_squeeze %dma_wait3A_157 : memref<1x16x50x50xf32, #tpu.memory_space<hbm>> -> memref<16x50x50xf32, #tpu.memory_space<hbm>>
    %dma_wait3A_159 = arith.constant 0 : i32
    %dma_wait3A_160 = arith.constant 0 : i32
    %dma_wait3A_161 = tpu.memref_slice %arg3[%dma_wait3A_154, %mul3A_2, %dma_wait3A_159, %dma_wait3A_160] : memref<16x512x50x50xf32, #tpu.memory_space<hbm>> -> memref<1x16x50x50xf32, #tpu.memory_space<hbm>>
    %dma_wait3A_162 = tpu.memref_squeeze %dma_wait3A_161 : memref<1x16x50x50xf32, #tpu.memory_space<hbm>> -> memref<16x50x50xf32, #tpu.memory_space<hbm>>
    tpu.wait_dma2 semaphore(%arg5 : memref<!tpu.dma_semaphore, #tpu.memory_space<semaphore_mem>>) src(%arg4 : memref<16x50x50xf32, #tpu.memory_space<vmem>>) dst(%dma_wait3A_162 : memref<16x50x50xf32, #tpu.memory_space<hbm>>)
    %dma_wait3A_163 = arith.constant 2 : i32
    %dma_wait3A_164 = arith.constant 0 : i32
    %dma_wait3A_165 = arith.constant 0 : i32
    %dma_wait3A_166 = tpu.memref_slice %arg3[%dma_wait3A_163, %mul3A_2, %dma_wait3A_164, %dma_wait3A_165] : memref<16x512x50x50xf32, #tpu.memory_space<hbm>> -> memref<1x16x50x50xf32, #tpu.memory_space<hbm>>
    %dma_wait3A_167 = tpu.memref_squeeze %dma_wait3A_166 : memref<1x16x50x50xf32, #tpu.memory_space<hbm>> -> memref<16x50x50xf32, #tpu.memory_space<hbm>>
    %dma_wait3A_168 = arith.constant 0 : i32
    %dma_wait3A_169 = arith.constant 0 : i32
    %dma_wait3A_170 = tpu.memref_slice %arg3[%dma_wait3A_163, %mul3A_2, %dma_wait3A_168, %dma_wait3A_169] : memref<16x512x50x50xf32, #tpu.memory_space<hbm>> -> memref<1x16x50x50xf32, #tpu.memory_space<hbm>>
    %dma_wait3A_171 = tpu.memref_squeeze %dma_wait3A_170 : memref<1x16x50x50xf32, #tpu.memory_space<hbm>> -> memref<16x50x50xf32, #tpu.memory_space<hbm>>
    tpu.wait_dma2 semaphore(%arg5 : memref<!tpu.dma_semaphore, #tpu.memory_space<semaphore_mem>>) src(%arg4 : memref<16x50x50xf32, #tpu.memory_space<vmem>>) dst(%dma_wait3A_171 : memref<16x50x50xf32, #tpu.memory_space<hbm>>)
    %dma_wait3A_172 = arith.constant 3 : i32
    %dma_wait3A_173 = arith.constant 0 : i32
    %dma_wait3A_174 = arith.constant 0 : i32
    %dma_wait3A_175 = tpu.memref_slice %arg3[%dma_wait3A_172, %mul3A_2, %dma_wait3A_173, %dma_wait3A_174] : memref<16x512x50x50xf32, #tpu.memory_space<hbm>> -> memref<1x16x50x50xf32, #tpu.memory_space<hbm>>
    %dma_wait3A_176 = tpu.memref_squeeze %dma_wait3A_175 : memref<1x16x50x50xf32, #tpu.memory_space<hbm>> -> memref<16x50x50xf32, #tpu.memory_space<hbm>>
    %dma_wait3A_177 = arith.constant 0 : i32
    %dma_wait3A_178 = arith.constant 0 : i32
    %dma_wait3A_179 = tpu.memref_slice %arg3[%dma_wait3A_172, %mul3A_2, %dma_wait3A_177, %dma_wait3A_178] : memref<16x512x50x50xf32, #tpu.memory_space<hbm>> -> memref<1x16x50x50xf32, #tpu.memory_space<hbm>>
    %dma_wait3A_180 = tpu.memref_squeeze %dma_wait3A_179 : memref<1x16x50x50xf32, #tpu.memory_space<hbm>> -> memref<16x50x50xf32, #tpu.memory_space<hbm>>
    tpu.wait_dma2 semaphore(%arg5 : memref<!tpu.dma_semaphore, #tpu.memory_space<semaphore_mem>>) src(%arg4 : memref<16x50x50xf32, #tpu.memory_space<vmem>>) dst(%dma_wait3A_180 : memref<16x50x50xf32, #tpu.memory_space<hbm>>)
    %dma_wait3A_181 = arith.constant 4 : i32
    %dma_wait3A_182 = arith.constant 0 : i32
    %dma_wait3A_183 = arith.constant 0 : i32
    %dma_wait3A_184 = tpu.memref_slice %arg3[%dma_wait3A_181, %mul3A_2, %dma_wait3A_182, %dma_wait3A_183] : memref<16x512x50x50xf32, #tpu.memory_space<hbm>> -> memref<1x16x50x50xf32, #tpu.memory_space<hbm>>
    %dma_wait3A_185 = tpu.memref_squeeze %dma_wait3A_184 : memref<1x16x50x50xf32, #tpu.memory_space<hbm>> -> memref<16x50x50xf32, #tpu.memory_space<hbm>>
    %dma_wait3A_186 = arith.constant 0 : i32
    %dma_wait3A_187 = arith.constant 0 : i32
    %dma_wait3A_188 = tpu.memref_slice %arg3[%dma_wait3A_181, %mul3A_2, %dma_wait3A_186, %dma_wait3A_187] : memref<16x512x50x50xf32, #tpu.memory_space<hbm>> -> memref<1x16x50x50xf32, #tpu.memory_space<hbm>>
    %dma_wait3A_189 = tpu.memref_squeeze %dma_wait3A_188 : memref<1x16x50x50xf32, #tpu.memory_space<hbm>> -> memref<16x50x50xf32, #tpu.memory_space<hbm>>
    tpu.wait_dma2 semaphore(%arg5 : memref<!tpu.dma_semaphore, #tpu.memory_space<semaphore_mem>>) src(%arg4 : memref<16x50x50xf32, #tpu.memory_space<vmem>>) dst(%dma_wait3A_189 : memref<16x50x50xf32, #tpu.memory_space<hbm>>)
    %dma_wait3A_190 = arith.constant 5 : i32
    %dma_wait3A_191 = arith.constant 0 : i32
    %dma_wait3A_192 = arith.constant 0 : i32
    %dma_wait3A_193 = tpu.memref_slice %arg3[%dma_wait3A_190, %mul3A_2, %dma_wait3A_191, %dma_wait3A_192] : memref<16x512x50x50xf32, #tpu.memory_space<hbm>> -> memref<1x16x50x50xf32, #tpu.memory_space<hbm>>
    %dma_wait3A_194 = tpu.memref_squeeze %dma_wait3A_193 : memref<1x16x50x50xf32, #tpu.memory_space<hbm>> -> memref<16x50x50xf32, #tpu.memory_space<hbm>>
    %dma_wait3A_195 = arith.constant 0 : i32
    %dma_wait3A_196 = arith.constant 0 : i32
    %dma_wait3A_197 = tpu.memref_slice %arg3[%dma_wait3A_190, %mul3A_2, %dma_wait3A_195, %dma_wait3A_196] : memref<16x512x50x50xf32, #tpu.memory_space<hbm>> -> memref<1x16x50x50xf32, #tpu.memory_space<hbm>>
    %dma_wait3A_198 = tpu.memref_squeeze %dma_wait3A_197 : memref<1x16x50x50xf32, #tpu.memory_space<hbm>> -> memref<16x50x50xf32, #tpu.memory_space<hbm>>
    tpu.wait_dma2 semaphore(%arg5 : memref<!tpu.dma_semaphore, #tpu.memory_space<semaphore_mem>>) src(%arg4 : memref<16x50x50xf32, #tpu.memory_space<vmem>>) dst(%dma_wait3A_198 : memref<16x50x50xf32, #tpu.memory_space<hbm>>)
    %dma_wait3A_199 = arith.constant 6 : i32
    %dma_wait3A_200 = arith.constant 0 : i32
    %dma_wait3A_201 = arith.constant 0 : i32
    %dma_wait3A_202 = tpu.memref_slice %arg3[%dma_wait3A_199, %mul3A_2, %dma_wait3A_200, %dma_wait3A_201] : memref<16x512x50x50xf32, #tpu.memory_space<hbm>> -> memref<1x16x50x50xf32, #tpu.memory_space<hbm>>
    %dma_wait3A_203 = tpu.memref_squeeze %dma_wait3A_202 : memref<1x16x50x50xf32, #tpu.memory_space<hbm>> -> memref<16x50x50xf32, #tpu.memory_space<hbm>>
    %dma_wait3A_204 = arith.constant 0 : i32
    %dma_wait3A_205 = arith.constant 0 : i32
    %dma_wait3A_206 = tpu.memref_slice %arg3[%dma_wait3A_199, %mul3A_2, %dma_wait3A_204, %dma_wait3A_205] : memref<16x512x50x50xf32, #tpu.memory_space<hbm>> -> memref<1x16x50x50xf32, #tpu.memory_space<hbm>>
    %dma_wait3A_207 = tpu.memref_squeeze %dma_wait3A_206 : memref<1x16x50x50xf32, #tpu.memory_space<hbm>> -> memref<16x50x50xf32, #tpu.memory_space<hbm>>
    tpu.wait_dma2 semaphore(%arg5 : memref<!tpu.dma_semaphore, #tpu.memory_space<semaphore_mem>>) src(%arg4 : memref<16x50x50xf32, #tpu.memory_space<vmem>>) dst(%dma_wait3A_207 : memref<16x50x50xf32, #tpu.memory_space<hbm>>)
    %dma_wait3A_208 = arith.constant 7 : i32
    %dma_wait3A_209 = arith.constant 0 : i32
    %dma_wait3A_210 = arith.constant 0 : i32
    %dma_wait3A_211 = tpu.memref_slice %arg3[%dma_wait3A_208, %mul3A_2, %dma_wait3A_209, %dma_wait3A_210] : memref<16x512x50x50xf32, #tpu.memory_space<hbm>> -> memref<1x16x50x50xf32, #tpu.memory_space<hbm>>
    %dma_wait3A_212 = tpu.memref_squeeze %dma_wait3A_211 : memref<1x16x50x50xf32, #tpu.memory_space<hbm>> -> memref<16x50x50xf32, #tpu.memory_space<hbm>>
    %dma_wait3A_213 = arith.constant 0 : i32
    %dma_wait3A_214 = arith.constant 0 : i32
    %dma_wait3A_215 = tpu.memref_slice %arg3[%dma_wait3A_208, %mul3A_2, %dma_wait3A_213, %dma_wait3A_214] : memref<16x512x50x50xf32, #tpu.memory_space<hbm>> -> memref<1x16x50x50xf32, #tpu.memory_space<hbm>>
    %dma_wait3A_216 = tpu.memref_squeeze %dma_wait3A_215 : memref<1x16x50x50xf32, #tpu.memory_space<hbm>> -> memref<16x50x50xf32, #tpu.memory_space<hbm>>
    tpu.wait_dma2 semaphore(%arg5 : memref<!tpu.dma_semaphore, #tpu.memory_space<semaphore_mem>>) src(%arg4 : memref<16x50x50xf32, #tpu.memory_space<vmem>>) dst(%dma_wait3A_216 : memref<16x50x50xf32, #tpu.memory_space<hbm>>)
    %dma_wait3A_217 = arith.constant 8 : i32
    %dma_wait3A_218 = arith.constant 0 : i32
    %dma_wait3A_219 = arith.constant 0 : i32
    %dma_wait3A_220 = tpu.memref_slice %arg3[%dma_wait3A_217, %mul3A_2, %dma_wait3A_218, %dma_wait3A_219] : memref<16x512x50x50xf32, #tpu.memory_space<hbm>> -> memref<1x16x50x50xf32, #tpu.memory_space<hbm>>
    %dma_wait3A_221 = tpu.memref_squeeze %dma_wait3A_220 : memref<1x16x50x50xf32, #tpu.memory_space<hbm>> -> memref<16x50x50xf32, #tpu.memory_space<hbm>>
    %dma_wait3A_222 = arith.constant 0 : i32
    %dma_wait3A_223 = arith.constant 0 : i32
    %dma_wait3A_224 = tpu.memref_slice %arg3[%dma_wait3A_217, %mul3A_2, %dma_wait3A_222, %dma_wait3A_223] : memref<16x512x50x50xf32, #tpu.memory_space<hbm>> -> memref<1x16x50x50xf32, #tpu.memory_space<hbm>>
    %dma_wait3A_225 = tpu.memref_squeeze %dma_wait3A_224 : memref<1x16x50x50xf32, #tpu.memory_space<hbm>> -> memref<16x50x50xf32, #tpu.memory_space<hbm>>
    tpu.wait_dma2 semaphore(%arg5 : memref<!tpu.dma_semaphore, #tpu.memory_space<semaphore_mem>>) src(%arg4 : memref<16x50x50xf32, #tpu.memory_space<vmem>>) dst(%dma_wait3A_225 : memref<16x50x50xf32, #tpu.memory_space<hbm>>)
    %dma_wait3A_226 = arith.constant 9 : i32
    %dma_wait3A_227 = arith.constant 0 : i32
    %dma_wait3A_228 = arith.constant 0 : i32
    %dma_wait3A_229 = tpu.memref_slice %arg3[%dma_wait3A_226, %mul3A_2, %dma_wait3A_227, %dma_wait3A_228] : memref<16x512x50x50xf32, #tpu.memory_space<hbm>> -> memref<1x16x50x50xf32, #tpu.memory_space<hbm>>
    %dma_wait3A_230 = tpu.memref_squeeze %dma_wait3A_229 : memref<1x16x50x50xf32, #tpu.memory_space<hbm>> -> memref<16x50x50xf32, #tpu.memory_space<hbm>>
    %dma_wait3A_231 = arith.constant 0 : i32
    %dma_wait3A_232 = arith.constant 0 : i32
    %dma_wait3A_233 = tpu.memref_slice %arg3[%dma_wait3A_226, %mul3A_2, %dma_wait3A_231, %dma_wait3A_232] : memref<16x512x50x50xf32, #tpu.memory_space<hbm>> -> memref<1x16x50x50xf32, #tpu.memory_space<hbm>>
    %dma_wait3A_234 = tpu.memref_squeeze %dma_wait3A_233 : memref<1x16x50x50xf32, #tpu.memory_space<hbm>> -> memref<16x50x50xf32, #tpu.memory_space<hbm>>
    tpu.wait_dma2 semaphore(%arg5 : memref<!tpu.dma_semaphore, #tpu.memory_space<semaphore_mem>>) src(%arg4 : memref<16x50x50xf32, #tpu.memory_space<vmem>>) dst(%dma_wait3A_234 : memref<16x50x50xf32, #tpu.memory_space<hbm>>)
    %dma_wait3A_235 = arith.constant 10 : i32
    %dma_wait3A_236 = arith.constant 0 : i32
    %dma_wait3A_237 = arith.constant 0 : i32
    %dma_wait3A_238 = tpu.memref_slice %arg3[%dma_wait3A_235, %mul3A_2, %dma_wait3A_236, %dma_wait3A_237] : memref<16x512x50x50xf32, #tpu.memory_space<hbm>> -> memref<1x16x50x50xf32, #tpu.memory_space<hbm>>
    %dma_wait3A_239 = tpu.memref_squeeze %dma_wait3A_238 : memref<1x16x50x50xf32, #tpu.memory_space<hbm>> -> memref<16x50x50xf32, #tpu.memory_space<hbm>>
    %dma_wait3A_240 = arith.constant 0 : i32
    %dma_wait3A_241 = arith.constant 0 : i32
    %dma_wait3A_242 = tpu.memref_slice %arg3[%dma_wait3A_235, %mul3A_2, %dma_wait3A_240, %dma_wait3A_241] : memref<16x512x50x50xf32, #tpu.memory_space<hbm>> -> memref<1x16x50x50xf32, #tpu.memory_space<hbm>>
    %dma_wait3A_243 = tpu.memref_squeeze %dma_wait3A_242 : memref<1x16x50x50xf32, #tpu.memory_space<hbm>> -> memref<16x50x50xf32, #tpu.memory_space<hbm>>
    tpu.wait_dma2 semaphore(%arg5 : memref<!tpu.dma_semaphore, #tpu.memory_space<semaphore_mem>>) src(%arg4 : memref<16x50x50xf32, #tpu.memory_space<vmem>>) dst(%dma_wait3A_243 : memref<16x50x50xf32, #tpu.memory_space<hbm>>)
    %dma_wait3A_244 = arith.constant 11 : i32
    %dma_wait3A_245 = arith.constant 0 : i32
    %dma_wait3A_246 = arith.constant 0 : i32
    %dma_wait3A_247 = tpu.memref_slice %arg3[%dma_wait3A_244, %mul3A_2, %dma_wait3A_245, %dma_wait3A_246] : memref<16x512x50x50xf32, #tpu.memory_space<hbm>> -> memref<1x16x50x50xf32, #tpu.memory_space<hbm>>
    %dma_wait3A_248 = tpu.memref_squeeze %dma_wait3A_247 : memref<1x16x50x50xf32, #tpu.memory_space<hbm>> -> memref<16x50x50xf32, #tpu.memory_space<hbm>>
    %dma_wait3A_249 = arith.constant 0 : i32
    %dma_wait3A_250 = arith.constant 0 : i32
    %dma_wait3A_251 = tpu.memref_slice %arg3[%dma_wait3A_244, %mul3A_2, %dma_wait3A_249, %dma_wait3A_250] : memref<16x512x50x50xf32, #tpu.memory_space<hbm>> -> memref<1x16x50x50xf32, #tpu.memory_space<hbm>>
    %dma_wait3A_252 = tpu.memref_squeeze %dma_wait3A_251 : memref<1x16x50x50xf32, #tpu.memory_space<hbm>> -> memref<16x50x50xf32, #tpu.memory_space<hbm>>
    tpu.wait_dma2 semaphore(%arg5 : memref<!tpu.dma_semaphore, #tpu.memory_space<semaphore_mem>>) src(%arg4 : memref<16x50x50xf32, #tpu.memory_space<vmem>>) dst(%dma_wait3A_252 : memref<16x50x50xf32, #tpu.memory_space<hbm>>)
    %dma_wait3A_253 = arith.constant 12 : i32
    %dma_wait3A_254 = arith.constant 0 : i32
    %dma_wait3A_255 = arith.constant 0 : i32
    %dma_wait3A_256 = tpu.memref_slice %arg3[%dma_wait3A_253, %mul3A_2, %dma_wait3A_254, %dma_wait3A_255] : memref<16x512x50x50xf32, #tpu.memory_space<hbm>> -> memref<1x16x50x50xf32, #tpu.memory_space<hbm>>
    %dma_wait3A_257 = tpu.memref_squeeze %dma_wait3A_256 : memref<1x16x50x50xf32, #tpu.memory_space<hbm>> -> memref<16x50x50xf32, #tpu.memory_space<hbm>>
    %dma_wait3A_258 = arith.constant 0 : i32
    %dma_wait3A_259 = arith.constant 0 : i32
    %dma_wait3A_260 = tpu.memref_slice %arg3[%dma_wait3A_253, %mul3A_2, %dma_wait3A_258, %dma_wait3A_259] : memref<16x512x50x50xf32, #tpu.memory_space<hbm>> -> memref<1x16x50x50xf32, #tpu.memory_space<hbm>>
    %dma_wait3A_261 = tpu.memref_squeeze %dma_wait3A_260 : memref<1x16x50x50xf32, #tpu.memory_space<hbm>> -> memref<16x50x50xf32, #tpu.memory_space<hbm>>
    tpu.wait_dma2 semaphore(%arg5 : memref<!tpu.dma_semaphore, #tpu.memory_space<semaphore_mem>>) src(%arg4 : memref<16x50x50xf32, #tpu.memory_space<vmem>>) dst(%dma_wait3A_261 : memref<16x50x50xf32, #tpu.memory_space<hbm>>)
    %dma_wait3A_262 = arith.constant 13 : i32
    %dma_wait3A_263 = arith.constant 0 : i32
    %dma_wait3A_264 = arith.constant 0 : i32
    %dma_wait3A_265 = tpu.memref_slice %arg3[%dma_wait3A_262, %mul3A_2, %dma_wait3A_263, %dma_wait3A_264] : memref<16x512x50x50xf32, #tpu.memory_space<hbm>> -> memref<1x16x50x50xf32, #tpu.memory_space<hbm>>
    %dma_wait3A_266 = tpu.memref_squeeze %dma_wait3A_265 : memref<1x16x50x50xf32, #tpu.memory_space<hbm>> -> memref<16x50x50xf32, #tpu.memory_space<hbm>>
    %dma_wait3A_267 = arith.constant 0 : i32
    %dma_wait3A_268 = arith.constant 0 : i32
    %dma_wait3A_269 = tpu.memref_slice %arg3[%dma_wait3A_262, %mul3A_2, %dma_wait3A_267, %dma_wait3A_268] : memref<16x512x50x50xf32, #tpu.memory_space<hbm>> -> memref<1x16x50x50xf32, #tpu.memory_space<hbm>>
    %dma_wait3A_270 = tpu.memref_squeeze %dma_wait3A_269 : memref<1x16x50x50xf32, #tpu.memory_space<hbm>> -> memref<16x50x50xf32, #tpu.memory_space<hbm>>
    tpu.wait_dma2 semaphore(%arg5 : memref<!tpu.dma_semaphore, #tpu.memory_space<semaphore_mem>>) src(%arg4 : memref<16x50x50xf32, #tpu.memory_space<vmem>>) dst(%dma_wait3A_270 : memref<16x50x50xf32, #tpu.memory_space<hbm>>)
    %dma_wait3A_271 = arith.constant 14 : i32
    %dma_wait3A_272 = arith.constant 0 : i32
    %dma_wait3A_273 = arith.constant 0 : i32
    %dma_wait3A_274 = tpu.memref_slice %arg3[%dma_wait3A_271, %mul3A_2, %dma_wait3A_272, %dma_wait3A_273] : memref<16x512x50x50xf32, #tpu.memory_space<hbm>> -> memref<1x16x50x50xf32, #tpu.memory_space<hbm>>
    %dma_wait3A_275 = tpu.memref_squeeze %dma_wait3A_274 : memref<1x16x50x50xf32, #tpu.memory_space<hbm>> -> memref<16x50x50xf32, #tpu.memory_space<hbm>>
    %dma_wait3A_276 = arith.constant 0 : i32
    %dma_wait3A_277 = arith.constant 0 : i32
    %dma_wait3A_278 = tpu.memref_slice %arg3[%dma_wait3A_271, %mul3A_2, %dma_wait3A_276, %dma_wait3A_277] : memref<16x512x50x50xf32, #tpu.memory_space<hbm>> -> memref<1x16x50x50xf32, #tpu.memory_space<hbm>>
    %dma_wait3A_279 = tpu.memref_squeeze %dma_wait3A_278 : memref<1x16x50x50xf32, #tpu.memory_space<hbm>> -> memref<16x50x50xf32, #tpu.memory_space<hbm>>
    tpu.wait_dma2 semaphore(%arg5 : memref<!tpu.dma_semaphore, #tpu.memory_space<semaphore_mem>>) src(%arg4 : memref<16x50x50xf32, #tpu.memory_space<vmem>>) dst(%dma_wait3A_279 : memref<16x50x50xf32, #tpu.memory_space<hbm>>)
    %dma_wait3A_280 = arith.constant 15 : i32
    %dma_wait3A_281 = arith.constant 0 : i32
    %dma_wait3A_282 = arith.constant 0 : i32
    %dma_wait3A_283 = tpu.memref_slice %arg3[%dma_wait3A_280, %mul3A_2, %dma_wait3A_281, %dma_wait3A_282] : memref<16x512x50x50xf32, #tpu.memory_space<hbm>> -> memref<1x16x50x50xf32, #tpu.memory_space<hbm>>
    %dma_wait3A_284 = tpu.memref_squeeze %dma_wait3A_283 : memref<1x16x50x50xf32, #tpu.memory_space<hbm>> -> memref<16x50x50xf32, #tpu.memory_space<hbm>>
    %dma_wait3A_285 = arith.constant 0 : i32
    %dma_wait3A_286 = arith.constant 0 : i32
    %dma_wait3A_287 = tpu.memref_slice %arg3[%dma_wait3A_280, %mul3A_2, %dma_wait3A_285, %dma_wait3A_286] : memref<16x512x50x50xf32, #tpu.memory_space<hbm>> -> memref<1x16x50x50xf32, #tpu.memory_space<hbm>>
    %dma_wait3A_288 = tpu.memref_squeeze %dma_wait3A_287 : memref<1x16x50x50xf32, #tpu.memory_space<hbm>> -> memref<16x50x50xf32, #tpu.memory_space<hbm>>
    tpu.wait_dma2 semaphore(%arg5 : memref<!tpu.dma_semaphore, #tpu.memory_space<semaphore_mem>>) src(%arg4 : memref<16x50x50xf32, #tpu.memory_space<vmem>>) dst(%dma_wait3A_288 : memref<16x50x50xf32, #tpu.memory_space<hbm>>)
    return
  }
}

module attributes {stable_mosaic.version = 14 : i64} {
  func.func @_slab_body(%arg0: memref<50x256xf32, #tpu.memory_space<vmem>>, %arg1: memref<50x256xf32, #tpu.memory_space<vmem>>, %arg2: memref<512x50x50xf32, #tpu.memory_space<vmem>>) attributes {dimension_semantics = [], scalar_prefetch = 0 : i64, scratch_operands = 0 : i64, tpu.core_type = #tpu.core_type<tc>} {
    %get3A = arith.constant 0 : index
    %get3A_0 = arith.constant 0 : index
    %get3A_1 = vector.load %arg0[%get3A, %get3A_0] : memref<50x256xf32, #tpu.memory_space<vmem>>, vector<50x256xf32>
    %transpose3A = tpu.transpose %get3A_1, [1, 0] : vector<50x256xf32> -> vector<256x50xf32>
    %get3A_2 = arith.constant 0 : index
    %get3A_3 = arith.constant 0 : index
    %get3A_4 = vector.load %arg1[%get3A_2, %get3A_3] : memref<50x256xf32, #tpu.memory_space<vmem>>, vector<50x256xf32>
    %transpose3A_5 = tpu.transpose %get3A_4, [1, 0] : vector<50x256xf32> -> vector<256x50xf32>
    %broadcast_in_dim3A = vector.shape_cast %transpose3A : vector<256x50xf32> to vector<256x1x50xf32>
    %broadcast_in_dim3A_6 = vector.shape_cast %broadcast_in_dim3A : vector<256x1x50xf32> to vector<256x1x50xf32>
    %broadcast_in_dim3A_7 = vector.broadcast %broadcast_in_dim3A_6 : vector<256x1x50xf32> to vector<256x50x50xf32>
    %swap3A = arith.constant 0 : index
    %swap3A_8 = arith.constant 0 : index
    %swap3A_9 = arith.constant 0 : index
    %swap3A_10 = vector.load %arg2[%swap3A, %swap3A_8, %swap3A_9] : memref<512x50x50xf32, #tpu.memory_space<vmem>>, vector<256x50x50xf32>
    tpu.vector_store %arg2[%swap3A, %swap3A_8, %swap3A_9], %broadcast_in_dim3A_7 {strides = array<i32>} : memref<512x50x50xf32, #tpu.memory_space<vmem>>, vector<256x50x50xf32>,
    %broadcast_in_dim3A_11 = vector.shape_cast %transpose3A_5 : vector<256x50xf32> to vector<256x50x1xf32>
    %broadcast_in_dim3A_12 = vector.shape_cast %broadcast_in_dim3A_11 : vector<256x50x1xf32> to vector<256x50x1xf32>
    %broadcast_in_dim3A_13 = vector.broadcast %broadcast_in_dim3A_12 : vector<256x50x1xf32> to vector<256x50x50xf32>
    %swap3A_14 = arith.constant 256 : index
    %swap3A_15 = arith.constant 0 : index
    %swap3A_16 = arith.constant 0 : index
    %swap3A_17 = vector.load %arg2[%swap3A_14, %swap3A_15, %swap3A_16] : memref<512x50x50xf32, #tpu.memory_space<vmem>>, vector<256x50x50xf32>
    tpu.vector_store %arg2[%swap3A_14, %swap3A_15, %swap3A_16], %broadcast_in_dim3A_13 {strides = array<i32>} : memref<512x50x50xf32, #tpu.memory_space<vmem>>, vector<256x50x50xf32>,
    return
  }
}

</mosaic_0001>

<sc_bundles>
// kernel: kernel.4.cloned.1.call-start
scs
__scs_entry_jumppad:
0x0: {  	(pc) =	sbr.rel $0x88, $3  }
0x1: {  	(tag) =	ssettag $0x0;
	lr =	simm.s32 $0x1  }
0x2: {  	[smem:$0x3F9F] =	sst lr;
	_ =	strace $0xD0000000  }
0x3: {  	_ = 	snop  }
0x4: {  	_ = 	snop  }
0x5: {  	_ = 	snop  }
0x6: {  	_ = 	snop  }
0x7: {  	_ = 	snop  }
__scs_overlays_trampoline_lowered:
0x8: {  	[smem:$0x3FAE] =	sst s0  }
0x9: {  	[smem:$0x3FAF] =	sst s1  }
0xa: {  	[smem:$0x3FB0] =	sst s2  }
0xb: {  	[smem:$0x3FB1] =	sst s3  }
0xc: {  	[smem:$0x3FB2] =	sst s4  }
0xd: {  	[smem:$0x3FB3] =	sst s5  }
0xe: {  	[smem:$0x3FB4] =	sst s6  }
0xf: {  	[smem:$0x3FB5] =	sst s7  }
0x10: {  	[smem:$0x3FB6] =	sst s8  }
0x11: {  	[smem:$0x3FB7] =	sst s9;
	s0 =	simm.s32 @!p0 $0x0  }
0x12: {  	s1 =	sld [smem:$0x3F9D];
	s0 =	simm.s32 @p0 $0x1  }
0x13: {  	[smem:$0x3FB8] =	sst s0;
	s0 =	simm.s32 @!p1 $0x0  }
0x14: {  	s2 =	sld [smem:$0x3F9C];
	s0 =	simm.s32 @p1 $0x1  }
0x15: {  	[smem:$0x3FB9] =	sst s0;
	s0 =	simm.s32 @!p2 $0x0  }
0x16: {  	s3 =	sld [smem:$0x3FDB];
	s0 =	simm.s32 @p2 $0x1  }
0x17: {  	s4 =	simm.s32 $0x1BF5;
	[smem:$0x3FBB] =	sst s0  }
0x18: {  	s0 =	sld [smem:$0x3F9E];
	_ =	swait.ge [sflag:s4], $0x0  }
0x19: {  	s7 =	sld [smem:$0x3F9F]  }
0x1a: {  	s8 =	sadd.s32 $0xFFFFE003, lr  }
0x1b: {  	s9 =	sadd.s32 $0xFFFFFEF7, lr;
	s5 =	simm.s32 $0xFFFFFFFF;
	p2 =	slt.u32 s8, $0xFFFFF086  }
0x1c: {  	p1 =	slt.u32 s9, $0xF7A;
	s5 =	simm.s32 @!p2 $0x0  }
0x1d: {  	s5 =	simm.s32 @p1 $0x1;
	p0 =	seq.s32 s7, s2  }
0x1e: {  	s7 =	smul.u32 @!p0 $0xF7A, s2;
	p2 =	seq.s32 @!p0 s5, $0x0  }
0x1f: {  	s9 =	smul.u32 $0xF7A, s1;
	s8 =	simm.s32 @!p0 $0x1BF5;
	p2 =	por !p2, p0  }
0x20: {  	[sflag:s8] =	ssyncset.s32 @!p0 $0xFFFFF086;
	s6 =	sadd.s32 @!p0 s3, s7;
	s7 =	simm.s32 @!p0 $0x108  }
0x21: {  	s3 =	sadd.s32 s3, s9;
	s6 =	sadd.s32 @!p0 $0x88, s6;
	s7 =	simm.s32 @p2 $0x1082  }
0x22: {  	[simem:s7], [sflag:s8] =	dma.local @!p0 [hbm:s6], $0xF7A  }
0x23: {  	s9 =	sor.u32 $0xD0000000, s2;
	s6 =	simm.s32 $0x108;
	_ =	swait.ge @!p0 [sflag:s8], $0x0  }
0x24: {  	s3 =	sadd.s32 $0x88, s3;
	s6 =	simm.s32 @!p1 $0x1082;
	[sflag:s4] =	ssyncset.s32 $0xFFFFF086  }
0x25: {  	[simem:s6], [sflag:s4] =	dma.local [hbm:s3], $0xF7A  }
0x26: {  	[smem:$0x3F9F] =	sst s1;
	(tag) =	ssettag s2;
	_ =	strace s9  }
0x27: {  	s1 =	sld [smem:$0x3FAF]  }
0x28: {  	s2 =	sld [smem:$0x3FB0]  }
0x29: {  	s4 =	sld [smem:$0x3FB2]  }
0x2a: {  	p0 =	seq.s32 s5, $0x0;
	s5 =	sld [smem:$0x3FB3]  }
0x2b: {  	s6 =	sld [smem:$0x3FB4]  }
0x2c: {  	s7 =	sld [smem:$0x3FB5]  }
0x2d: {  	s3 =	simm.s32 $0x108;
	s8 =	sld [smem:$0x3FB6]  }
0x2e: {  	s3 =	simm.s32 @!p0 $0x1082;
	s9 =	sld [smem:$0x3FB7]  }
0x2f: {  	lr =	sadd.s32 s0, s3;
	s0 =	sld [smem:$0x3FAE]  }
0x30: {  	s3 =	sld [smem:$0x3FB1]  }
0x31: {  	[smem:$0x3FBA] =	sst s10  }
0x32: {  	s10 =	sld [smem:$0x3FB8];
	_ =	sdelay $0x3  }
0x33: {  	p0 =	seq.s32 s10, $0x1;
	s10 =	sld [smem:$0x3FBA];
	_ =	sdelay $0x3  }
0x34: {  	[smem:$0x3FBA] =	sst s10  }
0x35: {  	s10 =	sld [smem:$0x3FB9];
	_ =	sdelay $0x3  }
0x36: {  	p1 =	seq.s32 s10, $0x1;
	s10 =	sld [smem:$0x3FBA];
	_ =	sdelay $0x3  }
0x37: {  	[smem:$0x3FBA] =	sst s10  }
0x38: {  	s10 =	sld [smem:$0x3FBB]  }
0x39: {  	_ = 	snop;
	(pc) =	sbr.ind lr, $3  }
0x3a: {  	_ = 	snop  }
0x3b: {  	_ = 	snop  }
0x3c: {  	p2 =	seq.s32 s10, $0x1;
	s10 =	sld [smem:$0x3FBA]  }
0x3d: {  	_ =	shalt  }
0x3e: {  	_ =	shalt  }
0x3f: {  	_ =	shalt  }
0x40: {  	_ =	shalt  }
0x41: {  	_ =	shalt  }
0x42: {  	_ =	shalt  }
0x43: {  	_ =	shalt  }
0x44: {  	_ =	shalt  }
0x45: {  	_ =	shalt  }
0x46: {  	_ =	shalt  }
0x47: {  	_ =	shalt  }
0x48: {  	_ =	shalt  }
0x49: {  	_ =	shalt  }
0x4a: {  	_ =	shalt  }
0x4b: {  	_ =	shalt  }
0x4c: {  	_ =	shalt  }
0x4d: {  	_ =	shalt  }
0x4e: {  	_ =	shalt  }
0x4f: {  	_ =	shalt  }
0x50: {  	_ =	shalt  }
0x51: {  	_ =	shalt  }
0x52: {  	_ =	shalt  }
0x53: {  	_ =	shalt  }
0x54: {  	_ =	shalt  }
0x55: {  	_ =	shalt  }
0x56: {  	_ =	shalt  }
0x57: {  	_ =	shalt  }
0x58: {  	_ =	shalt  }
0x59: {  	_ =	shalt  }
0x5a: {  	_ =	shalt  }
0x5b: {  	_ =	shalt  }
0x5c: {  	_ =	shalt  }
0x5d: {  	_ =	shalt  }
0x5e: {  	_ =	shalt  }
0x5f: {  	_ =	shalt  }
0x60: {  	_ =	shalt  }
0x61: {  	_ =	shalt  }
0x62: {  	_ =	shalt  }
0x63: {  	_ =	shalt  }
0x64: {  	_ =	shalt  }
0x65: {  	_ =	shalt  }
0x66: {  	_ =	shalt  }
0x67: {  	_ =	shalt  }
0x68: {  	_ =	shalt  }
0x69: {  	_ =	shalt  }
0x6a: {  	_ =	shalt  }
0x6b: {  	_ =	shalt  }
0x6c: {  	_ =	shalt  }
0x6d: {  	_ =	shalt  }
0x6e: {  	_ =	shalt  }
0x6f: {  	_ =	shalt  }
0x70: {  	_ =	shalt  }
0x71: {  	_ =	shalt  }
0x72: {  	_ =	shalt  }
0x73: {  	_ =	shalt  }
0x74: {  	_ =	shalt  }
0x75: {  	_ =	shalt  }
0x76: {  	_ =	shalt  }
0x77: {  	_ =	shalt  }
0x78: {  	_ =	shalt  }
0x79: {  	_ =	shalt  }
0x7a: {  	_ =	shalt  }
0x7b: {  	_ =	shalt  }
0x7c: {  	_ =	shalt  }
0x7d: {  	_ =	shalt  }
0x7e: {  	_ =	shalt  }
0x7f: {  	_ =	shalt  }
0x80: {  	_ =	shalt  }
0x81: {  	_ =	shalt  }
0x82: {  	_ =	shalt  }
0x83: {  	_ =	shalt  }
0x84: {  	_ =	shalt  }
0x85: {  	_ =	shalt  }
0x86: {  	_ =	shalt  }
0x87: {  	_ =	shalt  }
.Lfunc_end0:
.L_simem_size_0:
called_computation_lowered:
.L_overlay_start_0:
0x88: {  	s2 =	sld [smem:$0x3FD9]  }
0x89: {  	s3 =	sld [smem:$0x3FFE];
	_ =	sdelay $0x1  }
0x8a: {  	s1 =	srdreg.scid  }
0x8b: {  	s0 =	sand.u32 $0x1, s1  }
0x8c: {  	s17 =	sshll.u32 s0, $0xA;
	s2 =	sadd.s32 s3, s2  }
0x8d: {  	s2 =	sadd.s32 s2, s17  }
0x8e: {  	[smem:$0x3FC6] =	sst s2  }
0x8f: {  	_ = 	snop  }
0x90: {  	s2 =	sld [smem:$0x3FD0];
	(tm) =	ssettm $0x1  }
0x91: {  	s18 =	sld [smem:$0x3FFB];
	_ =	sdelay $0x3  }
0x92: {  	_ =	strace s18  }
0x93: {  	s3 =	sld [smem:$0x3FFC];
	_ =	sdelay $0x3  }
0x94: {  	_ =	strace s3  }
0x95: {  	s3 =	sld [smem:$0x3FFD];
	_ =	sdelay $0x3  }
0x96: {  	_ =	strace s3  }
0x97: {  	_ =	strace $0x8FFFFFFF  }
0x98: {  	s19 =	sld [smem:$0x3FDB];
	_ =	sdelay $0x1  }
0x99: {  	s4 =	simm.s32 $_scs_section_size  }
0x9a: {  	s5 =	simm.s32 $_size__tile_overlayer_lowered;
	s6 =	simm.s32 $_tile_overlayer_lowered  }
0x9b: {  	s22 =	simm.s32 $0x1BFF;
	s21 =	sshll.u32 s6, $0x1;
	s3 =	sadd.s32 s4, s19  }
0x9c: {  	s7 =	simm.s32 $0x0;
	s20 =	sshll.u32 s5, $0x1;
	s5 =	sadd.s32 s21, s3  }
0x9d: {  	[timem:s7], [sflag:s22] =	dma.local [hbm:s5], s20  }
0x9e: {  	_ =	swait.ge [sflag:s22], s20  }
0x9f: {  	s4 =	ssub.s32 $0x0, s20;
	[sflag:s22] =	ssyncset.done $0x0  }
0xa0: {  	[sflag:s22] =	ssyncadd.s32 s4;
	_ =	sdelay $0x1  }
0xa1: {  	s23 =	simm.s32 $0x1B8B  }
0xa2: {  	_ =	swait.ge [sflag:s23], $0x1  }
0xa3: {  	[sflag:s23] =	ssyncset.done $0x0  }
0xa4: {  	s25 =	simm.s32 $0x1B8E;
	s24 =	sld [smem:$0x3FFE];
	[sflag:s23] =	ssyncadd.s32 $0xFFFFFFFF  }
0xa5: {  	s26 =	simm.s32 $execute0_lowered;
	[smem:$0x3FD2] =	sst s25  }
0xa6: {  	s5 =	sshll.u32 s26, $0x1;
	_ =	strace $0x80000046;
	[dreg:$0x1] =	wrdreg $0xFFFFFFFF  }
0xa7: {  	s28 =	simm.s32 $_size_execute0_lowered;
	s3 =	sadd.s32 s3, s5;
	[dreg:$0x0] =	wrdreg $0x0  }
0xa8: {  	s5 =	sshll.u32 s28, $0x1;
	[dreg:$0x2] =	wrdreg s3  }
0xa9: {  	[dreg:$0x3] =	wrdreg s5  }
0xaa: {  	[dreg:$0x4] =	wrdreg $0xC0  }
0xab: {  	_ =	task [dreg:s7], $0x5FFFF  }
0xac: {  	[dreg:$0x1] =	wrdreg $0xFFFFFFFF  }
0xad: {  	[dreg:$0x0] =	wrdreg $0x60  }
0xae: {  	[dreg:$0x2] =	wrdreg s2  }
0xaf: {  	[dreg:$0x3] =	wrdreg s24  }
0xb0: {  	[dreg:$0x4] =	wrdreg $0x9  }
0xb1: {  	_ =	task.clear_ibuf [dreg:s7], $0x5FFFF;
	_ =	strace $0x90000046  }
0xb2: {  	s29 =	simm.s32 $0x9;
	_ =	strace $0x80000048  }
0xb3: {  	_ =	swait.ge [sflag:s29], $0x1  }
0xb4: {  	[sflag:s29] =	ssyncadd.s32 $0xFFFFFFFF  }
0xb5: {  	_ =	strace $0x90000048  }
0xb6: {  	_ =	sfence  }
0xb7: {  	s30 =	sld [smem:$0x0];
	_ =	sdelay $0x2  }
0xb8: {  	s31 =	sshll.u32 s1, $0xD;
	s1 =	sshrl.u32 s1, $0x2  }
0xb9: {  	s3 =	sand.u32 $0x4000, s31;
	s1 =	sadd.s32 s1, s30  }
0xba: {  	s0 =	sor.u32 s3, s0;
	s1 =	sshll.u32 s1, $0x11  }
0xbb: {  	s0 =	sor.u32 s1, s0  }
0xbc: {  	s0 =	sadd.s32 $0x8F2B, s0  }
0xbd: {  	[sflag:s0] =	ssyncadd.remote.s32 $0x1  }
0xbe: {  	_ =	sfence.sel $0xFFFF  }
0xbf: {  	[dreg:$0x0] =	wrdreg $0xFFFFFFFF;
	(pc) =	sbr.abs _section_cstart, $3  }
0xc0: {  	[dreg:$0x1] =	wrdreg $0xFFFFFFFF  }
0xc1: {  	_ =	task.clear_ibuf [dreg:s7], $0x2FFFF;
	_ =	strace $0x9FFFFFFF  }
0xc2: {  	(tm) =	ssettm $0x7FFFFFFF  }
0xc3: {  	_ =	shalt  }
tec
execute0_lowered:
.L_overlay_start_1:
0x0: {  	(tag) =	ssettag $0x1  }
0x1: {  	s0 =	srdreg.scid  }
0x2: {  	s1 =	stileid.u32;
	s0 =	sand.u32 $0x1, s0  }
0x3: {  	s1 =	sshll.u32 s1, $0x5;
	s2 =	sshll.u32 s0, $0x4  }
0x4: {  	s1 =	sor.u32 s2, s1  }
0x5: {  	s1 =	smul.u32 $0x1C00, s1  }
0x6: {  	s3 =	rddreg [dreg:$0x0]  }
0x7: {  	s4 =	rddreg [dreg:$0x1];
	s1 =	sshrl.u32 s1, $0x3  }
0x8: {  	s23 =	rddreg [dreg:$0x2];
	s2 =	simm.s32 $0x0;
	s4 =	sadd.s32 s1, s4  }
0x9: {  	[smem:$0x7FF] =	sst s2;
	s18 =	sadd.s32 $0xA00, s4  }
0xa: {  	_ =	strace $0x80000047;
	s19 =	sadd.s32 $0x70A00, s4;
	[dreg:$0x19] =	wrdreg s18  }
0xb: {  	s20 =	sadd.s32 $0xE0A00, s4;
	[dreg:$0x18] =	wrdreg s19  }
0xc: {  	s21 =	sadd.s32 s3, s1;
	s24 =	sadd.s32 $0x150A00, s4;
	[dreg:$0x17] =	wrdreg s20  }
0xd: {  	s22 =	sadd.s32 $0x380, s21;
	[dreg:$0x16] =	wrdreg s24  }
0xe: {  	s26 =	sadd.s32 $0x1C0A00, s4;
	[dreg:$0x3] =	wrdreg s22  }
0xf: {  	s0 =	ssub.s32 $0x2, s0;
	s25 =	sadd.s32 $0x700, s21;
	[dreg:$0x15] =	wrdreg s26  }
0x10: {  	s5 =	sshrl.u32 s0, $0x1;
	s6 =	sadd.s32 $0x230A00, s4;
	[dreg:$0x4] =	wrdreg s25  }
0x11: {  	s0 =	ssub.s32 s0, s5;
	s5 =	sadd.s32 $0xA80, s21;
	[dreg:$0x14] =	wrdreg s6  }
0x12: {  	p0 =	por $0x0, $0x0;
	s8 =	sadd.s32 $0x2A0A00, s4;
	[dreg:$0x5] =	wrdreg s5  }
0x13: {  	s0 =	smax.u32 s0, $0x1;
	s7 =	sadd.s32 $0xE00, s21;
	[dreg:$0x13] =	wrdreg s8  }
0x14: {  	p1 =	sne.s32 s0, $0x1;
	s10 =	sadd.s32 $0x310A00, s4;
	[dreg:$0x6] =	wrdreg s7  }
0x15: {  	s0 =	sadd.s32 $0xFFFFFFFF, s0;
	s9 =	sadd.s32 $0x1180, s21;
	[dreg:$0x12] =	wrdreg s10  }
0x16: {  	s3 =	simm.s32 $0x1;
	s11 =	sadd.s32 $0x1500, s21;
	[dreg:$0x7] =	wrdreg s9  }
0x17: {  	s12 =	sadd.s32 $0x1880, s21;
	s13 =	sadd.s32 $0x1C00, s21;
	[dreg:$0x8] =	wrdreg s11  }
0x18: {  	s14 =	sadd.s32 $0x1F80, s21;
	s15 =	sadd.s32 $0x2300, s21;
	[dreg:$0x9] =	wrdreg s12  }
0x19: {  	s28 =	sadd.s32 $0x540A00, s4;
	s16 =	sadd.s32 $0x2680, s21;
	[dreg:$0xa] =	wrdreg s13  }
0x1a: {  	s29 =	sadd.s32 $0x5B0A00, s4;
	s17 =	sadd.s32 $0x2A00, s21;
	[dreg:$0xb] =	wrdreg s14  }
0x1b: {  	s31 =	sadd.s32 $0x620A00, s4;
	s30 =	sadd.s32 $0x690A00, s4;
	[dreg:$0xc] =	wrdreg s15  }
0x1c: {  	s25 =	sadd.s32 $0x380A00, s4;
	s24 =	sadd.s32 $0x3F0A00, s4;
	[dreg:$0xd] =	wrdreg s16  }
0x1d: {  	s26 =	sadd.s32 $0x460A00, s4;
	s10 =	sadd.s32 $0x4D0A00, s4;
	[dreg:$0xe] =	wrdreg s17  }
0x1e: {  	s18 =	sadd.s32 $0x2D80, s21;
	s22 =	stileid.u32;
	s19 =	sadd.s32 $0x3100, s21  }
0x1f: {  	s20 =	sadd.s32 $0x3480, s21;
	s17 =	simm.s32 $0x5400;
	s15 =	simm.s32 $0x7000  }
0x20: {  	s13 =	simm.s32 $0x8C00;
	s16 =	simm.s32 $0xC400;
	s14 =	simm.s32 $0xE000  }
.Ltmp0:
0x21: {  	s12 =	simm.s32 $0xFC00;
	s11 =	simm.s32 $0x11800;
	(pc) =	sbr.rel @!p1 .LBB2_5-.Ltmp0, $4  }
0x22: {  	s9 =	simm.s32 $0x13400;
	s8 =	simm.s32 $0x15000;
	[dreg:$0xf] =	wrdreg s18  }
0x23: {  	s7 =	simm.s32 $0x16C00;
	s6 =	simm.s32 $0x18800;
	[dreg:$0x10] =	wrdreg s19  }
0x24: {  	s5 =	simm.s32 $0x1A400;
	s4 =	simm.s32 $0x2;
	[dreg:$0x11] =	wrdreg s20  }
0x25: {  	s20 =	simm.s32 $0x1C00;
	s19 =	simm.s32 $0x3800;
	s18 =	simm.s32 $0xA800  }
0x26: {  	[smem:$0x7FD] =	sst s0  }
0x27: {  	[tilespmem:s2], [sflag:$0x2] =	stream.linear.gather [hbm4b:s21+s2], $0x1900, $0x38;
	[tilespmem:$0x1C000] =	vst v63  }
0x28: {  	s22 =	rddreg [dreg:$0x3]  }
0x29: {  	[tilespmem:s20], [sflag:$0x2] =	stream.linear.gather [hbm4b:s22+s2], $0x1900, $0x38;
	[tilespmem:$0x1C000] =	vst v63  }
0x2a: {  	s1 =	rddreg [dreg:$0x4]  }
0x2b: {  	[tilespmem:s19], [sflag:$0x2] =	stream.linear.gather [hbm4b:s1+s2], $0x1900, $0x38;
	[tilespmem:$0x1C000] =	vst v63  }
0x2c: {  	s23 =	rddreg [dreg:$0x5]  }
0x2d: {  	[tilespmem:s17], [sflag:$0x2] =	stream.linear.gather [hbm4b:s23+s2], $0x1900, $0x38;
	[tilespmem:$0x1C000] =	vst v63  }
0x2e: {  	s22 =	rddreg [dreg:$0x6]  }
0x2f: {  	[tilespmem:s15], [sflag:$0x2] =	stream.linear.gather [hbm4b:s22+s2], $0x1900, $0x38;
	[tilespmem:$0x1C000] =	vst v63  }
0x30: {  	s23 =	rddreg [dreg:$0x7]  }
0x31: {  	[tilespmem:s13], [sflag:$0x2] =	stream.linear.gather [hbm4b:s23+s2], $0x1900, $0x38;
	[tilespmem:$0x1C000] =	vst v63  }
0x32: {  	s22 =	rddreg [dreg:$0x8]  }
0x33: {  	[tilespmem:s18], [sflag:$0x2] =	stream.linear.gather [hbm4b:s22+s2], $0x1900, $0x38;
	[tilespmem:$0x1C000] =	vst v63  }
0x34: {  	s23 =	rddreg [dreg:$0x9]  }
0x35: {  	[tilespmem:s16], [sflag:$0x2] =	stream.linear.gather [hbm4b:s23+s2], $0x1900, $0x38;
	[tilespmem:$0x1C000] =	vst v63  }
0x36: {  	s22 =	rddreg [dreg:$0xa]  }
0x37: {  	[tilespmem:s14], [sflag:$0x2] =	stream.linear.gather [hbm4b:s22+s2], $0x1900, $0x38;
	[tilespmem:$0x1C000] =	vst v63  }
0x38: {  	s23 =	rddreg [dreg:$0xb]  }
0x39: {  	[tilespmem:s12], [sflag:$0x2] =	stream.linear.gather [hbm4b:s23+s2], $0x1900, $0x38;
	[tilespmem:$0x1C000] =	vst v63  }
0x3a: {  	s22 =	rddreg [dreg:$0xc]  }
0x3b: {  	[tilespmem:s11], [sflag:$0x2] =	stream.linear.gather [hbm4b:s22+s2], $0x1900, $0x38;
	[tilespmem:$0x1C000] =	vst v63  }
0x3c: {  	s23 =	rddreg [dreg:$0xd]  }
0x3d: {  	[tilespmem:s9], [sflag:$0x2] =	stream.linear.gather [hbm4b:s23+s2], $0x1900, $0x38;
	[tilespmem:$0x1C000] =	vst v63  }
0x3e: {  	s22 =	rddreg [dreg:$0xe]  }
0x3f: {  	[tilespmem:s8], [sflag:$0x2] =	stream.linear.gather [hbm4b:s22+s2], $0x1900, $0x38;
	[tilespmem:$0x1C000] =	vst v63  }
0x40: {  	s23 =	rddreg [dreg:$0xf]  }
0x41: {  	[tilespmem:s7], [sflag:$0x2] =	stream.linear.gather [hbm4b:s23+s2], $0x1900, $0x38;
	[tilespmem:$0x1C000] =	vst v63  }
0x42: {  	s22 =	rddreg [dreg:$0x10]  }
0x43: {  	[tilespmem:s6], [sflag:$0x2] =	stream.linear.gather [hbm4b:s22+s2], $0x1900, $0x38;
	[tilespmem:$0x1C000] =	vst v63  }
0x44: {  	s23 =	rddreg [dreg:$0x11]  }
0x45: {  	[tilespmem:s5], [sflag:$0x2] =	stream.linear.gather [hbm4b:s23+s2], $0x1900, $0x38;
	[tilespmem:$0x1C000] =	vst v63  }
0x46: {  	_ =	swait.ge [sflag:s4], $0x19000  }
0x47: {  	[sflag:s4] =	ssyncset.done $0x0  }
0x48: {  	s0 =	rddreg [dreg:$0x19];
	[sflag:s4] =	ssyncadd.s32 $0xFFFE7000  }
0x49: {  	[hbm4b:s0+s2] =	stream.linear.scatter [tilespmem:s2], [sflag:$0x1], $0x1900, $0x38;
	[tilespmem:$0x1C000] =	vst v63  }
0x4a: {  	s4 =	sadd.s32 $0x380, s0  }
0x4b: {  	[hbm4b:s4+s2] =	stream.linear.scatter [tilespmem:s20], [sflag:$0x1], $0x1900, $0x38;
	[tilespmem:$0x1C000] =	vst v63  }
0x4c: {  	s22 =	sadd.s32 $0x700, s0;
	[dreg:$0x1a] =	wrdreg s4  }
0x4d: {  	[hbm4b:s22+s2] =	stream.linear.scatter [tilespmem:s19], [sflag:$0x1], $0x1900, $0x38;
	[tilespmem:$0x1C000] =	vst v63  }
0x4e: {  	s23 =	sadd.s32 $0xA80, s0;
	[dreg:$0x1b] =	wrdreg s22  }
0x4f: {  	[hbm4b:s23+s2] =	stream.linear.scatter [tilespmem:s17], [sflag:$0x1], $0x1900, $0x38;
	[tilespmem:$0x1C000] =	vst v63  }
0x50: {  	[dreg:$0x1c] =	wrdreg s23;
	s4 =	sadd.s32 $0xE00, s0  }
0x51: {  	[hbm4b:s4+s2] =	stream.linear.scatter [tilespmem:s15], [sflag:$0x1], $0x1900, $0x38;
	[tilespmem:$0x1C000] =	vst v63  }
0x52: {  	[dreg:$0x1d] =	wrdreg s4;
	s22 =	sadd.s32 $0x1180, s0  }
0x53: {  	[hbm4b:s22+s2] =	stream.linear.scatter [tilespmem:s13], [sflag:$0x1], $0x1900, $0x38;
	[tilespmem:$0x1C000] =	vst v63  }
0x54: {  	[dreg:$0x1e] =	wrdreg s22;
	s23 =	sadd.s32 $0x1500, s0  }
0x55: {  	[hbm4b:s23+s2] =	stream.linear.scatter [tilespmem:s18], [sflag:$0x1], $0x1900, $0x38;
	[tilespmem:$0x1C000] =	vst v63  }
0x56: {  	[dreg:$0x1f] =	wrdreg s23;
	s4 =	sadd.s32 $0x1880, s0  }
0x57: {  	[hbm4b:s4+s2] =	stream.linear.scatter [tilespmem:s16], [sflag:$0x1], $0x1900, $0x38;
	[tilespmem:$0x1C000] =	vst v63  }
0x58: {  	[smem:$0x714] =	sst s4;
	s22 =	sadd.s32 $0x1C00, s0  }
0x59: {  	[hbm4b:s22+s2] =	stream.linear.scatter [tilespmem:s14], [sflag:$0x1], $0x1900, $0x38;
	[tilespmem:$0x1C000] =	vst v63  }
0x5a: {  	[smem:$0x715] =	sst s22;
	s23 =	sadd.s32 $0x1F80, s0  }
0x5b: {  	[hbm4b:s23+s2] =	stream.linear.scatter [tilespmem:s12], [sflag:$0x1], $0x1900, $0x38;
	[tilespmem:$0x1C000] =	vst v63  }
0x5c: {  	[smem:$0x716] =	sst s23;
	s4 =	sadd.s32 $0x2300, s0  }
0x5d: {  	[hbm4b:s4+s2] =	stream.linear.scatter [tilespmem:s11], [sflag:$0x1], $0x1900, $0x38;
	[tilespmem:$0x1C000] =	vst v63  }
0x5e: {  	[smem:$0x717] =	sst s4;
	s22 =	sadd.s32 $0x2680, s0  }
0x5f: {  	[hbm4b:s22+s2] =	stream.linear.scatter [tilespmem:s9], [sflag:$0x1], $0x1900, $0x38;
	[tilespmem:$0x1C000] =	vst v63  }
0x60: {  	[smem:$0x718] =	sst s22;
	s23 =	sadd.s32 $0x2A00, s0  }
0x61: {  	[hbm4b:s23+s2] =	stream.linear.scatter [tilespmem:s8], [sflag:$0x1], $0x1900, $0x38;
	[tilespmem:$0x1C000] =	vst v63  }
0x62: {  	[smem:$0x719] =	sst s23;
	s4 =	sadd.s32 $0x2D80, s0  }
0x63: {  	[hbm4b:s4+s2] =	stream.linear.scatter [tilespmem:s7], [sflag:$0x1], $0x1900, $0x38;
	[tilespmem:$0x1C000] =	vst v63  }
0x64: {  	[smem:$0x71A] =	sst s4;
	s22 =	sadd.s32 $0x3100, s0;
	s0 =	sadd.s32 $0x3480, s0  }
0x65: {  	[hbm4b:s22+s2] =	stream.linear.scatter [tilespmem:s6], [sflag:$0x1], $0x1900, $0x38;
	[tilespmem:$0x1C000] =	vst v63  }
0x66: {  	[smem:$0x71C] =	sst s0  }
0x67: {  	[hbm4b:s0+s2] =	stream.linear.scatter [tilespmem:s5], [sflag:$0x1], $0x1900, $0x38;
	[tilespmem:$0x1C000] =	vst v63  }
0x68: {  	s0 =	rddreg [dreg:$0x18]  }
0x69: {  	[smem:$0x71B] =	sst s22;
	s23 =	sadd.s32 $0x380, s0  }
0x6a: {  	[hbm4b:s0+s2] =	stream.linear.scatter [tilespmem:s2], [sflag:$0x1], $0x1900, $0x38;
	[tilespmem:$0x1C000] =	vst v63  }
0x6b: {  	[smem:$0x71D] =	sst s23  }
0x6c: {  	[hbm4b:s23+s2] =	stream.linear.scatter [tilespmem:s20], [sflag:$0x1], $0x1900, $0x38;
	[tilespmem:$0x1C000] =	vst v63  }
0x6d: {  	s4 =	sadd.s32 $0x700, s0  }
0x6e: {  	[hbm4b:s4+s2] =	stream.linear.scatter [tilespmem:s19], [sflag:$0x1], $0x1900, $0x38;
	[tilespmem:$0x1C000] =	vst v63  }
0x6f: {  	s22 =	sadd.s32 $0xA80, s0  }
0x70: {  	[hbm4b:s22+s2] =	stream.linear.scatter [tilespmem:s17], [sflag:$0x1], $0x1900, $0x38;
	[tilespmem:$0x1C000] =	vst v63  }
0x71: {  	s23 =	sadd.s32 $0xE00, s0  }
0x72: {  	[hbm4b:s23+s2] =	stream.linear.scatter [tilespmem:s15], [sflag:$0x1], $0x1900, $0x38;
	[tilespmem:$0x1C000] =	vst v63  }
0x73: {  	[smem:$0x71E] =	sst s4;
	s4 =	sadd.s32 $0x1180, s0  }
0x74: {  	[hbm4b:s4+s2] =	stream.linear.scatter [tilespmem:s13], [sflag:$0x1], $0x1900, $0x38;
	[tilespmem:$0x1C000] =	vst v63  }
0x75: {  	[smem:$0x71F] =	sst s22;
	s22 =	sadd.s32 $0x1500, s0  }
0x76: {  	[hbm4b:s22+s2] =	stream.linear.scatter [tilespmem:s18], [sflag:$0x1], $0x1900, $0x38;
	[tilespmem:$0x1C000] =	vst v63  }
0x77: {  	[smem:$0x720] =	sst s23;
	s23 =	sadd.s32 $0x1880, s0  }
0x78: {  	[hbm4b:s23+s2] =	stream.linear.scatter [tilespmem:s16], [sflag:$0x1], $0x1900, $0x38;
	[tilespmem:$0x1C000] =	vst v63  }
0x79: {  	[smem:$0x721] =	sst s4;
	s4 =	sadd.s32 $0x1C00, s0  }
0x7a: {  	[hbm4b:s4+s2] =	stream.linear.scatter [tilespmem:s14], [sflag:$0x1], $0x1900, $0x38;
	[tilespmem:$0x1C000] =	vst v63  }
0x7b: {  	[smem:$0x722] =	sst s22;
	s22 =	sadd.s32 $0x1F80, s0  }
0x7c: {  	[hbm4b:s22+s2] =	stream.linear.scatter [tilespmem:s12], [sflag:$0x1], $0x1900, $0x38;
	[tilespmem:$0x1C000] =	vst v63  }
0x7d: {  	[smem:$0x723] =	sst s23;
	s23 =	sadd.s32 $0x2300, s0  }
0x7e: {  	[hbm4b:s23+s2] =	stream.linear.scatter [tilespmem:s11], [sflag:$0x1], $0x1900, $0x38;
	[tilespmem:$0x1C000] =	vst v63  }
0x7f: {  	[smem:$0x724] =	sst s4;
	s4 =	sadd.s32 $0x2680, s0  }
0x80: {  	[hbm4b:s4+s2] =	stream.linear.scatter [tilespmem:s9], [sflag:$0x1], $0x1900, $0x38;
	[tilespmem:$0x1C000] =	vst v63  }
0x81: {  	[smem:$0x725] =	sst s22;
	s22 =	sadd.s32 $0x2A00, s0  }
0x82: {  	[hbm4b:s22+s2] =	stream.linear.scatter [tilespmem:s8], [sflag:$0x1], $0x1900, $0x38;
	[tilespmem:$0x1C000] =	vst v63  }
0x83: {  	[smem:$0x726] =	sst s23;
	s23 =	sadd.s32 $0x2D80, s0  }
0x84: {  	[hbm4b:s23+s2] =	stream.linear.scatter [tilespmem:s7], [sflag:$0x1], $0x1900, $0x38;
	[tilespmem:$0x1C000] =	vst v63  }
0x85: {  	[smem:$0x727] =	sst s4;
	s4 =	sadd.s32 $0x3100, s0;
	s0 =	sadd.s32 $0x3480, s0  }
0x86: {  	[hbm4b:s4+s2] =	stream.linear.scatter [tilespmem:s6], [sflag:$0x1], $0x1900, $0x38;
	[tilespmem:$0x1C000] =	vst v63  }
0x87: {  	[smem:$0x72B] =	sst s0  }
0x88: {  	[hbm4b:s0+s2] =	stream.linear.scatter [tilespmem:s5], [sflag:$0x1], $0x1900, $0x38;
	[tilespmem:$0x1C000] =	vst v63  }
0x89: {  	s0 =	rddreg [dreg:$0x17]  }
0x8a: {  	[hbm4b:s0+s2] =	stream.linear.scatter [tilespmem:s2], [sflag:$0x1], $0x1900, $0x38;
	[tilespmem:$0x1C000] =	vst v63  }
0x8b: {  	[smem:$0x728] =	sst s22;
	s22 =	sadd.s32 $0x380, s0  }
0x8c: {  	[hbm4b:s22+s2] =	stream.linear.scatter [tilespmem:s20], [sflag:$0x1], $0x1900, $0x38;
	[tilespmem:$0x1C000] =	vst v63  }
0x8d: {  	[smem:$0x729] =	sst s23;
	s23 =	sadd.s32 $0x700, s0  }
0x8e: {  	[hbm4b:s23+s2] =	stream.linear.scatter [tilespmem:s19], [sflag:$0x1], $0x1900, $0x38;
	[tilespmem:$0x1C000] =	vst v63  }
0x8f: {  	[smem:$0x72A] =	sst s4;
	s4 =	sadd.s32 $0xA80, s0  }
0x90: {  	[hbm4b:s4+s2] =	stream.linear.scatter [tilespmem:s17], [sflag:$0x1], $0x1900, $0x38;
	[tilespmem:$0x1C000] =	vst v63  }
0x91: {  	[smem:$0x72C] =	sst s22;
	s22 =	sadd.s32 $0xE00, s0  }
0x92: {  	[hbm4b:s22+s2] =	stream.linear.scatter [tilespmem:s15], [sflag:$0x1], $0x1900, $0x38;
	[tilespmem:$0x1C000] =	vst v63  }
0x93: {  	[smem:$0x72D] =	sst s23;
	s23 =	sadd.s32 $0x1180, s0  }
0x94: {  	[hbm4b:s23+s2] =	stream.linear.scatter [tilespmem:s13], [sflag:$0x1], $0x1900, $0x38;
	[tilespmem:$0x1C000] =	vst v63  }
0x95: {  	[smem:$0x72E] =	sst s4;
	s4 =	sadd.s32 $0x1500, s0  }
0x96: {  	[hbm4b:s4+s2] =	stream.linear.scatter [tilespmem:s18], [sflag:$0x1], $0x1900, $0x38;
	[tilespmem:$0x1C000] =	vst v63  }
0x97: {  	[smem:$0x72F] =	sst s22;
	s22 =	sadd.s32 $0x1880, s0  }
0x98: {  	[hbm4b:s22+s2] =	stream.linear.scatter [tilespmem:s16], [sflag:$0x1], $0x1900, $0x38;
	[tilespmem:$0x1C000] =	vst v63  }
0x99: {  	[smem:$0x730] =	sst s23;
	s23 =	sadd.s32 $0x1C00, s0  }
0x9a: {  	[hbm4b:s23+s2] =	stream.linear.scatter [tilespmem:s14], [sflag:$0x1], $0x1900, $0x38;
	[tilespmem:$0x1C000] =	vst v63  }
0x9b: {  	[smem:$0x731] =	sst s4;
	s4 =	sadd.s32 $0x1F80, s0  }
0x9c: {  	[hbm4b:s4+s2] =	stream.linear.scatter [tilespmem:s12], [sflag:$0x1], $0x1900, $0x38;
	[tilespmem:$0x1C000] =	vst v63  }
0x9d: {  	[smem:$0x732] =	sst s22;
	s22 =	sadd.s32 $0x2300, s0  }
0x9e: {  	[hbm4b:s22+s2] =	stream.linear.scatter [tilespmem:s11], [sflag:$0x1], $0x1900, $0x38;
	[tilespmem:$0x1C000] =	vst v63  }
0x9f: {  	[smem:$0x733] =	sst s23;
	s23 =	sadd.s32 $0x2680, s0  }
0xa0: {  	[hbm4b:s23+s2] =	stream.linear.scatter [tilespmem:s9], [sflag:$0x1], $0x1900, $0x38;
	[tilespmem:$0x1C000] =	vst v63  }
0xa1: {  	[smem:$0x734] =	sst s4;
	s4 =	sadd.s32 $0x2A00, s0  }
0xa2: {  	[hbm4b:s4+s2] =	stream.linear.scatter [tilespmem:s8], [sflag:$0x1], $0x1900, $0x38;
	[tilespmem:$0x1C000] =	vst v63  }
0xa3: {  	[smem:$0x735] =	sst s22;
	s22 =	sadd.s32 $0x2D80, s0  }
0xa4: {  	[hbm4b:s22+s2] =	stream.linear.scatter [tilespmem:s7], [sflag:$0x1], $0x1900, $0x38;
	[tilespmem:$0x1C000] =	vst v63  }
0xa5: {  	[smem:$0x736] =	sst s23;
	s23 =	sadd.s32 $0x3100, s0;
	s0 =	sadd.s32 $0x3480, s0  }
0xa6: {  	[hbm4b:s23+s2] =	stream.linear.scatter [tilespmem:s6], [sflag:$0x1], $0x1900, $0x38;
	[tilespmem:$0x1C000] =	vst v63  }
0xa7: {  	[smem:$0x73A] =	sst s0  }
0xa8: {  	[hbm4b:s0+s2] =	stream.linear.scatter [tilespmem:s5], [sflag:$0x1], $0x1900, $0x38;
	[tilespmem:$0x1C000] =	vst v63  }
0xa9: {  	s0 =	rddreg [dreg:$0x16]  }
0xaa: {  	[hbm4b:s0+s2] =	stream.linear.scatter [tilespmem:s2], [sflag:$0x1], $0x1900, $0x38;
	[tilespmem:$0x1C000] =	vst v63  }
0xab: {  	[smem:$0x737] =	sst s4;
	s4 =	sadd.s32 $0x380, s0  }
0xac: {  	[hbm4b:s4+s2] =	stream.linear.scatter [tilespmem:s20], [sflag:$0x1], $0x1900, $0x38;
	[tilespmem:$0x1C000] =	vst v63  }
0xad: {  	[smem:$0x738] =	sst s22;
	s22 =	sadd.s32 $0x700, s0  }
0xae: {  	[hbm4b:s22+s2] =	stream.linear.scatter [tilespmem:s19], [sflag:$0x1], $0x1900, $0x38;
	[tilespmem:$0x1C000] =	vst v63  }
0xaf: {  	[smem:$0x739] =	sst s23;
	s23 =	sadd.s32 $0xA80, s0  }
0xb0: {  	[hbm4b:s23+s2] =	stream.linear.scatter [tilespmem:s17], [sflag:$0x1], $0x1900, $0x38;
	[tilespmem:$0x1C000] =	vst v63  }
0xb1: {  	[smem:$0x73B] =	sst s4;
	s4 =	sadd.s32 $0xE00, s0  }
0xb2: {  	[hbm4b:s4+s2] =	stream.linear.scatter [tilespmem:s15], [sflag:$0x1], $0x1900, $0x38;
	[tilespmem:$0x1C000] =	vst v63  }
0xb3: {  	[smem:$0x73C] =	sst s22;
	s22 =	sadd.s32 $0x1180, s0  }
0xb4: {  	[hbm4b:s22+s2] =	stream.linear.scatter [tilespmem:s13], [sflag:$0x1], $0x1900, $0x38;
	[tilespmem:$0x1C000] =	vst v63  }
0xb5: {  	[smem:$0x73D] =	sst s23;
	s23 =	sadd.s32 $0x1500, s0  }
0xb6: {  	[hbm4b:s23+s2] =	stream.linear.scatter [tilespmem:s18], [sflag:$0x1], $0x1900, $0x38;
	[tilespmem:$0x1C000] =	vst v63  }
0xb7: {  	[smem:$0x73E] =	sst s4;
	s4 =	sadd.s32 $0x1880, s0  }
0xb8: {  	[hbm4b:s4+s2] =	stream.linear.scatter [tilespmem:s16], [sflag:$0x1], $0x1900, $0x38;
	[tilespmem:$0x1C000] =	vst v63  }
0xb9: {  	[smem:$0x73F] =	sst s22;
	s22 =	sadd.s32 $0x1C00, s0  }
0xba: {  	[hbm4b:s22+s2] =	stream.linear.scatter [tilespmem:s14], [sflag:$0x1], $0x1900, $0x38;
	[tilespmem:$0x1C000] =	vst v63  }
0xbb: {  	[smem:$0x740] =	sst s23;
	s23 =	sadd.s32 $0x1F80, s0  }
0xbc: {  	[hbm4b:s23+s2] =	stream.linear.scatter [tilespmem:s12], [sflag:$0x1], $0x1900, $0x38;
	[tilespmem:$0x1C000] =	vst v63  }
0xbd: {  	[smem:$0x741] =	sst s4;
	s4 =	sadd.s32 $0x2300, s0  }
0xbe: {  	[hbm4b:s4+s2] =	stream.linear.scatter [tilespmem:s11], [sflag:$0x1], $0x1900, $0x38;
	[tilespmem:$0x1C000] =	vst v63  }
0xbf: {  	[smem:$0x742] =	sst s22;
	s22 =	sadd.s32 $0x2680, s0  }
0xc0: {  	[hbm4b:s22+s2] =	stream.linear.scatter [tilespmem:s9], [sflag:$0x1], $0x1900, $0x38;
	[tilespmem:$0x1C000] =	vst v63  }
0xc1: {  	[smem:$0x743] =	sst s23;
	s23 =	sadd.s32 $0x2A00, s0  }
0xc2: {  	[hbm4b:s23+s2] =	stream.linear.scatter [tilespmem:s8], [sflag:$0x1], $0x1900, $0x38;
	[tilespmem:$0x1C000] =	vst v63  }
0xc3: {  	[smem:$0x744] =	sst s4;
	s4 =	sadd.s32 $0x2D80, s0  }
0xc4: {  	[hbm4b:s4+s2] =	stream.linear.scatter [tilespmem:s7], [sflag:$0x1], $0x1900, $0x38;
	[tilespmem:$0x1C000] =	vst v63  }
0xc5: {  	[smem:$0x745] =	sst s22;
	s22 =	sadd.s32 $0x3100, s0;
	s0 =	sadd.s32 $0x3480, s0  }
0xc6: {  	[hbm4b:s22+s2] =	stream.linear.scatter [tilespmem:s6], [sflag:$0x1], $0x1900, $0x38;
	[tilespmem:$0x1C000] =	vst v63  }
0xc7: {  	[smem:$0x749] =	sst s0  }
0xc8: {  	[hbm4b:s0+s2] =	stream.linear.scatter [tilespmem:s5], [sflag:$0x1], $0x1900, $0x38;
	[tilespmem:$0x1C000] =	vst v63  }
0xc9: {  	s0 =	rddreg [dreg:$0x15]  }
0xca: {  	[hbm4b:s0+s2] =	stream.linear.scatter [tilespmem:s2], [sflag:$0x1], $0x1900, $0x38;
	[tilespmem:$0x1C000] =	vst v63  }
0xcb: {  	[smem:$0x746] =	sst s23;
	s23 =	sadd.s32 $0x380, s0  }
0xcc: {  	[hbm4b:s23+s2] =	stream.linear.scatter [tilespmem:s20], [sflag:$0x1], $0x1900, $0x38;
	[tilespmem:$0x1C000] =	vst v63  }
0xcd: {  	[smem:$0x747] =	sst s4;
	s4 =	sadd.s32 $0x700, s0  }
0xce: {  	[hbm4b:s4+s2] =	stream.linear.scatter [tilespmem:s19], [sflag:$0x1], $0x1900, $0x38;
	[tilespmem:$0x1C000] =	vst v63  }
0xcf: {  	[smem:$0x748] =	sst s22;
	s22 =	sadd.s32 $0xA80, s0  }
0xd0: {  	[hbm4b:s22+s2] =	stream.linear.scatter [tilespmem:s17], [sflag:$0x1], $0x1900, $0x38;
	[tilespmem:$0x1C000] =	vst v63  }
0xd1: {  	[smem:$0x74A] =	sst s23;
	s23 =	sadd.s32 $0xE00, s0  }
0xd2: {  	[hbm4b:s23+s2] =	stream.linear.scatter [tilespmem:s15], [sflag:$0x1], $0x1900, $0x38;
	[tilespmem:$0x1C000] =	vst v63  }
0xd3: {  	[smem:$0x74B] =	sst s4;
	s4 =	sadd.s32 $0x1180, s0  }
0xd4: {  	[hbm4b:s4+s2] =	stream.linear.scatter [tilespmem:s13], [sflag:$0x1], $0x1900, $0x38;
	[tilespmem:$0x1C000] =	vst v63  }
0xd5: {  	[smem:$0x74C] =	sst s22;
	s22 =	sadd.s32 $0x1500, s0  }
0xd6: {  	[hbm4b:s22+s2] =	stream.linear.scatter [tilespmem:s18], [sflag:$0x1], $0x1900, $0x38;
	[tilespmem:$0x1C000] =	vst v63  }
0xd7: {  	[smem:$0x74D] =	sst s23;
	s23 =	sadd.s32 $0x1880, s0  }
0xd8: {  	[hbm4b:s23+s2] =	stream.linear.scatter [tilespmem:s16], [sflag:$0x1], $0x1900, $0x38;
	[tilespmem:$0x1C000] =	vst v63  }
0xd9: {  	[smem:$0x74E] =	sst s4;
	s4 =	sadd.s32 $0x1C00, s0  }
0xda: {  	[hbm4b:s4+s2] =	stream.linear.scatter [tilespmem:s14], [sflag:$0x1], $0x1900, $0x38;
	[tilespmem:$0x1C000] =	vst v63  }
0xdb: {  	[smem:$0x74F] =	sst s22;
	s22 =	sadd.s32 $0x1F80, s0  }
0xdc: {  	[hbm4b:s22+s2] =	stream.linear.scatter [tilespmem:s12], [sflag:$0x1], $0x1900, $0x38;
	[tilespmem:$0x1C000] =	vst v63  }
0xdd: {  	[smem:$0x750] =	sst s23;
	s23 =	sadd.s32 $0x2300, s0  }
0xde: {  	[hbm4b:s23+s2] =	stream.linear.scatter [tilespmem:s11], [sflag:$0x1], $0x1900, $0x38;
	[tilespmem:$0x1C000] =	vst v63  }
0xdf: {  	[smem:$0x751] =	sst s4;
	s4 =	sadd.s32 $0x2680, s0  }
0xe0: {  	[hbm4b:s4+s2] =	stream.linear.scatter [tilespmem:s9], [sflag:$0x1], $0x1900, $0x38;
	[tilespmem:$0x1C000] =	vst v63  }
0xe1: {  	[smem:$0x752] =	sst s22;
	s22 =	sadd.s32 $0x2A00, s0  }
0xe2: {  	[hbm4b:s22+s2] =	stream.linear.scatter [tilespmem:s8], [sflag:$0x1], $0x1900, $0x38;
	[tilespmem:$0x1C000] =	vst v63  }
0xe3: {  	[smem:$0x753] =	sst s23;
	s23 =	sadd.s32 $0x2D80, s0  }
0xe4: {  	[hbm4b:s23+s2] =	stream.linear.scatter [tilespmem:s7], [sflag:$0x1], $0x1900, $0x38;
	[tilespmem:$0x1C000] =	vst v63  }
0xe5: {  	[smem:$0x754] =	sst s4;
	s4 =	sadd.s32 $0x3100, s0;
	s0 =	sadd.s32 $0x3480, s0  }
0xe6: {  	[hbm4b:s4+s2] =	stream.linear.scatter [tilespmem:s6], [sflag:$0x1], $0x1900, $0x38;
	[tilespmem:$0x1C000] =	vst v63  }
0xe7: {  	[smem:$0x758] =	sst s0  }
0xe8: {  	[hbm4b:s0+s2] =	stream.linear.scatter [tilespmem:s5], [sflag:$0x1], $0x1900, $0x38;
	[tilespmem:$0x1C000] =	vst v63  }
0xe9: {  	s0 =	rddreg [dreg:$0x14]  }
0xea: {  	[hbm4b:s0+s2] =	stream.linear.scatter [tilespmem:s2], [sflag:$0x1], $0x1900, $0x38;
	[tilespmem:$0x1C000] =	vst v63  }
0xeb: {  	[smem:$0x755] =	sst s22;
	s22 =	sadd.s32 $0x380, s0  }
0xec: {  	[hbm4b:s22+s2] =	stream.linear.scatter [tilespmem:s20], [sflag:$0x1], $0x1900, $0x38;
	[tilespmem:$0x1C000] =	vst v63  }
0xed: {  	[smem:$0x756] =	sst s23;
	s23 =	sadd.s32 $0x700, s0  }
0xee: {  	[hbm4b:s23+s2] =	stream.linear.scatter [tilespmem:s19], [sflag:$0x1], $0x1900, $0x38;
	[tilespmem:$0x1C000] =	vst v63  }
0xef: {  	[smem:$0x757] =	sst s4;
	s4 =	sadd.s32 $0xA80, s0  }
0xf0: {  	[hbm4b:s4+s2] =	stream.linear.scatter [tilespmem:s17], [sflag:$0x1], $0x1900, $0x38;
	[tilespmem:$0x1C000] =	vst v63  }
0xf1: {  	[smem:$0x759] =	sst s22;
	s22 =	sadd.s32 $0xE00, s0  }
0xf2: {  	[hbm4b:s22+s2] =	stream.linear.scatter [tilespmem:s15], [sflag:$0x1], $0x1900, $0x38;
	[tilespmem:$0x1C000] =	vst v63  }
0xf3: {  	[smem:$0x75A] =	sst s23;
	s23 =	sadd.s32 $0x1180, s0  }
0xf4: {  	[hbm4b:s23+s2] =	stream.linear.scatter [tilespmem:s13], [sflag:$0x1], $0x1900, $0x38;
	[tilespmem:$0x1C000] =	vst v63  }
0xf5: {  	[smem:$0x75B] =	sst s4;
	s4 =	sadd.s32 $0x1500, s0  }
0xf6: {  	[hbm4b:s4+s2] =	stream.linear.scatter [tilespmem:s18], [sflag:$0x1], $0x1900, $0x38;
	[tilespmem:$0x1C000] =	vst v63  }
0xf7: {  	[smem:$0x75C] =	sst s22;
	s22 =	sadd.s32 $0x1880, s0  }
0xf8: {  	[hbm4b:s22+s2] =	stream.linear.scatter [tilespmem:s16], [sflag:$0x1], $0x1900, $0x38;
	[tilespmem:$0x1C000] =	vst v63  }
0xf9: {  	[smem:$0x75D] =	sst s23;
	s23 =	sadd.s32 $0x1C00, s0  }
0xfa: {  	[hbm4b:s23+s2] =	stream.linear.scatter [tilespmem:s14], [sflag:$0x1], $0x1900, $0x38;
	[tilespmem:$0x1C000] =	vst v63  }
0xfb: {  	[smem:$0x75E] =	sst s4;
	s4 =	sadd.s32 $0x1F80, s0  }
0xfc: {  	[hbm4b:s4+s2] =	stream.linear.scatter [tilespmem:s12], [sflag:$0x1], $0x1900, $0x38;
	[tilespmem:$0x1C000] =	vst v63  }
0xfd: {  	[smem:$0x75F] =	sst s22;
	s22 =	sadd.s32 $0x2300, s0  }
0xfe: {  	[hbm4b:s22+s2] =	stream.linear.scatter [tilespmem:s11], [sflag:$0x1], $0x1900, $0x38;
	[tilespmem:$0x1C000] =	vst v63  }
0xff: {  	[smem:$0x760] =	sst s23;
	s23 =	sadd.s32 $0x2680, s0  }
0x100: {  	[hbm4b:s23+s2] =	stream.linear.scatter [tilespmem:s9], [sflag:$0x1], $0x1900, $0x38;
	[tilespmem:$0x1C000] =	vst v63  }
0x101: {  	[smem:$0x761] =	sst s4;
	s4 =	sadd.s32 $0x2A00, s0  }
0x102: {  	[hbm4b:s4+s2] =	stream.linear.scatter [tilespmem:s8], [sflag:$0x1], $0x1900, $0x38;
	[tilespmem:$0x1C000] =	vst v63  }
0x103: {  	[smem:$0x762] =	sst s22;
	s22 =	sadd.s32 $0x2D80, s0  }
0x104: {  	[hbm4b:s22+s2] =	stream.linear.scatter [tilespmem:s7], [sflag:$0x1], $0x1900, $0x38;
	[tilespmem:$0x1C000] =	vst v63  }
0x105: {  	[smem:$0x763] =	sst s23;
	s23 =	sadd.s32 $0x3100, s0;
	s0 =	sadd.s32 $0x3480, s0  }
0x106: {  	[hbm4b:s23+s2] =	stream.linear.scatter [tilespmem:s6], [sflag:$0x1], $0x1900, $0x38;
	[tilespmem:$0x1C000] =	vst v63  }
0x107: {  	[smem:$0x767] =	sst s0  }
0x108: {  	[hbm4b:s0+s2] =	stream.linear.scatter [tilespmem:s5], [sflag:$0x1], $0x1900, $0x38;
	[tilespmem:$0x1C000] =	vst v63  }
0x109: {  	s0 =	rddreg [dreg:$0x13]  }
0x10a: {  	[hbm4b:s0+s2] =	stream.linear.scatter [tilespmem:s2], [sflag:$0x1], $0x1900, $0x38;
	[tilespmem:$0x1C000] =	vst v63  }
0x10b: {  	[smem:$0x764] =	sst s4;
	s4 =	sadd.s32 $0x380, s0  }
0x10c: {  	[hbm4b:s4+s2] =	stream.linear.scatter [tilespmem:s20], [sflag:$0x1], $0x1900, $0x38;
	[tilespmem:$0x1C000] =	vst v63  }
0x10d: {  	[smem:$0x765] =	sst s22;
	s22 =	sadd.s32 $0x700, s0  }
0x10e: {  	[hbm4b:s22+s2] =	stream.linear.scatter [tilespmem:s19], [sflag:$0x1], $0x1900, $0x38;
	[tilespmem:$0x1C000] =	vst v63  }
0x10f: {  	[smem:$0x766] =	sst s23;
	s23 =	sadd.s32 $0xA80, s0  }
0x110: {  	[hbm4b:s23+s2] =	stream.linear.scatter [tilespmem:s17], [sflag:$0x1], $0x1900, $0x38;
	[tilespmem:$0x1C000] =	vst v63  }
0x111: {  	[smem:$0x768] =	sst s4;
	s4 =	sadd.s32 $0xE00, s0  }
0x112: {  	[hbm4b:s4+s2] =	stream.linear.scatter [tilespmem:s15], [sflag:$0x1], $0x1900, $0x38;
	[tilespmem:$0x1C000] =	vst v63  }
0x113: {  	[smem:$0x769] =	sst s22;
	s22 =	sadd.s32 $0x1180, s0  }
0x114: {  	[hbm4b:s22+s2] =	stream.linear.scatter [tilespmem:s13], [sflag:$0x1], $0x1900, $0x38;
	[tilespmem:$0x1C000] =	vst v63  }
0x115: {  	[smem:$0x76A] =	sst s23;
	s23 =	sadd.s32 $0x1500, s0  }
0x116: {  	[hbm4b:s23+s2] =	stream.linear.scatter [tilespmem:s18], [sflag:$0x1], $0x1900, $0x38;
	[tilespmem:$0x1C000] =	vst v63  }
0x117: {  	[smem:$0x76B] =	sst s4;
	s4 =	sadd.s32 $0x1880, s0  }
0x118: {  	[hbm4b:s4+s2] =	stream.linear.scatter [tilespmem:s16], [sflag:$0x1], $0x1900, $0x38;
	[tilespmem:$0x1C000] =	vst v63  }
0x119: {  	[smem:$0x76C] =	sst s22;
	s22 =	sadd.s32 $0x1C00, s0  }
0x11a: {  	[hbm4b:s22+s2] =	stream.linear.scatter [tilespmem:s14], [sflag:$0x1], $0x1900, $0x38;
	[tilespmem:$0x1C000] =	vst v63  }
0x11b: {  	[smem:$0x76D] =	sst s23;
	s23 =	sadd.s32 $0x1F80, s0  }
0x11c: {  	[hbm4b:s23+s2] =	stream.linear.scatter [tilespmem:s12], [sflag:$0x1], $0x1900, $0x38;
	[tilespmem:$0x1C000] =	vst v63  }
0x11d: {  	[smem:$0x76E] =	sst s4;
	s4 =	sadd.s32 $0x2300, s0  }
0x11e: {  	[hbm4b:s4+s2] =	stream.linear.scatter [tilespmem:s11], [sflag:$0x1], $0x1900, $0x38;
	[tilespmem:$0x1C000] =	vst v63  }
0x11f: {  	[smem:$0x76F] =	sst s22;
	s22 =	sadd.s32 $0x2680, s0  }
0x120: {  	[hbm4b:s22+s2] =	stream.linear.scatter [tilespmem:s9], [sflag:$0x1], $0x1900, $0x38;
	[tilespmem:$0x1C000] =	vst v63  }
0x121: {  	[smem:$0x770] =	sst s23;
	s23 =	sadd.s32 $0x2A00, s0  }
0x122: {  	[hbm4b:s23+s2] =	stream.linear.scatter [tilespmem:s8], [sflag:$0x1], $0x1900, $0x38;
	[tilespmem:$0x1C000] =	vst v63  }
0x123: {  	[smem:$0x771] =	sst s4;
	s4 =	sadd.s32 $0x2D80, s0  }
0x124: {  	[hbm4b:s4+s2] =	stream.linear.scatter [tilespmem:s7], [sflag:$0x1], $0x1900, $0x38;
	[tilespmem:$0x1C000] =	vst v63  }
0x125: {  	[smem:$0x772] =	sst s22;
	s22 =	sadd.s32 $0x3100, s0;
	s0 =	sadd.s32 $0x3480, s0  }
0x126: {  	[hbm4b:s22+s2] =	stream.linear.scatter [tilespmem:s6], [sflag:$0x1], $0x1900, $0x38;
	[tilespmem:$0x1C000] =	vst v63  }
0x127: {  	[smem:$0x776] =	sst s0  }
0x128: {  	[hbm4b:s0+s2] =	stream.linear.scatter [tilespmem:s5], [sflag:$0x1], $0x1900, $0x38;
	[tilespmem:$0x1C000] =	vst v63  }
0x129: {  	s0 =	rddreg [dreg:$0x12]  }
0x12a: {  	[hbm4b:s0+s2] =	stream.linear.scatter [tilespmem:s2], [sflag:$0x1], $0x1900, $0x38;
	[tilespmem:$0x1C000] =	vst v63  }
0x12b: {  	[smem:$0x773] =	sst s23;
	s23 =	sadd.s32 $0x380, s0  }
0x12c: {  	[hbm4b:s23+s2] =	stream.linear.scatter [tilespmem:s20], [sflag:$0x1], $0x1900, $0x38;
	[tilespmem:$0x1C000] =	vst v63  }
0x12d: {  	[smem:$0x774] =	sst s4;
	s4 =	sadd.s32 $0x700, s0  }
0x12e: {  	[hbm4b:s4+s2] =	stream.linear.scatter [tilespmem:s19], [sflag:$0x1], $0x1900, $0x38;
	[tilespmem:$0x1C000] =	vst v63  }
0x12f: {  	[smem:$0x775] =	sst s22;
	s22 =	sadd.s32 $0xA80, s0  }
0x130: {  	[hbm4b:s22+s2] =	stream.linear.scatter [tilespmem:s17], [sflag:$0x1], $0x1900, $0x38;
	[tilespmem:$0x1C000] =	vst v63  }
0x131: {  	[smem:$0x777] =	sst s23;
	s23 =	sadd.s32 $0xE00, s0  }
0x132: {  	[hbm4b:s23+s2] =	stream.linear.scatter [tilespmem:s15], [sflag:$0x1], $0x1900, $0x38;
	[tilespmem:$0x1C000] =	vst v63  }
0x133: {  	[smem:$0x778] =	sst s4;
	s4 =	sadd.s32 $0x1180, s0  }
0x134: {  	[hbm4b:s4+s2] =	stream.linear.scatter [tilespmem:s13], [sflag:$0x1], $0x1900, $0x38;
	[tilespmem:$0x1C000] =	vst v63  }
0x135: {  	[smem:$0x779] =	sst s22;
	s22 =	sadd.s32 $0x1500, s0  }
0x136: {  	[hbm4b:s22+s2] =	stream.linear.scatter [tilespmem:s18], [sflag:$0x1], $0x1900, $0x38;
	[tilespmem:$0x1C000] =	vst v63  }
0x137: {  	[smem:$0x77A] =	sst s23;
	s23 =	sadd.s32 $0x1880, s0  }
0x138: {  	[hbm4b:s23+s2] =	stream.linear.scatter [tilespmem:s16], [sflag:$0x1], $0x1900, $0x38;
	[tilespmem:$0x1C000] =	vst v63  }
0x139: {  	[smem:$0x77B] =	sst s4;
	s4 =	sadd.s32 $0x1C00, s0  }
0x13a: {  	[hbm4b:s4+s2] =	stream.linear.scatter [tilespmem:s14], [sflag:$0x1], $0x1900, $0x38;
	[tilespmem:$0x1C000] =	vst v63  }
0x13b: {  	[smem:$0x77C] =	sst s22;
	s22 =	sadd.s32 $0x1F80, s0  }
0x13c: {  	[hbm4b:s22+s2] =	stream.linear.scatter [tilespmem:s12], [sflag:$0x1], $0x1900, $0x38;
	[tilespmem:$0x1C000] =	vst v63  }
0x13d: {  	[smem:$0x77D] =	sst s23;
	s23 =	sadd.s32 $0x2300, s0  }
0x13e: {  	[hbm4b:s23+s2] =	stream.linear.scatter [tilespmem:s11], [sflag:$0x1], $0x1900, $0x38;
	[tilespmem:$0x1C000] =	vst v63  }
0x13f: {  	[smem:$0x77E] =	sst s4;
	s4 =	sadd.s32 $0x2680, s0  }
0x140: {  	[hbm4b:s4+s2] =	stream.linear.scatter [tilespmem:s9], [sflag:$0x1], $0x1900, $0x38;
	[tilespmem:$0x1C000] =	vst v63  }
0x141: {  	[smem:$0x77F] =	sst s22;
	s22 =	sadd.s32 $0x2A00, s0  }
0x142: {  	[hbm4b:s22+s2] =	stream.linear.scatter [tilespmem:s8], [sflag:$0x1], $0x1900, $0x38;
	[tilespmem:$0x1C000] =	vst v63  }
0x143: {  	[smem:$0x780] =	sst s23;
	s23 =	sadd.s32 $0x2D80, s0  }
0x144: {  	[hbm4b:s23+s2] =	stream.linear.scatter [tilespmem:s7], [sflag:$0x1], $0x1900, $0x38;
	[tilespmem:$0x1C000] =	vst v63  }
0x145: {  	[smem:$0x781] =	sst s4;
	s4 =	sadd.s32 $0x3100, s0  }
0x146: {  	[hbm4b:s4+s2] =	stream.linear.scatter [tilespmem:s6], [sflag:$0x1], $0x1900, $0x38;
	[tilespmem:$0x1C000] =	vst v63  }
0x147: {  	s0 =	sadd.s32 $0x3480, s0  }
0x148: {  	[hbm4b:s0+s2] =	stream.linear.scatter [tilespmem:s5], [sflag:$0x1], $0x1900, $0x38;
	[tilespmem:$0x1C000] =	vst v63  }
0x149: {  	_ = 	snop  }
0x14a: {  	[hbm4b:s25+s2] =	stream.linear.scatter [tilespmem:s2], [sflag:$0x1], $0x1900, $0x38;
	[tilespmem:$0x1C000] =	vst v63  }
0x14b: {  	[smem:$0x782] =	sst s22;
	s22 =	sadd.s32 $0x380, s25  }
0x14c: {  	[hbm4b:s22+s2] =	stream.linear.scatter [tilespmem:s20], [sflag:$0x1], $0x1900, $0x38;
	[tilespmem:$0x1C000] =	vst v63  }
0x14d: {  	[smem:$0x783] =	sst s23;
	s23 =	sadd.s32 $0x700, s25  }
0x14e: {  	[hbm4b:s23+s2] =	stream.linear.scatter [tilespmem:s19], [sflag:$0x1], $0x1900, $0x38;
	[tilespmem:$0x1C000] =	vst v63  }
0x14f: {  	s1 =	sadd.s32 $0xA80, s25  }
0x150: {  	[hbm4b:s1+s2] =	stream.linear.scatter [tilespmem:s17], [sflag:$0x1], $0x1900, $0x38;
	[tilespmem:$0x1C000] =	vst v63  }
0x151: {  	[smem:$0x784] =	sst s4;
	s4 =	sadd.s32 $0xE00, s25  }
0x152: {  	[hbm4b:s4+s2] =	stream.linear.scatter [tilespmem:s15], [sflag:$0x1], $0x1900, $0x38;
	[tilespmem:$0x1C000] =	vst v63  }
0x153: {  	[smem:$0x786] =	sst s22;
	s22 =	sadd.s32 $0x1180, s25  }
0x154: {  	[hbm4b:s22+s2] =	stream.linear.scatter [tilespmem:s13], [sflag:$0x1], $0x1900, $0x38;
	[tilespmem:$0x1C000] =	vst v63  }
0x155: {  	[smem:$0x787] =	sst s23;
	s23 =	sadd.s32 $0x1500, s25  }
0x156: {  	[hbm4b:s23+s2] =	stream.linear.scatter [tilespmem:s18], [sflag:$0x1], $0x1900, $0x38;
	[tilespmem:$0x1C000] =	vst v63  }
0x157: {  	[smem:$0x788] =	sst s1;
	s1 =	sadd.s32 $0x1880, s25  }
0x158: {  	[hbm4b:s1+s2] =	stream.linear.scatter [tilespmem:s16], [sflag:$0x1], $0x1900, $0x38;
	[tilespmem:$0x1C000] =	vst v63  }
0x159: {  	[smem:$0x789] =	sst s4;
	s4 =	sadd.s32 $0x1C00, s25  }
0x15a: {  	[hbm4b:s4+s2] =	stream.linear.scatter [tilespmem:s14], [sflag:$0x1], $0x1900, $0x38;
	[tilespmem:$0x1C000] =	vst v63  }
0x15b: {  	[smem:$0x78A] =	sst s22;
	s22 =	sadd.s32 $0x1F80, s25  }
0x15c: {  	[hbm4b:s22+s2] =	stream.linear.scatter [tilespmem:s12], [sflag:$0x1], $0x1900, $0x38;
	[tilespmem:$0x1C000] =	vst v63  }
0x15d: {  	[smem:$0x78B] =	sst s23;
	s23 =	sadd.s32 $0x2300, s25  }
0x15e: {  	[hbm4b:s23+s2] =	stream.linear.scatter [tilespmem:s11], [sflag:$0x1], $0x1900, $0x38;
	[tilespmem:$0x1C000] =	vst v63  }
0x15f: {  	[smem:$0x78C] =	sst s1;
	s1 =	sadd.s32 $0x2680, s25  }
0x160: {  	[hbm4b:s1+s2] =	stream.linear.scatter [tilespmem:s9], [sflag:$0x1], $0x1900, $0x38;
	[tilespmem:$0x1C000] =	vst v63  }
0x161: {  	[smem:$0x78D] =	sst s4;
	s4 =	sadd.s32 $0x2A00, s25  }
0x162: {  	[hbm4b:s4+s2] =	stream.linear.scatter [tilespmem:s8], [sflag:$0x1], $0x1900, $0x38;
	[tilespmem:$0x1C000] =	vst v63  }
0x163: {  	[smem:$0x78E] =	sst s22;
	s22 =	sadd.s32 $0x2D80, s25  }
0x164: {  	[hbm4b:s22+s2] =	stream.linear.scatter [tilespmem:s7], [sflag:$0x1], $0x1900, $0x38;
	[tilespmem:$0x1C000] =	vst v63  }
0x165: {  	[smem:$0x78F] =	sst s23;
	s23 =	sadd.s32 $0x3100, s25  }
0x166: {  	[hbm4b:s23+s2] =	stream.linear.scatter [tilespmem:s6], [sflag:$0x1], $0x1900, $0x38;
	[tilespmem:$0x1C000] =	vst v63  }
0x167: {  	[smem:$0x790] =	sst s1;
	s1 =	sadd.s32 $0x3480, s25  }
0x168: {  	[hbm4b:s1+s2] =	stream.linear.scatter [tilespmem:s5], [sflag:$0x1], $0x1900, $0x38;
	[tilespmem:$0x1C000] =	vst v63  }
0x169: {  	_ = 	snop  }
0x16a: {  	[hbm4b:s24+s2] =	stream.linear.scatter [tilespmem:s2], [sflag:$0x1], $0x1900, $0x38;
	[tilespmem:$0x1C000] =	vst v63  }
0x16b: {  	[smem:$0x791] =	sst s4;
	s4 =	sadd.s32 $0x380, s24  }
0x16c: {  	[hbm4b:s4+s2] =	stream.linear.scatter [tilespmem:s20], [sflag:$0x1], $0x1900, $0x38;
	[tilespmem:$0x1C000] =	vst v63  }
0x16d: {  	[smem:$0x792] =	sst s22;
	s22 =	sadd.s32 $0x700, s24  }
0x16e: {  	[hbm4b:s22+s2] =	stream.linear.scatter [tilespmem:s19], [sflag:$0x1], $0x1900, $0x38;
	[tilespmem:$0x1C000] =	vst v63  }
0x16f: {  	[smem:$0x793] =	sst s23;
	s23 =	sadd.s32 $0xA80, s24  }
0x170: {  	[hbm4b:s23+s2] =	stream.linear.scatter [tilespmem:s17], [sflag:$0x1], $0x1900, $0x38;
	[tilespmem:$0x1C000] =	vst v63  }
0x171: {  	[smem:$0x794] =	sst s1;
	s1 =	sadd.s32 $0xE00, s24  }
0x172: {  	[hbm4b:s1+s2] =	stream.linear.scatter [tilespmem:s15], [sflag:$0x1], $0x1900, $0x38;
	[tilespmem:$0x1C000] =	vst v63  }
0x173: {  	[smem:$0x795] =	sst s4;
	s4 =	sadd.s32 $0x1180, s24  }
0x174: {  	[hbm4b:s4+s2] =	stream.linear.scatter [tilespmem:s13], [sflag:$0x1], $0x1900, $0x38;
	[tilespmem:$0x1C000] =	vst v63  }
0x175: {  	[smem:$0x796] =	sst s22;
	s22 =	sadd.s32 $0x1500, s24  }
0x176: {  	[hbm4b:s22+s2] =	stream.linear.scatter [tilespmem:s18], [sflag:$0x1], $0x1900, $0x38;
	[tilespmem:$0x1C000] =	vst v63  }
0x177: {  	[smem:$0x797] =	sst s23;
	s23 =	sadd.s32 $0x1880, s24  }
0x178: {  	[hbm4b:s23+s2] =	stream.linear.scatter [tilespmem:s16], [sflag:$0x1], $0x1900, $0x38;
	[tilespmem:$0x1C000] =	vst v63  }
0x179: {  	[smem:$0x798] =	sst s1;
	s1 =	sadd.s32 $0x1C00, s24  }
0x17a: {  	[hbm4b:s1+s2] =	stream.linear.scatter [tilespmem:s14], [sflag:$0x1], $0x1900, $0x38;
	[tilespmem:$0x1C000] =	vst v63  }
0x17b: {  	[smem:$0x799] =	sst s4;
	s4 =	sadd.s32 $0x1F80, s24  }
0x17c: {  	[hbm4b:s4+s2] =	stream.linear.scatter [tilespmem:s12], [sflag:$0x1], $0x1900, $0x38;
	[tilespmem:$0x1C000] =	vst v63  }
0x17d: {  	[smem:$0x79A] =	sst s22;
	s22 =	sadd.s32 $0x2300, s24  }
0x17e: {  	[hbm4b:s22+s2] =	stream.linear.scatter [tilespmem:s11], [sflag:$0x1], $0x1900, $0x38;
	[tilespmem:$0x1C000] =	vst v63  }
0x17f: {  	[smem:$0x79B] =	sst s23;
	s23 =	sadd.s32 $0x2680, s24  }
0x180: {  	[hbm4b:s23+s2] =	stream.linear.scatter [tilespmem:s9], [sflag:$0x1], $0x1900, $0x38;
	[tilespmem:$0x1C000] =	vst v63  }
0x181: {  	[smem:$0x79C] =	sst s1;
	s1 =	sadd.s32 $0x2A00, s24  }
0x182: {  	[hbm4b:s1+s2] =	stream.linear.scatter [tilespmem:s8], [sflag:$0x1], $0x1900, $0x38;
	[tilespmem:$0x1C000] =	vst v63  }
0x183: {  	[smem:$0x79D] =	sst s4;
	s4 =	sadd.s32 $0x2D80, s24  }
0x184: {  	[hbm4b:s4+s2] =	stream.linear.scatter [tilespmem:s7], [sflag:$0x1], $0x1900, $0x38;
	[tilespmem:$0x1C000] =	vst v63  }
0x185: {  	[smem:$0x79E] =	sst s22;
	s22 =	sadd.s32 $0x3100, s24  }
0x186: {  	[hbm4b:s22+s2] =	stream.linear.scatter [tilespmem:s6], [sflag:$0x1], $0x1900, $0x38;
	[tilespmem:$0x1C000] =	vst v63  }
0x187: {  	[smem:$0x79F] =	sst s23;
	s23 =	sadd.s32 $0x3480, s24  }
0x188: {  	[hbm4b:s23+s2] =	stream.linear.scatter [tilespmem:s5], [sflag:$0x1], $0x1900, $0x38;
	[tilespmem:$0x1C000] =	vst v63  }
0x189: {  	_ = 	snop  }
0x18a: {  	[hbm4b:s26+s2] =	stream.linear.scatter [tilespmem:s2], [sflag:$0x1], $0x1900, $0x38;
	[tilespmem:$0x1C000] =	vst v63  }
0x18b: {  	[smem:$0x7A0] =	sst s1;
	s1 =	sadd.s32 $0x380, s26  }
0x18c: {  	[hbm4b:s1+s2] =	stream.linear.scatter [tilespmem:s20], [sflag:$0x1], $0x1900, $0x38;
	[tilespmem:$0x1C000] =	vst v63  }
0x18d: {  	[smem:$0x7A1] =	sst s4;
	s4 =	sadd.s32 $0x700, s26  }
0x18e: {  	[hbm4b:s4+s2] =	stream.linear.scatter [tilespmem:s19], [sflag:$0x1], $0x1900, $0x38;
	[tilespmem:$0x1C000] =	vst v63  }
0x18f: {  	[smem:$0x7A2] =	sst s22;
	s22 =	sadd.s32 $0xA80, s26  }
0x190: {  	[hbm4b:s22+s2] =	stream.linear.scatter [tilespmem:s17], [sflag:$0x1], $0x1900, $0x38;
	[tilespmem:$0x1C000] =	vst v63  }
0x191: {  	[smem:$0x7A3] =	sst s23;
	s23 =	sadd.s32 $0xE00, s26  }
0x192: {  	[hbm4b:s23+s2] =	stream.linear.scatter [tilespmem:s15], [sflag:$0x1], $0x1900, $0x38;
	[tilespmem:$0x1C000] =	vst v63  }
0x193: {  	[smem:$0x7A4] =	sst s1;
	s1 =	sadd.s32 $0x1180, s26  }
0x194: {  	[hbm4b:s1+s2] =	stream.linear.scatter [tilespmem:s13], [sflag:$0x1], $0x1900, $0x38;
	[tilespmem:$0x1C000] =	vst v63  }
0x195: {  	[smem:$0x7A5] =	sst s4;
	s4 =	sadd.s32 $0x1500, s26  }
0x196: {  	[hbm4b:s4+s2] =	stream.linear.scatter [tilespmem:s18], [sflag:$0x1], $0x1900, $0x38;
	[tilespmem:$0x1C000] =	vst v63  }
0x197: {  	[smem:$0x7A6] =	sst s22;
	s22 =	sadd.s32 $0x1880, s26  }
0x198: {  	[hbm4b:s22+s2] =	stream.linear.scatter [tilespmem:s16], [sflag:$0x1], $0x1900, $0x38;
	[tilespmem:$0x1C000] =	vst v63  }
0x199: {  	[smem:$0x7A7] =	sst s23;
	s23 =	sadd.s32 $0x1C00, s26  }
0x19a: {  	[hbm4b:s23+s2] =	stream.linear.scatter [tilespmem:s14], [sflag:$0x1], $0x1900, $0x38;
	[tilespmem:$0x1C000] =	vst v63  }
0x19b: {  	[smem:$0x7A8] =	sst s1;
	s1 =	sadd.s32 $0x1F80, s26  }
0x19c: {  	[hbm4b:s1+s2] =	stream.linear.scatter [tilespmem:s12], [sflag:$0x1], $0x1900, $0x38;
	[tilespmem:$0x1C000] =	vst v63  }
0x19d: {  	[smem:$0x7A9] =	sst s4;
	s4 =	sadd.s32 $0x2300, s26  }
0x19e: {  	[hbm4b:s4+s2] =	stream.linear.scatter [tilespmem:s11], [sflag:$0x1], $0x1900, $0x38;
	[tilespmem:$0x1C000] =	vst v63  }
0x19f: {  	[smem:$0x7AA] =	sst s22;
	s22 =	sadd.s32 $0x2680, s26  }
0x1a0: {  	[hbm4b:s22+s2] =	stream.linear.scatter [tilespmem:s9], [sflag:$0x1], $0x1900, $0x38;
	[tilespmem:$0x1C000] =	vst v63  }
0x1a1: {  	[smem:$0x7AB] =	sst s23;
	s23 =	sadd.s32 $0x2A00, s26  }
0x1a2: {  	[hbm4b:s23+s2] =	stream.linear.scatter [tilespmem:s8], [sflag:$0x1], $0x1900, $0x38;
	[tilespmem:$0x1C000] =	vst v63  }
0x1a3: {  	[smem:$0x7AC] =	sst s1;
	s1 =	sadd.s32 $0x2D80, s26  }
0x1a4: {  	[hbm4b:s1+s2] =	stream.linear.scatter [tilespmem:s7], [sflag:$0x1], $0x1900, $0x38;
	[tilespmem:$0x1C000] =	vst v63  }
0x1a5: {  	[smem:$0x7AD] =	sst s4;
	s4 =	sadd.s32 $0x3100, s26  }
0x1a6: {  	[hbm4b:s4+s2] =	stream.linear.scatter [tilespmem:s6], [sflag:$0x1], $0x1900, $0x38;
	[tilespmem:$0x1C000] =	vst v63  }
0x1a7: {  	[smem:$0x7AE] =	sst s22;
	s22 =	sadd.s32 $0x3480, s26  }
0x1a8: {  	[hbm4b:s22+s2] =	stream.linear.scatter [tilespmem:s5], [sflag:$0x1], $0x1900, $0x38;
	[tilespmem:$0x1C000] =	vst v63  }
0x1a9: {  	[smem:$0x7F6] =	sst s29  }
0x1aa: {  	[hbm4b:s10+s2] =	stream.linear.scatter [tilespmem:s2], [sflag:$0x1], $0x1900, $0x38;
	[tilespmem:$0x1C000] =	vst v63  }
0x1ab: {  	[smem:$0x7AF] =	sst s23;
	s23 =	sadd.s32 $0x380, s10  }
0x1ac: {  	[hbm4b:s23+s2] =	stream.linear.scatter [tilespmem:s20], [sflag:$0x1], $0x1900, $0x38;
	[tilespmem:$0x1C000] =	vst v63  }
0x1ad: {  	[smem:$0x7B0] =	sst s1;
	s1 =	sadd.s32 $0x700, s10  }
0x1ae: {  	[hbm4b:s1+s2] =	stream.linear.scatter [tilespmem:s19], [sflag:$0x1], $0x1900, $0x38;
	[tilespmem:$0x1C000] =	vst v63  }
0x1af: {  	[smem:$0x7B1] =	sst s4;
	s4 =	sadd.s32 $0xA80, s10  }
0x1b0: {  	[hbm4b:s4+s2] =	stream.linear.scatter [tilespmem:s17], [sflag:$0x1], $0x1900, $0x38;
	[tilespmem:$0x1C000] =	vst v63  }
0x1b1: {  	[smem:$0x7B2] =	sst s22;
	s22 =	sadd.s32 $0xE00, s10  }
0x1b2: {  	[hbm4b:s22+s2] =	stream.linear.scatter [tilespmem:s15], [sflag:$0x1], $0x1900, $0x38;
	[tilespmem:$0x1C000] =	vst v63  }
0x1b3: {  	[smem:$0x7B3] =	sst s23;
	s23 =	sadd.s32 $0x1180, s10  }
0x1b4: {  	[hbm4b:s23+s2] =	stream.linear.scatter [tilespmem:s13], [sflag:$0x1], $0x1900, $0x38;
	[tilespmem:$0x1C000] =	vst v63  }
0x1b5: {  	[smem:$0x7B4] =	sst s1;
	s1 =	sadd.s32 $0x1500, s10  }
0x1b6: {  	[hbm4b:s1+s2] =	stream.linear.scatter [tilespmem:s18], [sflag:$0x1], $0x1900, $0x38;
	[tilespmem:$0x1C000] =	vst v63  }
0x1b7: {  	[smem:$0x7B5] =	sst s4;
	s4 =	sadd.s32 $0x1880, s10  }
0x1b8: {  	[hbm4b:s4+s2] =	stream.linear.scatter [tilespmem:s16], [sflag:$0x1], $0x1900, $0x38;
	[tilespmem:$0x1C000] =	vst v63  }
0x1b9: {  	[smem:$0x7B6] =	sst s22;
	s22 =	sadd.s32 $0x1C00, s10  }
0x1ba: {  	[hbm4b:s22+s2] =	stream.linear.scatter [tilespmem:s14], [sflag:$0x1], $0x1900, $0x38;
	[tilespmem:$0x1C000] =	vst v63  }
0x1bb: {  	[smem:$0x7B7] =	sst s23;
	s23 =	sadd.s32 $0x1F80, s10  }
0x1bc: {  	[hbm4b:s23+s2] =	stream.linear.scatter [tilespmem:s12], [sflag:$0x1], $0x1900, $0x38;
	[tilespmem:$0x1C000] =	vst v63  }
0x1bd: {  	[smem:$0x7B8] =	sst s1;
	s1 =	sadd.s32 $0x2300, s10  }
0x1be: {  	[hbm4b:s1+s2] =	stream.linear.scatter [tilespmem:s11], [sflag:$0x1], $0x1900, $0x38;
	[tilespmem:$0x1C000] =	vst v63  }
0x1bf: {  	[smem:$0x7B9] =	sst s4;
	s4 =	sadd.s32 $0x2680, s10  }
0x1c0: {  	[hbm4b:s4+s2] =	stream.linear.scatter [tilespmem:s9], [sflag:$0x1], $0x1900, $0x38;
	[tilespmem:$0x1C000] =	vst v63  }
0x1c1: {  	[smem:$0x7BA] =	sst s22;
	s22 =	sadd.s32 $0x2A00, s10  }
0x1c2: {  	[hbm4b:s22+s2] =	stream.linear.scatter [tilespmem:s8], [sflag:$0x1], $0x1900, $0x38;
	[tilespmem:$0x1C000] =	vst v63  }
0x1c3: {  	[smem:$0x7BB] =	sst s23;
	s23 =	sadd.s32 $0x2D80, s10  }
0x1c4: {  	[hbm4b:s23+s2] =	stream.linear.scatter [tilespmem:s7], [sflag:$0x1], $0x1900, $0x38;
	[tilespmem:$0x1C000] =	vst v63  }
0x1c5: {  	[smem:$0x7BC] =	sst s1;
	s1 =	sadd.s32 $0x3100, s10  }
0x1c6: {  	[hbm4b:s1+s2] =	stream.linear.scatter [tilespmem:s6], [sflag:$0x1], $0x1900, $0x38;
	[tilespmem:$0x1C000] =	vst v63  }
0x1c7: {  	[smem:$0x7BD] =	sst s4;
	s4 =	sadd.s32 $0x3480, s10  }
0x1c8: {  	[hbm4b:s4+s2] =	stream.linear.scatter [tilespmem:s5], [sflag:$0x1], $0x1900, $0x38;
	[tilespmem:$0x1C000] =	vst v63  }
0x1c9: {  	[smem:$0x7F9] =	sst s21  }
0x1ca: {  	[hbm4b:s28+s2] =	stream.linear.scatter [tilespmem:s2], [sflag:$0x1], $0x1900, $0x38;
	[tilespmem:$0x1C000] =	vst v63  }
0x1cb: {  	[smem:$0x7BE] =	sst s22;
	s22 =	sadd.s32 $0x380, s28  }
0x1cc: {  	[hbm4b:s22+s2] =	stream.linear.scatter [tilespmem:s20], [sflag:$0x1], $0x1900, $0x38;
	[tilespmem:$0x1C000] =	vst v63  }
0x1cd: {  	[smem:$0x7BF] =	sst s23;
	s23 =	sadd.s32 $0x700, s28  }
0x1ce: {  	[hbm4b:s23+s2] =	stream.linear.scatter [tilespmem:s19], [sflag:$0x1], $0x1900, $0x38;
	[tilespmem:$0x1C000] =	vst v63  }
0x1cf: {  	[smem:$0x7C0] =	sst s1;
	s1 =	sadd.s32 $0xA80, s28  }
0x1d0: {  	[hbm4b:s1+s2] =	stream.linear.scatter [tilespmem:s17], [sflag:$0x1], $0x1900, $0x38;
	[tilespmem:$0x1C000] =	vst v63  }
0x1d1: {  	[smem:$0x7C1] =	sst s4;
	s4 =	sadd.s32 $0xE00, s28  }
0x1d2: {  	[hbm4b:s4+s2] =	stream.linear.scatter [tilespmem:s15], [sflag:$0x1], $0x1900, $0x38;
	[tilespmem:$0x1C000] =	vst v63  }
0x1d3: {  	[smem:$0x7C2] =	sst s22;
	s22 =	sadd.s32 $0x1180, s28  }
0x1d4: {  	[hbm4b:s22+s2] =	stream.linear.scatter [tilespmem:s13], [sflag:$0x1], $0x1900, $0x38;
	[tilespmem:$0x1C000] =	vst v63  }
0x1d5: {  	[smem:$0x7C3] =	sst s23;
	s23 =	sadd.s32 $0x1500, s28  }
0x1d6: {  	[hbm4b:s23+s2] =	stream.linear.scatter [tilespmem:s18], [sflag:$0x1], $0x1900, $0x38;
	[tilespmem:$0x1C000] =	vst v63  }
0x1d7: {  	[smem:$0x7C4] =	sst s1;
	s1 =	sadd.s32 $0x1880, s28  }
0x1d8: {  	[hbm4b:s1+s2] =	stream.linear.scatter [tilespmem:s16], [sflag:$0x1], $0x1900, $0x38;
	[tilespmem:$0x1C000] =	vst v63  }
0x1d9: {  	[smem:$0x7C5] =	sst s4;
	s4 =	sadd.s32 $0x1C00, s28  }
0x1da: {  	[hbm4b:s4+s2] =	stream.linear.scatter [tilespmem:s14], [sflag:$0x1], $0x1900, $0x38;
	[tilespmem:$0x1C000] =	vst v63  }
0x1db: {  	[smem:$0x7C6] =	sst s22;
	s22 =	sadd.s32 $0x1F80, s28  }
0x1dc: {  	[hbm4b:s22+s2] =	stream.linear.scatter [tilespmem:s12], [sflag:$0x1], $0x1900, $0x38;
	[tilespmem:$0x1C000] =	vst v63  }
0x1dd: {  	[smem:$0x7C7] =	sst s23;
	s23 =	sadd.s32 $0x2300, s28  }
0x1de: {  	[hbm4b:s23+s2] =	stream.linear.scatter [tilespmem:s11], [sflag:$0x1], $0x1900, $0x38;
	[tilespmem:$0x1C000] =	vst v63  }
0x1df: {  	[smem:$0x7C8] =	sst s1;
	s1 =	sadd.s32 $0x2680, s28  }
0x1e0: {  	[hbm4b:s1+s2] =	stream.linear.scatter [tilespmem:s9], [sflag:$0x1], $0x1900, $0x38;
	[tilespmem:$0x1C000] =	vst v63  }
0x1e1: {  	[smem:$0x7C9] =	sst s4;
	s4 =	sadd.s32 $0x2A00, s28  }
0x1e2: {  	[hbm4b:s4+s2] =	stream.linear.scatter [tilespmem:s8], [sflag:$0x1], $0x1900, $0x38;
	[tilespmem:$0x1C000] =	vst v63  }
0x1e3: {  	[smem:$0x7CA] =	sst s22;
	s22 =	sadd.s32 $0x2D80, s28  }
0x1e4: {  	[hbm4b:s22+s2] =	stream.linear.scatter [tilespmem:s7], [sflag:$0x1], $0x1900, $0x38;
	[tilespmem:$0x1C000] =	vst v63  }
0x1e5: {  	[smem:$0x7CB] =	sst s23;
	s23 =	sadd.s32 $0x3100, s28  }
0x1e6: {  	[hbm4b:s23+s2] =	stream.linear.scatter [tilespmem:s6], [sflag:$0x1], $0x1900, $0x38;
	[tilespmem:$0x1C000] =	vst v63  }
0x1e7: {  	[smem:$0x7CC] =	sst s1;
	s1 =	sadd.s32 $0x3480, s28  }
0x1e8: {  	[hbm4b:s1+s2] =	stream.linear.scatter [tilespmem:s5], [sflag:$0x1], $0x1900, $0x38;
	[tilespmem:$0x1C000] =	vst v63  }
0x1e9: {  	[smem:$0x7FA] =	sst s28  }
0x1ea: {  	[hbm4b:s29+s2] =	stream.linear.scatter [tilespmem:s2], [sflag:$0x1], $0x1900, $0x38;
	[tilespmem:$0x1C000] =	vst v63  }
0x1eb: {  	[smem:$0x7CD] =	sst s4;
	s4 =	sadd.s32 $0x380, s29  }
0x1ec: {  	[hbm4b:s4+s2] =	stream.linear.scatter [tilespmem:s20], [sflag:$0x1], $0x1900, $0x38;
	[tilespmem:$0x1C000] =	vst v63  }
0x1ed: {  	[smem:$0x7CE] =	sst s22;
	s22 =	sadd.s32 $0x700, s29  }
0x1ee: {  	[hbm4b:s22+s2] =	stream.linear.scatter [tilespmem:s19], [sflag:$0x1], $0x1900, $0x38;
	[tilespmem:$0x1C000] =	vst v63  }
0x1ef: {  	[smem:$0x7CF] =	sst s23;
	s23 =	sadd.s32 $0xA80, s29  }
0x1f0: {  	[hbm4b:s23+s2] =	stream.linear.scatter [tilespmem:s17], [sflag:$0x1], $0x1900, $0x38;
	[tilespmem:$0x1C000] =	vst v63  }
0x1f1: {  	[smem:$0x7D0] =	sst s1;
	s1 =	sadd.s32 $0xE00, s29  }
0x1f2: {  	[hbm4b:s1+s2] =	stream.linear.scatter [tilespmem:s15], [sflag:$0x1], $0x1900, $0x38;
	[tilespmem:$0x1C000] =	vst v63  }
0x1f3: {  	[smem:$0x7D1] =	sst s4;
	s4 =	sadd.s32 $0x1180, s29  }
0x1f4: {  	[hbm4b:s4+s2] =	stream.linear.scatter [tilespmem:s13], [sflag:$0x1], $0x1900, $0x38;
	[tilespmem:$0x1C000] =	vst v63  }
0x1f5: {  	[smem:$0x7D2] =	sst s22;
	s22 =	sadd.s32 $0x1500, s29  }
0x1f6: {  	[hbm4b:s22+s2] =	stream.linear.scatter [tilespmem:s18], [sflag:$0x1], $0x1900, $0x38;
	[tilespmem:$0x1C000] =	vst v63  }
0x1f7: {  	[smem:$0x7D3] =	sst s23;
	s23 =	sadd.s32 $0x1880, s29  }
0x1f8: {  	[hbm4b:s23+s2] =	stream.linear.scatter [tilespmem:s16], [sflag:$0x1], $0x1900, $0x38;
	[tilespmem:$0x1C000] =	vst v63  }
0x1f9: {  	[smem:$0x7D4] =	sst s1;
	s1 =	sadd.s32 $0x1C00, s29  }
0x1fa: {  	[hbm4b:s1+s2] =	stream.linear.scatter [tilespmem:s14], [sflag:$0x1], $0x1900, $0x38;
	[tilespmem:$0x1C000] =	vst v63  }
0x1fb: {  	[smem:$0x7D5] =	sst s4;
	s4 =	sadd.s32 $0x1F80, s29  }
0x1fc: {  	[hbm4b:s4+s2] =	stream.linear.scatter [tilespmem:s12], [sflag:$0x1], $0x1900, $0x38;
	[tilespmem:$0x1C000] =	vst v63  }
0x1fd: {  	[smem:$0x7D6] =	sst s22;
	s22 =	sadd.s32 $0x2300, s29  }
0x1fe: {  	[hbm4b:s22+s2] =	stream.linear.scatter [tilespmem:s11], [sflag:$0x1], $0x1900, $0x38;
	[tilespmem:$0x1C000] =	vst v63  }
0x1ff: {  	[smem:$0x7D7] =	sst s23;
	s23 =	sadd.s32 $0x2680, s29  }
0x200: {  	[hbm4b:s23+s2] =	stream.linear.scatter [tilespmem:s9], [sflag:$0x1], $0x1900, $0x38;
	[tilespmem:$0x1C000] =	vst v63  }
0x201: {  	[smem:$0x7D8] =	sst s1;
	s1 =	sadd.s32 $0x2A00, s29  }
0x202: {  	[hbm4b:s1+s2] =	stream.linear.scatter [tilespmem:s8], [sflag:$0x1], $0x1900, $0x38;
	[tilespmem:$0x1C000] =	vst v63  }
0x203: {  	[smem:$0x7D9] =	sst s4;
	s4 =	sadd.s32 $0x2D80, s29  }
0x204: {  	[hbm4b:s4+s2] =	stream.linear.scatter [tilespmem:s7], [sflag:$0x1], $0x1900, $0x38;
	[tilespmem:$0x1C000] =	vst v63  }
0x205: {  	[smem:$0x7DA] =	sst s22;
	s22 =	sadd.s32 $0x3100, s29  }
0x206: {  	[hbm4b:s22+s2] =	stream.linear.scatter [tilespmem:s6], [sflag:$0x1], $0x1900, $0x38;
	[tilespmem:$0x1C000] =	vst v63  }
0x207: {  	[smem:$0x7DB] =	sst s23;
	s23 =	sadd.s32 $0x3480, s29  }
0x208: {  	[hbm4b:s23+s2] =	stream.linear.scatter [tilespmem:s5], [sflag:$0x1], $0x1900, $0x38;
	[tilespmem:$0x1C000] =	vst v63  }
0x209: {  	[smem:$0x7FB] =	sst s10  }
0x20a: {  	[hbm4b:s31+s2] =	stream.linear.scatter [tilespmem:s2], [sflag:$0x1], $0x1900, $0x38;
	[tilespmem:$0x1C000] =	vst v63  }
0x20b: {  	[smem:$0x7DC] =	sst s1;
	s1 =	sadd.s32 $0x380, s31  }
0x20c: {  	[hbm4b:s1+s2] =	stream.linear.scatter [tilespmem:s20], [sflag:$0x1], $0x1900, $0x38;
	[tilespmem:$0x1C000] =	vst v63  }
0x20d: {  	[smem:$0x7DD] =	sst s4;
	s4 =	sadd.s32 $0x700, s31  }
0x20e: {  	[hbm4b:s4+s2] =	stream.linear.scatter [tilespmem:s19], [sflag:$0x1], $0x1900, $0x38;
	[tilespmem:$0x1C000] =	vst v63  }
0x20f: {  	[smem:$0x7DE] =	sst s22;
	s22 =	sadd.s32 $0xA80, s31  }
0x210: {  	[hbm4b:s22+s2] =	stream.linear.scatter [tilespmem:s17], [sflag:$0x1], $0x1900, $0x38;
	[tilespmem:$0x1C000] =	vst v63  }
0x211: {  	[smem:$0x7DF] =	sst s23;
	s23 =	sadd.s32 $0xE00, s31  }
0x212: {  	[hbm4b:s23+s2] =	stream.linear.scatter [tilespmem:s15], [sflag:$0x1], $0x1900, $0x38;
	[tilespmem:$0x1C000] =	vst v63  }
0x213: {  	[smem:$0x7E0] =	sst s1;
	s1 =	sadd.s32 $0x1180, s31  }
0x214: {  	[hbm4b:s1+s2] =	stream.linear.scatter [tilespmem:s13], [sflag:$0x1], $0x1900, $0x38;
	[tilespmem:$0x1C000] =	vst v63  }
0x215: {  	[smem:$0x7E1] =	sst s4;
	s4 =	sadd.s32 $0x1500, s31  }
0x216: {  	[hbm4b:s4+s2] =	stream.linear.scatter [tilespmem:s18], [sflag:$0x1], $0x1900, $0x38;
	[tilespmem:$0x1C000] =	vst v63  }
0x217: {  	[smem:$0x7E2] =	sst s22;
	s22 =	sadd.s32 $0x1880, s31  }
0x218: {  	[hbm4b:s22+s2] =	stream.linear.scatter [tilespmem:s16], [sflag:$0x1], $0x1900, $0x38;
	[tilespmem:$0x1C000] =	vst v63  }
0x219: {  	[smem:$0x7E3] =	sst s23;
	s23 =	sadd.s32 $0x1C00, s31  }
0x21a: {  	[hbm4b:s23+s2] =	stream.linear.scatter [tilespmem:s14], [sflag:$0x1], $0x1900, $0x38;
	[tilespmem:$0x1C000] =	vst v63  }
0x21b: {  	[smem:$0x7E4] =	sst s1;
	s1 =	sadd.s32 $0x1F80, s31  }
0x21c: {  	[hbm4b:s1+s2] =	stream.linear.scatter [tilespmem:s12], [sflag:$0x1], $0x1900, $0x38;
	[tilespmem:$0x1C000] =	vst v63  }
0x21d: {  	[smem:$0x7E5] =	sst s4;
	s4 =	sadd.s32 $0x2300, s31  }
0x21e: {  	[hbm4b:s4+s2] =	stream.linear.scatter [tilespmem:s11], [sflag:$0x1], $0x1900, $0x38;
	[tilespmem:$0x1C000] =	vst v63  }
0x21f: {  	[smem:$0x7E6] =	sst s22;
	s22 =	sadd.s32 $0x2680, s31  }
0x220: {  	[hbm4b:s22+s2] =	stream.linear.scatter [tilespmem:s9], [sflag:$0x1], $0x1900, $0x38;
	[tilespmem:$0x1C000] =	vst v63  }
0x221: {  	[smem:$0x7E7] =	sst s23;
	s23 =	sadd.s32 $0x2A00, s31  }
0x222: {  	[hbm4b:s23+s2] =	stream.linear.scatter [tilespmem:s8], [sflag:$0x1], $0x1900, $0x38;
	[tilespmem:$0x1C000] =	vst v63  }
0x223: {  	[smem:$0x7E8] =	sst s1;
	s1 =	sadd.s32 $0x2D80, s31  }
0x224: {  	[hbm4b:s1+s2] =	stream.linear.scatter [tilespmem:s7], [sflag:$0x1], $0x1900, $0x38;
	[tilespmem:$0x1C000] =	vst v63  }
0x225: {  	[smem:$0x7E9] =	sst s4;
	s4 =	sadd.s32 $0x3100, s31  }
0x226: {  	[hbm4b:s4+s2] =	stream.linear.scatter [tilespmem:s6], [sflag:$0x1], $0x1900, $0x38;
	[tilespmem:$0x1C000] =	vst v63  }
0x227: {  	[smem:$0x7EA] =	sst s22;
	s22 =	sadd.s32 $0x3480, s31  }
0x228: {  	[hbm4b:s22+s2] =	stream.linear.scatter [tilespmem:s5], [sflag:$0x1], $0x1900, $0x38;
	[tilespmem:$0x1C000] =	vst v63  }
0x229: {  	[smem:$0x7FC] =	sst s26  }
0x22a: {  	[hbm4b:s30+s2] =	stream.linear.scatter [tilespmem:s2], [sflag:$0x1], $0x1900, $0x38;
	[tilespmem:$0x1C000] =	vst v63  }
0x22b: {  	[smem:$0x7EB] =	sst s23;
	s23 =	sadd.s32 $0x380, s30  }
0x22c: {  	[hbm4b:s23+s2] =	stream.linear.scatter [tilespmem:s20], [sflag:$0x1], $0x1900, $0x38;
	[tilespmem:$0x1C000] =	vst v63  }
0x22d: {  	[smem:$0x7EC] =	sst s1;
	s1 =	sadd.s32 $0x700, s30  }
0x22e: {  	[hbm4b:s1+s2] =	stream.linear.scatter [tilespmem:s19], [sflag:$0x1], $0x1900, $0x38;
	[tilespmem:$0x1C000] =	vst v63  }
0x22f: {  	[smem:$0x7ED] =	sst s4;
	s4 =	sadd.s32 $0xA80, s30  }
0x230: {  	[hbm4b:s4+s2] =	stream.linear.scatter [tilespmem:s17], [sflag:$0x1], $0x1900, $0x38;
	[tilespmem:$0x1C000] =	vst v63  }
0x231: {  	[smem:$0x7EE] =	sst s22;
	s22 =	sadd.s32 $0xE00, s30  }
0x232: {  	[hbm4b:s22+s2] =	stream.linear.scatter [tilespmem:s15], [sflag:$0x1], $0x1900, $0x38;
	[tilespmem:$0x1C000] =	vst v63  }
0x233: {  	[smem:$0x7EF] =	sst s23;
	s23 =	sadd.s32 $0x1180, s30  }
0x234: {  	[hbm4b:s23+s2] =	stream.linear.scatter [tilespmem:s13], [sflag:$0x1], $0x1900, $0x38;
	[tilespmem:$0x1C000] =	vst v63  }
0x235: {  	[smem:$0x7F0] =	sst s1;
	s1 =	sadd.s32 $0x1500, s30  }
0x236: {  	[hbm4b:s1+s2] =	stream.linear.scatter [tilespmem:s18], [sflag:$0x1], $0x1900, $0x38;
	[tilespmem:$0x1C000] =	vst v63  }
0x237: {  	[smem:$0x7F1] =	sst s4;
	s4 =	sadd.s32 $0x1880, s30  }
0x238: {  	[hbm4b:s4+s2] =	stream.linear.scatter [tilespmem:s16], [sflag:$0x1], $0x1900, $0x38;
	[tilespmem:$0x1C000] =	vst v63  }
0x239: {  	[smem:$0x7F2] =	sst s22;
	s22 =	sadd.s32 $0x1C00, s30  }
0x23a: {  	[hbm4b:s22+s2] =	stream.linear.scatter [tilespmem:s14], [sflag:$0x1], $0x1900, $0x38;
	[tilespmem:$0x1C000] =	vst v63  }
0x23b: {  	[smem:$0x7F3] =	sst s23;
	s23 =	sadd.s32 $0x1F80, s30  }
0x23c: {  	[hbm4b:s23+s2] =	stream.linear.scatter [tilespmem:s12], [sflag:$0x1], $0x1900, $0x38;
	[tilespmem:$0x1C000] =	vst v63  }
0x23d: {  	[smem:$0x7F4] =	sst s1;
	s1 =	sadd.s32 $0x2300, s30  }
0x23e: {  	[hbm4b:s1+s2] =	stream.linear.scatter [tilespmem:s11], [sflag:$0x1], $0x1900, $0x38;
	[tilespmem:$0x1C000] =	vst v63  }
0x23f: {  	[smem:$0x7F5] =	sst s4;
	s4 =	sadd.s32 $0x2680, s30  }
0x240: {  	[hbm4b:s4+s2] =	stream.linear.scatter [tilespmem:s9], [sflag:$0x1], $0x1900, $0x38;
	[tilespmem:$0x1C000] =	vst v63  }
0x241: {  	[smem:$0x785] =	sst s0;
	s10 =	sadd.s32 $0x2A00, s30  }
0x242: {  	[hbm4b:s10+s2] =	stream.linear.scatter [tilespmem:s8], [sflag:$0x1], $0x1900, $0x38;
	[tilespmem:$0x1C000] =	vst v63  }
0x243: {  	[smem:$0x7F8] =	sst s23;
	s23 =	smov.u32 s1;
	s1 =	sadd.s32 $0x2D80, s30  }
0x244: {  	[hbm4b:s1+s2] =	stream.linear.scatter [tilespmem:s7], [sflag:$0x1], $0x1900, $0x38;
	[tilespmem:$0x1C000] =	vst v63  }
0x245: {  	[smem:$0x7F7] =	sst s22;
	s22 =	smov.u32 s4;
	s4 =	sadd.s32 $0x3100, s30  }
0x246: {  	[hbm4b:s4+s2] =	stream.linear.scatter [tilespmem:s6], [sflag:$0x1], $0x1900, $0x38;
	[tilespmem:$0x1C000] =	vst v63  }
0x247: {  	s28 =	smov.u32 s10;
	s10 =	smov.u32 s1;
	s1 =	sadd.s32 $0x3480, s30  }
0x248: {  	[hbm4b:s1+s2] =	stream.linear.scatter [tilespmem:s5], [sflag:$0x1], $0x1900, $0x38;
	[tilespmem:$0x1C000] =	vst v63  }
0x249: {  	_ =	swait.ge [sflag:s3], $0x19000  }
0x24a: {  	[sflag:s3] =	ssyncset.done $0x0  }
0x24b: {  	[sflag:s3] =	ssyncadd.s32 $0xFFFE7000  }
0x24c: {  	_ =	swait.ge [sflag:s3], $0x19000  }
0x24d: {  	[sflag:s3] =	ssyncset.done $0x0  }
0x24e: {  	[sflag:s3] =	ssyncadd.s32 $0xFFFE7000  }
0x24f: {  	_ =	swait.ge [sflag:s3], $0x19000  }
0x250: {  	[sflag:s3] =	ssyncset.done $0x0  }
0x251: {  	[sflag:s3] =	ssyncadd.s32 $0xFFFE7000  }
0x252: {  	_ =	swait.ge [sflag:s3], $0x19000  }
0x253: {  	[sflag:s3] =	ssyncset.done $0x0  }
0x254: {  	[sflag:s3] =	ssyncadd.s32 $0xFFFE7000  }
0x255: {  	_ =	swait.ge [sflag:s3], $0x19000  }
0x256: {  	[sflag:s3] =	ssyncset.done $0x0  }
0x257: {  	[sflag:s3] =	ssyncadd.s32 $0xFFFE7000  }
0x258: {  	_ =	swait.ge [sflag:s3], $0x19000  }
0x259: {  	[sflag:s3] =	ssyncset.done $0x0  }
0x25a: {  	[sflag:s3] =	ssyncadd.s32 $0xFFFE7000  }
0x25b: {  	_ =	swait.ge [sflag:s3], $0x19000  }
0x25c: {  	[sflag:s3] =	ssyncset.done $0x0  }
0x25d: {  	[sflag:s3] =	ssyncadd.s32 $0xFFFE7000  }
0x25e: {  	_ =	swait.ge [sflag:s3], $0x19000  }
0x25f: {  	[sflag:s3] =	ssyncset.done $0x0  }
0x260: {  	[sflag:s3] =	ssyncadd.s32 $0xFFFE7000  }
0x261: {  	_ =	swait.ge [sflag:s3], $0x19000  }
0x262: {  	[sflag:s3] =	ssyncset.done $0x0  }
0x263: {  	[sflag:s3] =	ssyncadd.s32 $0xFFFE7000  }
0x264: {  	_ =	swait.ge [sflag:s3], $0x19000  }
0x265: {  	[sflag:s3] =	ssyncset.done $0x0  }
0x266: {  	[sflag:s3] =	ssyncadd.s32 $0xFFFE7000  }
0x267: {  	_ =	swait.ge [sflag:s3], $0x19000  }
0x268: {  	[sflag:s3] =	ssyncset.done $0x0  }
0x269: {  	[sflag:s3] =	ssyncadd.s32 $0xFFFE7000  }
0x26a: {  	_ =	swait.ge [sflag:s3], $0x19000  }
0x26b: {  	[sflag:s3] =	ssyncset.done $0x0  }
0x26c: {  	[sflag:s3] =	ssyncadd.s32 $0xFFFE7000  }
0x26d: {  	_ =	swait.ge [sflag:s3], $0x19000  }
0x26e: {  	[sflag:s3] =	ssyncset.done $0x0  }
0x26f: {  	[sflag:s3] =	ssyncadd.s32 $0xFFFE7000  }
0x270: {  	_ =	swait.ge [sflag:s3], $0x19000  }
0x271: {  	[sflag:s3] =	ssyncset.done $0x0  }
0x272: {  	[sflag:s3] =	ssyncadd.s32 $0xFFFE7000  }
0x273: {  	_ =	swait.ge [sflag:s3], $0x19000  }
0x274: {  	s26 =	smov.u32 s4;
	s4 =	smov.u32 s1;
	s1 =	sld [smem:$0x7FD]  }
0x275: {  	_ =	sdelay $0x1  }
0x276: {  	p1 =	sne.s32 s1, $0x1  }
.Ltmp1:
0x277: {  	_ = 	snop;
	(pc) =	sbr.rel @!p1 .LBB2_2-.Ltmp1, $4  }
0x278: {  	[sflag:s3] =	ssyncset.done $0x0  }
0x279: {  	[sflag:s3] =	ssyncadd.s32 $0xFFFE7000  }
0x27a: {  	p0 =	por $0x1, $0x1;
	_ =	swait.ge [sflag:s3], $0x19000  }
0x27b: {  	s21 =	simm.s32 $0x2;
	s29 =	sadd.s32 $0xFFFFFFFF, s1;
	[sflag:s3] =	ssyncset.done $0x0  }
.LBB2_3:
0x27c: {  	s0 =	sld [smem:$0x7F9];
	_ =	sdelay $0x1  }
0x27d: {  	[sflag:s3] =	ssyncadd.s32 $0xFFFE7000  }
0x27e: {  	[tilespmem:s2], [sflag:$0x2] =	stream.linear.gather [hbm4b:s0+s2], $0x1900, $0x38;
	[tilespmem:$0x1C000] =	vst v63  }
0x27f: {  	s1 =	smov.u32 s30;
	s30 =	rddreg [dreg:$0x3]  }
0x280: {  	[tilespmem:s20], [sflag:$0x2] =	stream.linear.gather [hbm4b:s30+s2], $0x1900, $0x38;
	[tilespmem:$0x1C000] =	vst v63  }
0x281: {  	s0 =	smov.u32 s31;
	s31 =	rddreg [dreg:$0x4]  }
0x282: {  	[tilespmem:s19], [sflag:$0x2] =	stream.linear.gather [hbm4b:s31+s2], $0x1900, $0x38;
	[tilespmem:$0x1C000] =	vst v63  }
0x283: {  	s30 =	rddreg [dreg:$0x5]  }
0x284: {  	[tilespmem:s17], [sflag:$0x2] =	stream.linear.gather [hbm4b:s30+s2], $0x1900, $0x38;
	[tilespmem:$0x1C000] =	vst v63  }
0x285: {  	s31 =	rddreg [dreg:$0x6]  }
0x286: {  	[tilespmem:s15], [sflag:$0x2] =	stream.linear.gather [hbm4b:s31+s2], $0x1900, $0x38;
	[tilespmem:$0x1C000] =	vst v63  }
0x287: {  	s30 =	rddreg [dreg:$0x7]  }
0x288: {  	[tilespmem:s13], [sflag:$0x2] =	stream.linear.gather [hbm4b:s30+s2], $0x1900, $0x38;
	[tilespmem:$0x1C000] =	vst v63  }
0x289: {  	s31 =	rddreg [dreg:$0x8]  }
0x28a: {  	[tilespmem:s18], [sflag:$0x2] =	stream.linear.gather [hbm4b:s31+s2], $0x1900, $0x38;
	[tilespmem:$0x1C000] =	vst v63  }
0x28b: {  	s30 =	rddreg [dreg:$0x9]  }
0x28c: {  	[tilespmem:s16], [sflag:$0x2] =	stream.linear.gather [hbm4b:s30+s2], $0x1900, $0x38;
	[tilespmem:$0x1C000] =	vst v63  }
0x28d: {  	s31 =	rddreg [dreg:$0xa]  }
0x28e: {  	[tilespmem:s14], [sflag:$0x2] =	stream.linear.gather [hbm4b:s31+s2], $0x1900, $0x38;
	[tilespmem:$0x1C000] =	vst v63  }
0x28f: {  	s30 =	rddreg [dreg:$0xb]  }
0x290: {  	[tilespmem:s12], [sflag:$0x2] =	stream.linear.gather [hbm4b:s30+s2], $0x1900, $0x38;
	[tilespmem:$0x1C000] =	vst v63  }
0x291: {  	s31 =	rddreg [dreg:$0xc]  }
0x292: {  	[tilespmem:s11], [sflag:$0x2] =	stream.linear.gather [hbm4b:s31+s2], $0x1900, $0x38;
	[tilespmem:$0x1C000] =	vst v63  }
0x293: {  	s30 =	rddreg [dreg:$0xd]  }
0x294: {  	[tilespmem:s9], [sflag:$0x2] =	stream.linear.gather [hbm4b:s30+s2], $0x1900, $0x38;
	[tilespmem:$0x1C000] =	vst v63  }
0x295: {  	s31 =	rddreg [dreg:$0xe]  }
0x296: {  	[tilespmem:s8], [sflag:$0x2] =	stream.linear.gather [hbm4b:s31+s2], $0x1900, $0x38;
	[tilespmem:$0x1C000] =	vst v63  }
0x297: {  	s30 =	rddreg [dreg:$0xf]  }
0x298: {  	[tilespmem:s7], [sflag:$0x2] =	stream.linear.gather [hbm4b:s30+s2], $0x1900, $0x38;
	[tilespmem:$0x1C000] =	vst v63  }
0x299: {  	s31 =	rddreg [dreg:$0x10]  }
0x29a: {  	[tilespmem:s6], [sflag:$0x2] =	stream.linear.gather [hbm4b:s31+s2], $0x1900, $0x38;
	[tilespmem:$0x1C000] =	vst v63  }
0x29b: {  	s30 =	rddreg [dreg:$0x11]  }
0x29c: {  	[tilespmem:s5], [sflag:$0x2] =	stream.linear.gather [hbm4b:s30+s2], $0x1900, $0x38;
	[tilespmem:$0x1C000] =	vst v63  }
0x29d: {  	_ =	swait.ge [sflag:s21], $0x19000  }
0x29e: {  	[sflag:s21] =	ssyncset.done $0x0  }
0x29f: {  	s31 =	smov.u32 s0;
	s0 =	rddreg [dreg:$0x19];
	[sflag:s21] =	ssyncadd.s32 $0xFFFE7000  }
0x2a0: {  	[hbm4b:s0+s2] =	stream.linear.scatter [tilespmem:s2], [sflag:$0x1], $0x1900, $0x38;
	[tilespmem:$0x1C000] =	vst v63  }
0x2a1: {  	s0 =	rddreg [dreg:$0x1a]  }
0x2a2: {  	[hbm4b:s0+s2] =	stream.linear.scatter [tilespmem:s20], [sflag:$0x1], $0x1900, $0x38;
	[tilespmem:$0x1C000] =	vst v63  }
0x2a3: {  	s0 =	rddreg [dreg:$0x1b]  }
0x2a4: {  	[hbm4b:s0+s2] =	stream.linear.scatter [tilespmem:s19], [sflag:$0x1], $0x1900, $0x38;
	[tilespmem:$0x1C000] =	vst v63  }
0x2a5: {  	s0 =	rddreg [dreg:$0x1c]  }
0x2a6: {  	[hbm4b:s0+s2] =	stream.linear.scatter [tilespmem:s17], [sflag:$0x1], $0x1900, $0x38;
	[tilespmem:$0x1C000] =	vst v63  }
0x2a7: {  	s0 =	rddreg [dreg:$0x1d]  }
0x2a8: {  	[hbm4b:s0+s2] =	stream.linear.scatter [tilespmem:s15], [sflag:$0x1], $0x1900, $0x38;
	[tilespmem:$0x1C000] =	vst v63  }
0x2a9: {  	s0 =	rddreg [dreg:$0x1e]  }
0x2aa: {  	[hbm4b:s0+s2] =	stream.linear.scatter [tilespmem:s13], [sflag:$0x1], $0x1900, $0x38;
	[tilespmem:$0x1C000] =	vst v63  }
0x2ab: {  	s0 =	rddreg [dreg:$0x1f]  }
0x2ac: {  	[hbm4b:s0+s2] =	stream.linear.scatter [tilespmem:s18], [sflag:$0x1], $0x1900, $0x38;
	[tilespmem:$0x1C000] =	vst v63  }
0x2ad: {  	s0 =	sld [smem:$0x714];
	_ =	sdelay $0x2  }
0x2ae: {  	[hbm4b:s0+s2] =	stream.linear.scatter [tilespmem:s16], [sflag:$0x1], $0x1900, $0x38;
	[tilespmem:$0x1C000] =	vst v63  }
0x2af: {  	s0 =	sld [smem:$0x715];
	_ =	sdelay $0x2  }
0x2b0: {  	[hbm4b:s0+s2] =	stream.linear.scatter [tilespmem:s14], [sflag:$0x1], $0x1900, $0x38;
	[tilespmem:$0x1C000] =	vst v63  }
0x2b1: {  	s0 =	sld [smem:$0x716];
	_ =	sdelay $0x2  }
0x2b2: {  	[hbm4b:s0+s2] =	stream.linear.scatter [tilespmem:s12], [sflag:$0x1], $0x1900, $0x38;
	[tilespmem:$0x1C000] =	vst v63  }
0x2b3: {  	s0 =	sld [smem:$0x717];
	_ =	sdelay $0x2  }
0x2b4: {  	[hbm4b:s0+s2] =	stream.linear.scatter [tilespmem:s11], [sflag:$0x1], $0x1900, $0x38;
	[tilespmem:$0x1C000] =	vst v63  }
0x2b5: {  	s0 =	sld [smem:$0x718];
	_ =	sdelay $0x2  }
0x2b6: {  	[hbm4b:s0+s2] =	stream.linear.scatter [tilespmem:s9], [sflag:$0x1], $0x1900, $0x38;
	[tilespmem:$0x1C000] =	vst v63  }
0x2b7: {  	s0 =	sld [smem:$0x719];
	_ =	sdelay $0x2  }
0x2b8: {  	[hbm4b:s0+s2] =	stream.linear.scatter [tilespmem:s8], [sflag:$0x1], $0x1900, $0x38;
	[tilespmem:$0x1C000] =	vst v63  }
0x2b9: {  	s0 =	sld [smem:$0x71A];
	_ =	sdelay $0x2  }
0x2ba: {  	[hbm4b:s0+s2] =	stream.linear.scatter [tilespmem:s7], [sflag:$0x1], $0x1900, $0x38;
	[tilespmem:$0x1C000] =	vst v63  }
0x2bb: {  	s0 =	sld [smem:$0x71B];
	_ =	sdelay $0x2  }
0x2bc: {  	[hbm4b:s0+s2] =	stream.linear.scatter [tilespmem:s6], [sflag:$0x1], $0x1900, $0x38;
	[tilespmem:$0x1C000] =	vst v63  }
0x2bd: {  	s0 =	sld [smem:$0x71C];
	_ =	sdelay $0x2  }
0x2be: {  	[hbm4b:s0+s2] =	stream.linear.scatter [tilespmem:s5], [sflag:$0x1], $0x1900, $0x38;
	[tilespmem:$0x1C000] =	vst v63  }
0x2bf: {  	s0 =	rddreg [dreg:$0x18]  }
0x2c0: {  	[hbm4b:s0+s2] =	stream.linear.scatter [tilespmem:s2], [sflag:$0x1], $0x1900, $0x38;
	[tilespmem:$0x1C000] =	vst v63  }
0x2c1: {  	s0 =	sld [smem:$0x71D];
	_ =	sdelay $0x2  }
0x2c2: {  	[hbm4b:s0+s2] =	stream.linear.scatter [tilespmem:s20], [sflag:$0x1], $0x1900, $0x38;
	[tilespmem:$0x1C000] =	vst v63  }
0x2c3: {  	s0 =	sld [smem:$0x71E];
	_ =	sdelay $0x2  }
0x2c4: {  	[hbm4b:s0+s2] =	stream.linear.scatter [tilespmem:s19], [sflag:$0x1], $0x1900, $0x38;
	[tilespmem:$0x1C000] =	vst v63  }
0x2c5: {  	s0 =	sld [smem:$0x71F];
	_ =	sdelay $0x2  }
0x2c6: {  	[hbm4b:s0+s2] =	stream.linear.scatter [tilespmem:s17], [sflag:$0x1], $0x1900, $0x38;
	[tilespmem:$0x1C000] =	vst v63  }
0x2c7: {  	s0 =	sld [smem:$0x720];
	_ =	sdelay $0x2  }
0x2c8: {  	[hbm4b:s0+s2] =	stream.linear.scatter [tilespmem:s15], [sflag:$0x1], $0x1900, $0x38;
	[tilespmem:$0x1C000] =	vst v63  }
0x2c9: {  	s0 =	sld [smem:$0x721];
	_ =	sdelay $0x2  }
0x2ca: {  	[hbm4b:s0+s2] =	stream.linear.scatter [tilespmem:s13], [sflag:$0x1], $0x1900, $0x38;
	[tilespmem:$0x1C000] =	vst v63  }
0x2cb: {  	s0 =	sld [smem:$0x722];
	_ =	sdelay $0x2  }
0x2cc: {  	[hbm4b:s0+s2] =	stream.linear.scatter [tilespmem:s18], [sflag:$0x1], $0x1900, $0x38;
	[tilespmem:$0x1C000] =	vst v63  }
0x2cd: {  	s0 =	sld [smem:$0x723];
	_ =	sdelay $0x2  }
0x2ce: {  	[hbm4b:s0+s2] =	stream.linear.scatter [tilespmem:s16], [sflag:$0x1], $0x1900, $0x38;
	[tilespmem:$0x1C000] =	vst v63  }
0x2cf: {  	s0 =	sld [smem:$0x724];
	_ =	sdelay $0x2  }
0x2d0: {  	[hbm4b:s0+s2] =	stream.linear.scatter [tilespmem:s14], [sflag:$0x1], $0x1900, $0x38;
	[tilespmem:$0x1C000] =	vst v63  }
0x2d1: {  	s0 =	sld [smem:$0x725];
	_ =	sdelay $0x2  }
0x2d2: {  	[hbm4b:s0+s2] =	stream.linear.scatter [tilespmem:s12], [sflag:$0x1], $0x1900, $0x38;
	[tilespmem:$0x1C000] =	vst v63  }
0x2d3: {  	s0 =	sld [smem:$0x726];
	_ =	sdelay $0x2  }
0x2d4: {  	[hbm4b:s0+s2] =	stream.linear.scatter [tilespmem:s11], [sflag:$0x1], $0x1900, $0x38;
	[tilespmem:$0x1C000] =	vst v63  }
0x2d5: {  	s0 =	sld [smem:$0x727];
	_ =	sdelay $0x2  }
0x2d6: {  	[hbm4b:s0+s2] =	stream.linear.scatter [tilespmem:s9], [sflag:$0x1], $0x1900, $0x38;
	[tilespmem:$0x1C000] =	vst v63  }
0x2d7: {  	s0 =	sld [smem:$0x728];
	_ =	sdelay $0x2  }
0x2d8: {  	[hbm4b:s0+s2] =	stream.linear.scatter [tilespmem:s8], [sflag:$0x1], $0x1900, $0x38;
	[tilespmem:$0x1C000] =	vst v63  }
0x2d9: {  	s0 =	sld [smem:$0x729];
	_ =	sdelay $0x2  }
0x2da: {  	[hbm4b:s0+s2] =	stream.linear.scatter [tilespmem:s7], [sflag:$0x1], $0x1900, $0x38;
	[tilespmem:$0x1C000] =	vst v63  }
0x2db: {  	s0 =	sld [smem:$0x72A];
	_ =	sdelay $0x2  }
0x2dc: {  	[hbm4b:s0+s2] =	stream.linear.scatter [tilespmem:s6], [sflag:$0x1], $0x1900, $0x38;
	[tilespmem:$0x1C000] =	vst v63  }
0x2dd: {  	s0 =	sld [smem:$0x72B];
	_ =	sdelay $0x2  }
0x2de: {  	[hbm4b:s0+s2] =	stream.linear.scatter [tilespmem:s5], [sflag:$0x1], $0x1900, $0x38;
	[tilespmem:$0x1C000] =	vst v63  }
0x2df: {  	s0 =	rddreg [dreg:$0x17]  }
0x2e0: {  	[hbm4b:s0+s2] =	stream.linear.scatter [tilespmem:s2], [sflag:$0x1], $0x1900, $0x38;
	[tilespmem:$0x1C000] =	vst v63  }
0x2e1: {  	s0 =	sld [smem:$0x72C];
	_ =	sdelay $0x2  }
0x2e2: {  	[hbm4b:s0+s2] =	stream.linear.scatter [tilespmem:s20], [sflag:$0x1], $0x1900, $0x38;
	[tilespmem:$0x1C000] =	vst v63  }
0x2e3: {  	s0 =	sld [smem:$0x72D];
	_ =	sdelay $0x2  }
0x2e4: {  	[hbm4b:s0+s2] =	stream.linear.scatter [tilespmem:s19], [sflag:$0x1], $0x1900, $0x38;
	[tilespmem:$0x1C000] =	vst v63  }
0x2e5: {  	s0 =	sld [smem:$0x72E];
	_ =	sdelay $0x2  }
0x2e6: {  	[hbm4b:s0+s2] =	stream.linear.scatter [tilespmem:s17], [sflag:$0x1], $0x1900, $0x38;
	[tilespmem:$0x1C000] =	vst v63  }
0x2e7: {  	s0 =	sld [smem:$0x72F];
	_ =	sdelay $0x2  }
0x2e8: {  	[hbm4b:s0+s2] =	stream.linear.scatter [tilespmem:s15], [sflag:$0x1], $0x1900, $0x38;
	[tilespmem:$0x1C000] =	vst v63  }
0x2e9: {  	s0 =	sld [smem:$0x730];
	_ =	sdelay $0x2  }
0x2ea: {  	[hbm4b:s0+s2] =	stream.linear.scatter [tilespmem:s13], [sflag:$0x1], $0x1900, $0x38;
	[tilespmem:$0x1C000] =	vst v63  }
0x2eb: {  	s0 =	sld [smem:$0x731];
	_ =	sdelay $0x2  }
0x2ec: {  	[hbm4b:s0+s2] =	stream.linear.scatter [tilespmem:s18], [sflag:$0x1], $0x1900, $0x38;
	[tilespmem:$0x1C000] =	vst v63  }
0x2ed: {  	s0 =	sld [smem:$0x732];
	_ =	sdelay $0x2  }
0x2ee: {  	[hbm4b:s0+s2] =	stream.linear.scatter [tilespmem:s16], [sflag:$0x1], $0x1900, $0x38;
	[tilespmem:$0x1C000] =	vst v63  }
0x2ef: {  	s0 =	sld [smem:$0x733];
	_ =	sdelay $0x2  }
0x2f0: {  	[hbm4b:s0+s2] =	stream.linear.scatter [tilespmem:s14], [sflag:$0x1], $0x1900, $0x38;
	[tilespmem:$0x1C000] =	vst v63  }
0x2f1: {  	s0 =	sld [smem:$0x734];
	_ =	sdelay $0x2  }
0x2f2: {  	[hbm4b:s0+s2] =	stream.linear.scatter [tilespmem:s12], [sflag:$0x1], $0x1900, $0x38;
	[tilespmem:$0x1C000] =	vst v63  }
0x2f3: {  	s0 =	sld [smem:$0x735];
	_ =	sdelay $0x2  }
0x2f4: {  	[hbm4b:s0+s2] =	stream.linear.scatter [tilespmem:s11], [sflag:$0x1], $0x1900, $0x38;
	[tilespmem:$0x1C000] =	vst v63  }
0x2f5: {  	s0 =	sld [smem:$0x736];
	_ =	sdelay $0x2  }
0x2f6: {  	[hbm4b:s0+s2] =	stream.linear.scatter [tilespmem:s9], [sflag:$0x1], $0x1900, $0x38;
	[tilespmem:$0x1C000] =	vst v63  }
0x2f7: {  	s0 =	sld [smem:$0x737];
	_ =	sdelay $0x2  }
0x2f8: {  	[hbm4b:s0+s2] =	stream.linear.scatter [tilespmem:s8], [sflag:$0x1], $0x1900, $0x38;
	[tilespmem:$0x1C000] =	vst v63  }
0x2f9: {  	s0 =	sld [smem:$0x738];
	_ =	sdelay $0x2  }
0x2fa: {  	[hbm4b:s0+s2] =	stream.linear.scatter [tilespmem:s7], [sflag:$0x1], $0x1900, $0x38;
	[tilespmem:$0x1C000] =	vst v63  }
0x2fb: {  	s0 =	sld [smem:$0x739];
	_ =	sdelay $0x2  }
0x2fc: {  	[hbm4b:s0+s2] =	stream.linear.scatter [tilespmem:s6], [sflag:$0x1], $0x1900, $0x38;
	[tilespmem:$0x1C000] =	vst v63  }
0x2fd: {  	s0 =	sld [smem:$0x73A];
	_ =	sdelay $0x2  }
0x2fe: {  	[hbm4b:s0+s2] =	stream.linear.scatter [tilespmem:s5], [sflag:$0x1], $0x1900, $0x38;
	[tilespmem:$0x1C000] =	vst v63  }
0x2ff: {  	s0 =	rddreg [dreg:$0x16]  }
0x300: {  	[hbm4b:s0+s2] =	stream.linear.scatter [tilespmem:s2], [sflag:$0x1], $0x1900, $0x38;
	[tilespmem:$0x1C000] =	vst v63  }
0x301: {  	s0 =	sld [smem:$0x73B];
	_ =	sdelay $0x2  }
0x302: {  	[hbm4b:s0+s2] =	stream.linear.scatter [tilespmem:s20], [sflag:$0x1], $0x1900, $0x38;
	[tilespmem:$0x1C000] =	vst v63  }
0x303: {  	s0 =	sld [smem:$0x73C];
	_ =	sdelay $0x2  }
0x304: {  	[hbm4b:s0+s2] =	stream.linear.scatter [tilespmem:s19], [sflag:$0x1], $0x1900, $0x38;
	[tilespmem:$0x1C000] =	vst v63  }
0x305: {  	s0 =	sld [smem:$0x73D];
	_ =	sdelay $0x2  }
0x306: {  	[hbm4b:s0+s2] =	stream.linear.scatter [tilespmem:s17], [sflag:$0x1], $0x1900, $0x38;
	[tilespmem:$0x1C000] =	vst v63  }
0x307: {  	s0 =	sld [smem:$0x73E];
	_ =	sdelay $0x2  }
0x308: {  	[hbm4b:s0+s2] =	stream.linear.scatter [tilespmem:s15], [sflag:$0x1], $0x1900, $0x38;
	[tilespmem:$0x1C000] =	vst v63  }
0x309: {  	s0 =	sld [smem:$0x73F];
	_ =	sdelay $0x2  }
0x30a: {  	[hbm4b:s0+s2] =	stream.linear.scatter [tilespmem:s13], [sflag:$0x1], $0x1900, $0x38;
	[tilespmem:$0x1C000] =	vst v63  }
0x30b: {  	s0 =	sld [smem:$0x740];
	_ =	sdelay $0x2  }
0x30c: {  	[hbm4b:s0+s2] =	stream.linear.scatter [tilespmem:s18], [sflag:$0x1], $0x1900, $0x38;
	[tilespmem:$0x1C000] =	vst v63  }
0x30d: {  	s0 =	sld [smem:$0x741];
	_ =	sdelay $0x2  }
0x30e: {  	[hbm4b:s0+s2] =	stream.linear.scatter [tilespmem:s16], [sflag:$0x1], $0x1900, $0x38;
	[tilespmem:$0x1C000] =	vst v63  }
0x30f: {  	s0 =	sld [smem:$0x742];
	_ =	sdelay $0x2  }
0x310: {  	[hbm4b:s0+s2] =	stream.linear.scatter [tilespmem:s14], [sflag:$0x1], $0x1900, $0x38;
	[tilespmem:$0x1C000] =	vst v63  }
0x311: {  	s0 =	sld [smem:$0x743];
	_ =	sdelay $0x2  }
0x312: {  	[hbm4b:s0+s2] =	stream.linear.scatter [tilespmem:s12], [sflag:$0x1], $0x1900, $0x38;
	[tilespmem:$0x1C000] =	vst v63  }
0x313: {  	s0 =	sld [smem:$0x744];
	_ =	sdelay $0x2  }
0x314: {  	[hbm4b:s0+s2] =	stream.linear.scatter [tilespmem:s11], [sflag:$0x1], $0x1900, $0x38;
	[tilespmem:$0x1C000] =	vst v63  }
0x315: {  	s0 =	sld [smem:$0x745];
	_ =	sdelay $0x2  }
0x316: {  	[hbm4b:s0+s2] =	stream.linear.scatter [tilespmem:s9], [sflag:$0x1], $0x1900, $0x38;
	[tilespmem:$0x1C000] =	vst v63  }
0x317: {  	s0 =	sld [smem:$0x746];
	_ =	sdelay $0x2  }
0x318: {  	[hbm4b:s0+s2] =	stream.linear.scatter [tilespmem:s8], [sflag:$0x1], $0x1900, $0x38;
	[tilespmem:$0x1C000] =	vst v63  }
0x319: {  	s0 =	sld [smem:$0x747];
	_ =	sdelay $0x2  }
0x31a: {  	[hbm4b:s0+s2] =	stream.linear.scatter [tilespmem:s7], [sflag:$0x1], $0x1900, $0x38;
	[tilespmem:$0x1C000] =	vst v63  }
0x31b: {  	s0 =	sld [smem:$0x748];
	_ =	sdelay $0x2  }
0x31c: {  	[hbm4b:s0+s2] =	stream.linear.scatter [tilespmem:s6], [sflag:$0x1], $0x1900, $0x38;
	[tilespmem:$0x1C000] =	vst v63  }
0x31d: {  	s0 =	sld [smem:$0x749];
	_ =	sdelay $0x2  }
0x31e: {  	[hbm4b:s0+s2] =	stream.linear.scatter [tilespmem:s5], [sflag:$0x1], $0x1900, $0x38;
	[tilespmem:$0x1C000] =	vst v63  }
0x31f: {  	s0 =	rddreg [dreg:$0x15]  }
0x320: {  	[hbm4b:s0+s2] =	stream.linear.scatter [tilespmem:s2], [sflag:$0x1], $0x1900, $0x38;
	[tilespmem:$0x1C000] =	vst v63  }
0x321: {  	s0 =	sld [smem:$0x74A];
	_ =	sdelay $0x2  }
0x322: {  	[hbm4b:s0+s2] =	stream.linear.scatter [tilespmem:s20], [sflag:$0x1], $0x1900, $0x38;
	[tilespmem:$0x1C000] =	vst v63  }
0x323: {  	s0 =	sld [smem:$0x74B];
	_ =	sdelay $0x2  }
0x324: {  	[hbm4b:s0+s2] =	stream.linear.scatter [tilespmem:s19], [sflag:$0x1], $0x1900, $0x38;
	[tilespmem:$0x1C000] =	vst v63  }
0x325: {  	s0 =	sld [smem:$0x74C];
	_ =	sdelay $0x2  }
0x326: {  	[hbm4b:s0+s2] =	stream.linear.scatter [tilespmem:s17], [sflag:$0x1], $0x1900, $0x38;
	[tilespmem:$0x1C000] =	vst v63  }
0x327: {  	s0 =	sld [smem:$0x74D];
	_ =	sdelay $0x2  }
0x328: {  	[hbm4b:s0+s2] =	stream.linear.scatter [tilespmem:s15], [sflag:$0x1], $0x1900, $0x38;
	[tilespmem:$0x1C000] =	vst v63  }
0x329: {  	s0 =	sld [smem:$0x74E];
	_ =	sdelay $0x2  }
0x32a: {  	[hbm4b:s0+s2] =	stream.linear.scatter [tilespmem:s13], [sflag:$0x1], $0x1900, $0x38;
	[tilespmem:$0x1C000] =	vst v63  }
0x32b: {  	s0 =	sld [smem:$0x74F];
	_ =	sdelay $0x2  }
0x32c: {  	[hbm4b:s0+s2] =	stream.linear.scatter [tilespmem:s18], [sflag:$0x1], $0x1900, $0x38;
	[tilespmem:$0x1C000] =	vst v63  }
0x32d: {  	s0 =	sld [smem:$0x750];
	_ =	sdelay $0x2  }
0x32e: {  	[hbm4b:s0+s2] =	stream.linear.scatter [tilespmem:s16], [sflag:$0x1], $0x1900, $0x38;
	[tilespmem:$0x1C000] =	vst v63  }
0x32f: {  	s0 =	sld [smem:$0x751];
	_ =	sdelay $0x2  }
0x330: {  	[hbm4b:s0+s2] =	stream.linear.scatter [tilespmem:s14], [sflag:$0x1], $0x1900, $0x38;
	[tilespmem:$0x1C000] =	vst v63  }
0x331: {  	s0 =	sld [smem:$0x752];
	_ =	sdelay $0x2  }
0x332: {  	[hbm4b:s0+s2] =	stream.linear.scatter [tilespmem:s12], [sflag:$0x1], $0x1900, $0x38;
	[tilespmem:$0x1C000] =	vst v63  }
0x333: {  	s0 =	sld [smem:$0x753];
	_ =	sdelay $0x2  }
0x334: {  	[hbm4b:s0+s2] =	stream.linear.scatter [tilespmem:s11], [sflag:$0x1], $0x1900, $0x38;
	[tilespmem:$0x1C000] =	vst v63  }
0x335: {  	s0 =	sld [smem:$0x754];
	_ =	sdelay $0x2  }
0x336: {  	[hbm4b:s0+s2] =	stream.linear.scatter [tilespmem:s9], [sflag:$0x1], $0x1900, $0x38;
	[tilespmem:$0x1C000] =	vst v63  }
0x337: {  	s0 =	sld [smem:$0x755];
	_ =	sdelay $0x2  }
0x338: {  	[hbm4b:s0+s2] =	stream.linear.scatter [tilespmem:s8], [sflag:$0x1], $0x1900, $0x38;
	[tilespmem:$0x1C000] =	vst v63  }
0x339: {  	s0 =	sld [smem:$0x756];
	_ =	sdelay $0x2  }
0x33a: {  	[hbm4b:s0+s2] =	stream.linear.scatter [tilespmem:s7], [sflag:$0x1], $0x1900, $0x38;
	[tilespmem:$0x1C000] =	vst v63  }
0x33b: {  	s0 =	sld [smem:$0x757];
	_ =	sdelay $0x2  }
0x33c: {  	[hbm4b:s0+s2] =	stream.linear.scatter [tilespmem:s6], [sflag:$0x1], $0x1900, $0x38;
	[tilespmem:$0x1C000] =	vst v63  }
0x33d: {  	s0 =	sld [smem:$0x758];
	_ =	sdelay $0x2  }
0x33e: {  	[hbm4b:s0+s2] =	stream.linear.scatter [tilespmem:s5], [sflag:$0x1], $0x1900, $0x38;
	[tilespmem:$0x1C000] =	vst v63  }
0x33f: {  	s0 =	rddreg [dreg:$0x14]  }
0x340: {  	[hbm4b:s0+s2] =	stream.linear.scatter [tilespmem:s2], [sflag:$0x1], $0x1900, $0x38;
	[tilespmem:$0x1C000] =	vst v63  }
0x341: {  	s0 =	sld [smem:$0x759];
	_ =	sdelay $0x2  }
0x342: {  	[hbm4b:s0+s2] =	stream.linear.scatter [tilespmem:s20], [sflag:$0x1], $0x1900, $0x38;
	[tilespmem:$0x1C000] =	vst v63  }
0x343: {  	s0 =	sld [smem:$0x75A];
	_ =	sdelay $0x2  }
0x344: {  	[hbm4b:s0+s2] =	stream.linear.scatter [tilespmem:s19], [sflag:$0x1], $0x1900, $0x38;
	[tilespmem:$0x1C000] =	vst v63  }
0x345: {  	s0 =	sld [smem:$0x75B];
	_ =	sdelay $0x2  }
0x346: {  	[hbm4b:s0+s2] =	stream.linear.scatter [tilespmem:s17], [sflag:$0x1], $0x1900, $0x38;
	[tilespmem:$0x1C000] =	vst v63  }
0x347: {  	s0 =	sld [smem:$0x75C];
	_ =	sdelay $0x2  }
0x348: {  	[hbm4b:s0+s2] =	stream.linear.scatter [tilespmem:s15], [sflag:$0x1], $0x1900, $0x38;
	[tilespmem:$0x1C000] =	vst v63  }
0x349: {  	s0 =	sld [smem:$0x75D];
	_ =	sdelay $0x2  }
0x34a: {  	[hbm4b:s0+s2] =	stream.linear.scatter [tilespmem:s13], [sflag:$0x1], $0x1900, $0x38;
	[tilespmem:$0x1C000] =	vst v63  }
0x34b: {  	s0 =	sld [smem:$0x75E];
	_ =	sdelay $0x2  }
0x34c: {  	[hbm4b:s0+s2] =	stream.linear.scatter [tilespmem:s18], [sflag:$0x1], $0x1900, $0x38;
	[tilespmem:$0x1C000] =	vst v63  }
0x34d: {  	s0 =	sld [smem:$0x75F];
	_ =	sdelay $0x2  }
0x34e: {  	[hbm4b:s0+s2] =	stream.linear.scatter [tilespmem:s16], [sflag:$0x1], $0x1900, $0x38;
	[tilespmem:$0x1C000] =	vst v63  }
0x34f: {  	s0 =	sld [smem:$0x760];
	_ =	sdelay $0x2  }
0x350: {  	[hbm4b:s0+s2] =	stream.linear.scatter [tilespmem:s14], [sflag:$0x1], $0x1900, $0x38;
	[tilespmem:$0x1C000] =	vst v63  }
0x351: {  	s0 =	sld [smem:$0x761];
	_ =	sdelay $0x2  }
0x352: {  	[hbm4b:s0+s2] =	stream.linear.scatter [tilespmem:s12], [sflag:$0x1], $0x1900, $0x38;
	[tilespmem:$0x1C000] =	vst v63  }
0x353: {  	s0 =	sld [smem:$0x762];
	_ =	sdelay $0x2  }
0x354: {  	[hbm4b:s0+s2] =	stream.linear.scatter [tilespmem:s11], [sflag:$0x1], $0x1900, $0x38;
	[tilespmem:$0x1C000] =	vst v63  }
0x355: {  	s0 =	sld [smem:$0x763];
	_ =	sdelay $0x2  }
0x356: {  	[hbm4b:s0+s2] =	stream.linear.scatter [tilespmem:s9], [sflag:$0x1], $0x1900, $0x38;
	[tilespmem:$0x1C000] =	vst v63  }
0x357: {  	s0 =	sld [smem:$0x764];
	_ =	sdelay $0x2  }
0x358: {  	[hbm4b:s0+s2] =	stream.linear.scatter [tilespmem:s8], [sflag:$0x1], $0x1900, $0x38;
	[tilespmem:$0x1C000] =	vst v63  }
0x359: {  	s0 =	sld [smem:$0x765];
	_ =	sdelay $0x2  }
0x35a: {  	[hbm4b:s0+s2] =	stream.linear.scatter [tilespmem:s7], [sflag:$0x1], $0x1900, $0x38;
	[tilespmem:$0x1C000] =	vst v63  }
0x35b: {  	s0 =	sld [smem:$0x766];
	_ =	sdelay $0x2  }
0x35c: {  	[hbm4b:s0+s2] =	stream.linear.scatter [tilespmem:s6], [sflag:$0x1], $0x1900, $0x38;
	[tilespmem:$0x1C000] =	vst v63  }
0x35d: {  	s0 =	sld [smem:$0x767];
	_ =	sdelay $0x2  }
0x35e: {  	[hbm4b:s0+s2] =	stream.linear.scatter [tilespmem:s5], [sflag:$0x1], $0x1900, $0x38;
	[tilespmem:$0x1C000] =	vst v63  }
0x35f: {  	s0 =	rddreg [dreg:$0x13]  }
0x360: {  	[hbm4b:s0+s2] =	stream.linear.scatter [tilespmem:s2], [sflag:$0x1], $0x1900, $0x38;
	[tilespmem:$0x1C000] =	vst v63  }
0x361: {  	s0 =	sld [smem:$0x768];
	_ =	sdelay $0x2  }
0x362: {  	[hbm4b:s0+s2] =	stream.linear.scatter [tilespmem:s20], [sflag:$0x1], $0x1900, $0x38;
	[tilespmem:$0x1C000] =	vst v63  }
0x363: {  	s0 =	sld [smem:$0x769];
	_ =	sdelay $0x2  }
0x364: {  	[hbm4b:s0+s2] =	stream.linear.scatter [tilespmem:s19], [sflag:$0x1], $0x1900, $0x38;
	[tilespmem:$0x1C000] =	vst v63  }
0x365: {  	s0 =	sld [smem:$0x76A];
	_ =	sdelay $0x2  }
0x366: {  	[hbm4b:s0+s2] =	stream.linear.scatter [tilespmem:s17], [sflag:$0x1], $0x1900, $0x38;
	[tilespmem:$0x1C000] =	vst v63  }
0x367: {  	s0 =	sld [smem:$0x76B];
	_ =	sdelay $0x2  }
0x368: {  	[hbm4b:s0+s2] =	stream.linear.scatter [tilespmem:s15], [sflag:$0x1], $0x1900, $0x38;
	[tilespmem:$0x1C000] =	vst v63  }
0x369: {  	s0 =	sld [smem:$0x76C];
	_ =	sdelay $0x2  }
0x36a: {  	[hbm4b:s0+s2] =	stream.linear.scatter [tilespmem:s13], [sflag:$0x1], $0x1900, $0x38;
	[tilespmem:$0x1C000] =	vst v63  }
0x36b: {  	s0 =	sld [smem:$0x76D];
	_ =	sdelay $0x2  }
0x36c: {  	[hbm4b:s0+s2] =	stream.linear.scatter [tilespmem:s18], [sflag:$0x1], $0x1900, $0x38;
	[tilespmem:$0x1C000] =	vst v63  }
0x36d: {  	s0 =	sld [smem:$0x76E];
	_ =	sdelay $0x2  }
0x36e: {  	[hbm4b:s0+s2] =	stream.linear.scatter [tilespmem:s16], [sflag:$0x1], $0x1900, $0x38;
	[tilespmem:$0x1C000] =	vst v63  }
0x36f: {  	s0 =	sld [smem:$0x76F];
	_ =	sdelay $0x2  }
0x370: {  	[hbm4b:s0+s2] =	stream.linear.scatter [tilespmem:s14], [sflag:$0x1], $0x1900, $0x38;
	[tilespmem:$0x1C000] =	vst v63  }
0x371: {  	s0 =	sld [smem:$0x770];
	_ =	sdelay $0x2  }
0x372: {  	[hbm4b:s0+s2] =	stream.linear.scatter [tilespmem:s12], [sflag:$0x1], $0x1900, $0x38;
	[tilespmem:$0x1C000] =	vst v63  }
0x373: {  	s0 =	sld [smem:$0x771];
	_ =	sdelay $0x2  }
0x374: {  	[hbm4b:s0+s2] =	stream.linear.scatter [tilespmem:s11], [sflag:$0x1], $0x1900, $0x38;
	[tilespmem:$0x1C000] =	vst v63  }
0x375: {  	s0 =	sld [smem:$0x772];
	_ =	sdelay $0x2  }
0x376: {  	[hbm4b:s0+s2] =	stream.linear.scatter [tilespmem:s9], [sflag:$0x1], $0x1900, $0x38;
	[tilespmem:$0x1C000] =	vst v63  }
0x377: {  	s0 =	sld [smem:$0x773];
	_ =	sdelay $0x2  }
0x378: {  	[hbm4b:s0+s2] =	stream.linear.scatter [tilespmem:s8], [sflag:$0x1], $0x1900, $0x38;
	[tilespmem:$0x1C000] =	vst v63  }
0x379: {  	s0 =	sld [smem:$0x774];
	_ =	sdelay $0x2  }
0x37a: {  	[hbm4b:s0+s2] =	stream.linear.scatter [tilespmem:s7], [sflag:$0x1], $0x1900, $0x38;
	[tilespmem:$0x1C000] =	vst v63  }
0x37b: {  	s0 =	sld [smem:$0x775];
	_ =	sdelay $0x2  }
0x37c: {  	[hbm4b:s0+s2] =	stream.linear.scatter [tilespmem:s6], [sflag:$0x1], $0x1900, $0x38;
	[tilespmem:$0x1C000] =	vst v63  }
0x37d: {  	s0 =	sld [smem:$0x776];
	_ =	sdelay $0x2  }
0x37e: {  	[hbm4b:s0+s2] =	stream.linear.scatter [tilespmem:s5], [sflag:$0x1], $0x1900, $0x38;
	[tilespmem:$0x1C000] =	vst v63  }
0x37f: {  	s0 =	rddreg [dreg:$0x12]  }
0x380: {  	[hbm4b:s0+s2] =	stream.linear.scatter [tilespmem:s2], [sflag:$0x1], $0x1900, $0x38;
	[tilespmem:$0x1C000] =	vst v63  }
0x381: {  	s0 =	sld [smem:$0x777];
	_ =	sdelay $0x2  }
0x382: {  	[hbm4b:s0+s2] =	stream.linear.scatter [tilespmem:s20], [sflag:$0x1], $0x1900, $0x38;
	[tilespmem:$0x1C000] =	vst v63  }
0x383: {  	s0 =	sld [smem:$0x778];
	_ =	sdelay $0x2  }
0x384: {  	[hbm4b:s0+s2] =	stream.linear.scatter [tilespmem:s19], [sflag:$0x1], $0x1900, $0x38;
	[tilespmem:$0x1C000] =	vst v63  }
0x385: {  	s0 =	sld [smem:$0x779];
	_ =	sdelay $0x2  }
0x386: {  	[hbm4b:s0+s2] =	stream.linear.scatter [tilespmem:s17], [sflag:$0x1], $0x1900, $0x38;
	[tilespmem:$0x1C000] =	vst v63  }
0x387: {  	s0 =	sld [smem:$0x77A];
	_ =	sdelay $0x2  }
0x388: {  	[hbm4b:s0+s2] =	stream.linear.scatter [tilespmem:s15], [sflag:$0x1], $0x1900, $0x38;
	[tilespmem:$0x1C000] =	vst v63  }
0x389: {  	s0 =	sld [smem:$0x77B];
	_ =	sdelay $0x2  }
0x38a: {  	[hbm4b:s0+s2] =	stream.linear.scatter [tilespmem:s13], [sflag:$0x1], $0x1900, $0x38;
	[tilespmem:$0x1C000] =	vst v63  }
0x38b: {  	s0 =	sld [smem:$0x77C];
	_ =	sdelay $0x2  }
0x38c: {  	[hbm4b:s0+s2] =	stream.linear.scatter [tilespmem:s18], [sflag:$0x1], $0x1900, $0x38;
	[tilespmem:$0x1C000] =	vst v63  }
0x38d: {  	s0 =	sld [smem:$0x77D];
	_ =	sdelay $0x2  }
0x38e: {  	[hbm4b:s0+s2] =	stream.linear.scatter [tilespmem:s16], [sflag:$0x1], $0x1900, $0x38;
	[tilespmem:$0x1C000] =	vst v63  }
0x38f: {  	s0 =	sld [smem:$0x77E];
	_ =	sdelay $0x2  }
0x390: {  	[hbm4b:s0+s2] =	stream.linear.scatter [tilespmem:s14], [sflag:$0x1], $0x1900, $0x38;
	[tilespmem:$0x1C000] =	vst v63  }
0x391: {  	s0 =	sld [smem:$0x77F];
	_ =	sdelay $0x2  }
0x392: {  	[hbm4b:s0+s2] =	stream.linear.scatter [tilespmem:s12], [sflag:$0x1], $0x1900, $0x38;
	[tilespmem:$0x1C000] =	vst v63  }
0x393: {  	s0 =	sld [smem:$0x780];
	_ =	sdelay $0x2  }
0x394: {  	[hbm4b:s0+s2] =	stream.linear.scatter [tilespmem:s11], [sflag:$0x1], $0x1900, $0x38;
	[tilespmem:$0x1C000] =	vst v63  }
0x395: {  	s0 =	sld [smem:$0x781];
	_ =	sdelay $0x2  }
0x396: {  	[hbm4b:s0+s2] =	stream.linear.scatter [tilespmem:s9], [sflag:$0x1], $0x1900, $0x38;
	[tilespmem:$0x1C000] =	vst v63  }
0x397: {  	s0 =	sld [smem:$0x782];
	_ =	sdelay $0x2  }
0x398: {  	[hbm4b:s0+s2] =	stream.linear.scatter [tilespmem:s8], [sflag:$0x1], $0x1900, $0x38;
	[tilespmem:$0x1C000] =	vst v63  }
0x399: {  	s0 =	sld [smem:$0x783];
	_ =	sdelay $0x2  }
0x39a: {  	[hbm4b:s0+s2] =	stream.linear.scatter [tilespmem:s7], [sflag:$0x1], $0x1900, $0x38;
	[tilespmem:$0x1C000] =	vst v63  }
0x39b: {  	s0 =	sld [smem:$0x784];
	_ =	sdelay $0x2  }
0x39c: {  	[hbm4b:s0+s2] =	stream.linear.scatter [tilespmem:s6], [sflag:$0x1], $0x1900, $0x38;
	[tilespmem:$0x1C000] =	vst v63  }
0x39d: {  	s0 =	sld [smem:$0x785];
	_ =	sdelay $0x2  }
0x39e: {  	[hbm4b:s0+s2] =	stream.linear.scatter [tilespmem:s5], [sflag:$0x1], $0x1900, $0x38;
	[tilespmem:$0x1C000] =	vst v63  }
0x39f: {  	s0 =	sld [smem:$0x786]  }
0x3a0: {  	[hbm4b:s25+s2] =	stream.linear.scatter [tilespmem:s2], [sflag:$0x1], $0x1900, $0x38;
	[tilespmem:$0x1C000] =	vst v63  }
0x3a1: {  	_ = 	snop  }
0x3a2: {  	[hbm4b:s0+s2] =	stream.linear.scatter [tilespmem:s20], [sflag:$0x1], $0x1900, $0x38;
	[tilespmem:$0x1C000] =	vst v63  }
0x3a3: {  	s0 =	sld [smem:$0x787];
	_ =	sdelay $0x2  }
0x3a4: {  	[hbm4b:s0+s2] =	stream.linear.scatter [tilespmem:s19], [sflag:$0x1], $0x1900, $0x38;
	[tilespmem:$0x1C000] =	vst v63  }
0x3a5: {  	s0 =	sld [smem:$0x788];
	_ =	sdelay $0x2  }
0x3a6: {  	[hbm4b:s0+s2] =	stream.linear.scatter [tilespmem:s17], [sflag:$0x1], $0x1900, $0x38;
	[tilespmem:$0x1C000] =	vst v63  }
0x3a7: {  	s0 =	sld [smem:$0x789];
	_ =	sdelay $0x2  }
0x3a8: {  	[hbm4b:s0+s2] =	stream.linear.scatter [tilespmem:s15], [sflag:$0x1], $0x1900, $0x38;
	[tilespmem:$0x1C000] =	vst v63  }
0x3a9: {  	s0 =	sld [smem:$0x78A];
	_ =	sdelay $0x2  }
0x3aa: {  	[hbm4b:s0+s2] =	stream.linear.scatter [tilespmem:s13], [sflag:$0x1], $0x1900, $0x38;
	[tilespmem:$0x1C000] =	vst v63  }
0x3ab: {  	s0 =	sld [smem:$0x78B];
	_ =	sdelay $0x2  }
0x3ac: {  	[hbm4b:s0+s2] =	stream.linear.scatter [tilespmem:s18], [sflag:$0x1], $0x1900, $0x38;
	[tilespmem:$0x1C000] =	vst v63  }
0x3ad: {  	s0 =	sld [smem:$0x78C];
	_ =	sdelay $0x2  }
0x3ae: {  	[hbm4b:s0+s2] =	stream.linear.scatter [tilespmem:s16], [sflag:$0x1], $0x1900, $0x38;
	[tilespmem:$0x1C000] =	vst v63  }
0x3af: {  	s0 =	sld [smem:$0x78D];
	_ =	sdelay $0x2  }
0x3b0: {  	[hbm4b:s0+s2] =	stream.linear.scatter [tilespmem:s14], [sflag:$0x1], $0x1900, $0x38;
	[tilespmem:$0x1C000] =	vst v63  }
0x3b1: {  	s0 =	sld [smem:$0x78E];
	_ =	sdelay $0x2  }
0x3b2: {  	[hbm4b:s0+s2] =	stream.linear.scatter [tilespmem:s12], [sflag:$0x1], $0x1900, $0x38;
	[tilespmem:$0x1C000] =	vst v63  }
0x3b3: {  	s0 =	sld [smem:$0x78F];
	_ =	sdelay $0x2  }
0x3b4: {  	[hbm4b:s0+s2] =	stream.linear.scatter [tilespmem:s11], [sflag:$0x1], $0x1900, $0x38;
	[tilespmem:$0x1C000] =	vst v63  }
0x3b5: {  	s0 =	sld [smem:$0x790];
	_ =	sdelay $0x2  }
0x3b6: {  	[hbm4b:s0+s2] =	stream.linear.scatter [tilespmem:s9], [sflag:$0x1], $0x1900, $0x38;
	[tilespmem:$0x1C000] =	vst v63  }
0x3b7: {  	s0 =	sld [smem:$0x791];
	_ =	sdelay $0x2  }
0x3b8: {  	[hbm4b:s0+s2] =	stream.linear.scatter [tilespmem:s8], [sflag:$0x1], $0x1900, $0x38;
	[tilespmem:$0x1C000] =	vst v63  }
0x3b9: {  	s0 =	sld [smem:$0x792];
	_ =	sdelay $0x2  }
0x3ba: {  	[hbm4b:s0+s2] =	stream.linear.scatter [tilespmem:s7], [sflag:$0x1], $0x1900, $0x38;
	[tilespmem:$0x1C000] =	vst v63  }
0x3bb: {  	s0 =	sld [smem:$0x793];
	_ =	sdelay $0x2  }
0x3bc: {  	[hbm4b:s0+s2] =	stream.linear.scatter [tilespmem:s6], [sflag:$0x1], $0x1900, $0x38;
	[tilespmem:$0x1C000] =	vst v63  }
0x3bd: {  	s0 =	sld [smem:$0x794];
	_ =	sdelay $0x2  }
0x3be: {  	[hbm4b:s0+s2] =	stream.linear.scatter [tilespmem:s5], [sflag:$0x1], $0x1900, $0x38;
	[tilespmem:$0x1C000] =	vst v63  }
0x3bf: {  	s0 =	sld [smem:$0x795]  }
0x3c0: {  	[hbm4b:s24+s2] =	stream.linear.scatter [tilespmem:s2], [sflag:$0x1], $0x1900, $0x38;
	[tilespmem:$0x1C000] =	vst v63  }
0x3c1: {  	_ = 	snop  }
0x3c2: {  	[hbm4b:s0+s2] =	stream.linear.scatter [tilespmem:s20], [sflag:$0x1], $0x1900, $0x38;
	[tilespmem:$0x1C000] =	vst v63  }
0x3c3: {  	s0 =	sld [smem:$0x796];
	_ =	sdelay $0x2  }
0x3c4: {  	[hbm4b:s0+s2] =	stream.linear.scatter [tilespmem:s19], [sflag:$0x1], $0x1900, $0x38;
	[tilespmem:$0x1C000] =	vst v63  }
0x3c5: {  	s0 =	sld [smem:$0x797];
	_ =	sdelay $0x2  }
0x3c6: {  	[hbm4b:s0+s2] =	stream.linear.scatter [tilespmem:s17], [sflag:$0x1], $0x1900, $0x38;
	[tilespmem:$0x1C000] =	vst v63  }
0x3c7: {  	s0 =	sld [smem:$0x798];
	_ =	sdelay $0x2  }
0x3c8: {  	[hbm4b:s0+s2] =	stream.linear.scatter [tilespmem:s15], [sflag:$0x1], $0x1900, $0x38;
	[tilespmem:$0x1C000] =	vst v63  }
0x3c9: {  	s0 =	sld [smem:$0x799];
	_ =	sdelay $0x2  }
0x3ca: {  	[hbm4b:s0+s2] =	stream.linear.scatter [tilespmem:s13], [sflag:$0x1], $0x1900, $0x38;
	[tilespmem:$0x1C000] =	vst v63  }
0x3cb: {  	s0 =	sld [smem:$0x79A];
	_ =	sdelay $0x2  }
0x3cc: {  	[hbm4b:s0+s2] =	stream.linear.scatter [tilespmem:s18], [sflag:$0x1], $0x1900, $0x38;
	[tilespmem:$0x1C000] =	vst v63  }
0x3cd: {  	s0 =	sld [smem:$0x79B];
	_ =	sdelay $0x2  }
0x3ce: {  	[hbm4b:s0+s2] =	stream.linear.scatter [tilespmem:s16], [sflag:$0x1], $0x1900, $0x38;
	[tilespmem:$0x1C000] =	vst v63  }
0x3cf: {  	s0 =	sld [smem:$0x79C];
	_ =	sdelay $0x2  }
0x3d0: {  	[hbm4b:s0+s2] =	stream.linear.scatter [tilespmem:s14], [sflag:$0x1], $0x1900, $0x38;
	[tilespmem:$0x1C000] =	vst v63  }
0x3d1: {  	s0 =	sld [smem:$0x79D];
	_ =	sdelay $0x2  }
0x3d2: {  	[hbm4b:s0+s2] =	stream.linear.scatter [tilespmem:s12], [sflag:$0x1], $0x1900, $0x38;
	[tilespmem:$0x1C000] =	vst v63  }
0x3d3: {  	s0 =	sld [smem:$0x79E];
	_ =	sdelay $0x2  }
0x3d4: {  	[hbm4b:s0+s2] =	stream.linear.scatter [tilespmem:s11], [sflag:$0x1], $0x1900, $0x38;
	[tilespmem:$0x1C000] =	vst v63  }
0x3d5: {  	s0 =	sld [smem:$0x79F];
	_ =	sdelay $0x2  }
0x3d6: {  	[hbm4b:s0+s2] =	stream.linear.scatter [tilespmem:s9], [sflag:$0x1], $0x1900, $0x38;
	[tilespmem:$0x1C000] =	vst v63  }
0x3d7: {  	s0 =	sld [smem:$0x7A0];
	_ =	sdelay $0x2  }
0x3d8: {  	[hbm4b:s0+s2] =	stream.linear.scatter [tilespmem:s8], [sflag:$0x1], $0x1900, $0x38;
	[tilespmem:$0x1C000] =	vst v63  }
0x3d9: {  	s0 =	sld [smem:$0x7A1];
	_ =	sdelay $0x2  }
0x3da: {  	[hbm4b:s0+s2] =	stream.linear.scatter [tilespmem:s7], [sflag:$0x1], $0x1900, $0x38;
	[tilespmem:$0x1C000] =	vst v63  }
0x3db: {  	s0 =	sld [smem:$0x7A2];
	_ =	sdelay $0x2  }
0x3dc: {  	[hbm4b:s0+s2] =	stream.linear.scatter [tilespmem:s6], [sflag:$0x1], $0x1900, $0x38;
	[tilespmem:$0x1C000] =	vst v63  }
0x3dd: {  	s0 =	sld [smem:$0x7A3];
	_ =	sdelay $0x2  }
0x3de: {  	[hbm4b:s0+s2] =	stream.linear.scatter [tilespmem:s5], [sflag:$0x1], $0x1900, $0x38;
	[tilespmem:$0x1C000] =	vst v63  }
0x3df: {  	s0 =	sld [smem:$0x7FC];
	_ =	sdelay $0x2  }
0x3e0: {  	[hbm4b:s0+s2] =	stream.linear.scatter [tilespmem:s2], [sflag:$0x1], $0x1900, $0x38;
	[tilespmem:$0x1C000] =	vst v63  }
0x3e1: {  	s0 =	sld [smem:$0x7A4];
	_ =	sdelay $0x2  }
0x3e2: {  	[hbm4b:s0+s2] =	stream.linear.scatter [tilespmem:s20], [sflag:$0x1], $0x1900, $0x38;
	[tilespmem:$0x1C000] =	vst v63  }
0x3e3: {  	s0 =	sld [smem:$0x7A5];
	_ =	sdelay $0x2  }
0x3e4: {  	[hbm4b:s0+s2] =	stream.linear.scatter [tilespmem:s19], [sflag:$0x1], $0x1900, $0x38;
	[tilespmem:$0x1C000] =	vst v63  }
0x3e5: {  	s0 =	sld [smem:$0x7A6];
	_ =	sdelay $0x2  }
0x3e6: {  	[hbm4b:s0+s2] =	stream.linear.scatter [tilespmem:s17], [sflag:$0x1], $0x1900, $0x38;
	[tilespmem:$0x1C000] =	vst v63  }
0x3e7: {  	s0 =	sld [smem:$0x7A7];
	_ =	sdelay $0x2  }
0x3e8: {  	[hbm4b:s0+s2] =	stream.linear.scatter [tilespmem:s15], [sflag:$0x1], $0x1900, $0x38;
	[tilespmem:$0x1C000] =	vst v63  }
0x3e9: {  	s0 =	sld [smem:$0x7A8];
	_ =	sdelay $0x2  }
0x3ea: {  	[hbm4b:s0+s2] =	stream.linear.scatter [tilespmem:s13], [sflag:$0x1], $0x1900, $0x38;
	[tilespmem:$0x1C000] =	vst v63  }
0x3eb: {  	s0 =	sld [smem:$0x7A9];
	_ =	sdelay $0x2  }
0x3ec: {  	[hbm4b:s0+s2] =	stream.linear.scatter [tilespmem:s18], [sflag:$0x1], $0x1900, $0x38;
	[tilespmem:$0x1C000] =	vst v63  }
0x3ed: {  	s0 =	sld [smem:$0x7AA];
	_ =	sdelay $0x2  }
0x3ee: {  	[hbm4b:s0+s2] =	stream.linear.scatter [tilespmem:s16], [sflag:$0x1], $0x1900, $0x38;
	[tilespmem:$0x1C000] =	vst v63  }
0x3ef: {  	s0 =	sld [smem:$0x7AB];
	_ =	sdelay $0x2  }
0x3f0: {  	[hbm4b:s0+s2] =	stream.linear.scatter [tilespmem:s14], [sflag:$0x1], $0x1900, $0x38;
	[tilespmem:$0x1C000] =	vst v63  }
0x3f1: {  	s0 =	sld [smem:$0x7AC];
	_ =	sdelay $0x2  }
0x3f2: {  	[hbm4b:s0+s2] =	stream.linear.scatter [tilespmem:s12], [sflag:$0x1], $0x1900, $0x38;
	[tilespmem:$0x1C000] =	vst v63  }
0x3f3: {  	s0 =	sld [smem:$0x7AD];
	_ =	sdelay $0x2  }
0x3f4: {  	[hbm4b:s0+s2] =	stream.linear.scatter [tilespmem:s11], [sflag:$0x1], $0x1900, $0x38;
	[tilespmem:$0x1C000] =	vst v63  }
0x3f5: {  	s0 =	sld [smem:$0x7AE];
	_ =	sdelay $0x2  }
0x3f6: {  	[hbm4b:s0+s2] =	stream.linear.scatter [tilespmem:s9], [sflag:$0x1], $0x1900, $0x38;
	[tilespmem:$0x1C000] =	vst v63  }
0x3f7: {  	s0 =	sld [smem:$0x7AF];
	_ =	sdelay $0x2  }
0x3f8: {  	[hbm4b:s0+s2] =	stream.linear.scatter [tilespmem:s8], [sflag:$0x1], $0x1900, $0x38;
	[tilespmem:$0x1C000] =	vst v63  }
0x3f9: {  	s0 =	sld [smem:$0x7B0];
	_ =	sdelay $0x2  }
0x3fa: {  	[hbm4b:s0+s2] =	stream.linear.scatter [tilespmem:s7], [sflag:$0x1], $0x1900, $0x38;
	[tilespmem:$0x1C000] =	vst v63  }
0x3fb: {  	s0 =	sld [smem:$0x7B1];
	_ =	sdelay $0x2  }
0x3fc: {  	[hbm4b:s0+s2] =	stream.linear.scatter [tilespmem:s6], [sflag:$0x1], $0x1900, $0x38;
	[tilespmem:$0x1C000] =	vst v63  }
0x3fd: {  	s0 =	sld [smem:$0x7B2];
	_ =	sdelay $0x2  }
0x3fe: {  	[hbm4b:s0+s2] =	stream.linear.scatter [tilespmem:s5], [sflag:$0x1], $0x1900, $0x38;
	[tilespmem:$0x1C000] =	vst v63  }
0x3ff: {  	s0 =	sld [smem:$0x7FB];
	_ =	sdelay $0x2  }
0x400: {  	[hbm4b:s0+s2] =	stream.linear.scatter [tilespmem:s2], [sflag:$0x1], $0x1900, $0x38;
	[tilespmem:$0x1C000] =	vst v63  }
0x401: {  	s0 =	sld [smem:$0x7B3];
	_ =	sdelay $0x2  }
0x402: {  	[hbm4b:s0+s2] =	stream.linear.scatter [tilespmem:s20], [sflag:$0x1], $0x1900, $0x38;
	[tilespmem:$0x1C000] =	vst v63  }
0x403: {  	s0 =	sld [smem:$0x7B4];
	_ =	sdelay $0x2  }
0x404: {  	[hbm4b:s0+s2] =	stream.linear.scatter [tilespmem:s19], [sflag:$0x1], $0x1900, $0x38;
	[tilespmem:$0x1C000] =	vst v63  }
0x405: {  	s0 =	sld [smem:$0x7B5];
	_ =	sdelay $0x2  }
0x406: {  	[hbm4b:s0+s2] =	stream.linear.scatter [tilespmem:s17], [sflag:$0x1], $0x1900, $0x38;
	[tilespmem:$0x1C000] =	vst v63  }
0x407: {  	s0 =	sld [smem:$0x7B6];
	_ =	sdelay $0x2  }
0x408: {  	[hbm4b:s0+s2] =	stream.linear.scatter [tilespmem:s15], [sflag:$0x1], $0x1900, $0x38;
	[tilespmem:$0x1C000] =	vst v63  }
0x409: {  	s0 =	sld [smem:$0x7B7];
	_ =	sdelay $0x2  }
0x40a: {  	[hbm4b:s0+s2] =	stream.linear.scatter [tilespmem:s13], [sflag:$0x1], $0x1900, $0x38;
	[tilespmem:$0x1C000] =	vst v63  }
0x40b: {  	s0 =	sld [smem:$0x7B8];
	_ =	sdelay $0x2  }
0x40c: {  	[hbm4b:s0+s2] =	stream.linear.scatter [tilespmem:s18], [sflag:$0x1], $0x1900, $0x38;
	[tilespmem:$0x1C000] =	vst v63  }
0x40d: {  	s0 =	sld [smem:$0x7B9];
	_ =	sdelay $0x2  }
0x40e: {  	[hbm4b:s0+s2] =	stream.linear.scatter [tilespmem:s16], [sflag:$0x1], $0x1900, $0x38;
	[tilespmem:$0x1C000] =	vst v63  }
0x40f: {  	s0 =	sld [smem:$0x7BA];
	_ =	sdelay $0x2  }
0x410: {  	[hbm4b:s0+s2] =	stream.linear.scatter [tilespmem:s14], [sflag:$0x1], $0x1900, $0x38;
	[tilespmem:$0x1C000] =	vst v63  }
0x411: {  	s0 =	sld [smem:$0x7BB];
	_ =	sdelay $0x2  }
0x412: {  	[hbm4b:s0+s2] =	stream.linear.scatter [tilespmem:s12], [sflag:$0x1], $0x1900, $0x38;
	[tilespmem:$0x1C000] =	vst v63  }
0x413: {  	s0 =	sld [smem:$0x7BC];
	_ =	sdelay $0x2  }
0x414: {  	[hbm4b:s0+s2] =	stream.linear.scatter [tilespmem:s11], [sflag:$0x1], $0x1900, $0x38;
	[tilespmem:$0x1C000] =	vst v63  }
0x415: {  	s0 =	sld [smem:$0x7BD];
	_ =	sdelay $0x2  }
0x416: {  	[hbm4b:s0+s2] =	stream.linear.scatter [tilespmem:s9], [sflag:$0x1], $0x1900, $0x38;
	[tilespmem:$0x1C000] =	vst v63  }
0x417: {  	s0 =	sld [smem:$0x7BE];
	_ =	sdelay $0x2  }
0x418: {  	[hbm4b:s0+s2] =	stream.linear.scatter [tilespmem:s8], [sflag:$0x1], $0x1900, $0x38;
	[tilespmem:$0x1C000] =	vst v63  }
0x419: {  	s0 =	sld [smem:$0x7BF];
	_ =	sdelay $0x2  }
0x41a: {  	[hbm4b:s0+s2] =	stream.linear.scatter [tilespmem:s7], [sflag:$0x1], $0x1900, $0x38;
	[tilespmem:$0x1C000] =	vst v63  }
0x41b: {  	s0 =	sld [smem:$0x7C0];
	_ =	sdelay $0x2  }
0x41c: {  	[hbm4b:s0+s2] =	stream.linear.scatter [tilespmem:s6], [sflag:$0x1], $0x1900, $0x38;
	[tilespmem:$0x1C000] =	vst v63  }
0x41d: {  	s0 =	sld [smem:$0x7C1];
	_ =	sdelay $0x2  }
0x41e: {  	[hbm4b:s0+s2] =	stream.linear.scatter [tilespmem:s5], [sflag:$0x1], $0x1900, $0x38;
	[tilespmem:$0x1C000] =	vst v63  }
0x41f: {  	s0 =	sld [smem:$0x7FA];
	_ =	sdelay $0x2  }
0x420: {  	[hbm4b:s0+s2] =	stream.linear.scatter [tilespmem:s2], [sflag:$0x1], $0x1900, $0x38;
	[tilespmem:$0x1C000] =	vst v63  }
0x421: {  	s0 =	sld [smem:$0x7C2];
	_ =	sdelay $0x2  }
0x422: {  	[hbm4b:s0+s2] =	stream.linear.scatter [tilespmem:s20], [sflag:$0x1], $0x1900, $0x38;
	[tilespmem:$0x1C000] =	vst v63  }
0x423: {  	s0 =	sld [smem:$0x7C3];
	_ =	sdelay $0x2  }
0x424: {  	[hbm4b:s0+s2] =	stream.linear.scatter [tilespmem:s19], [sflag:$0x1], $0x1900, $0x38;
	[tilespmem:$0x1C000] =	vst v63  }
0x425: {  	s0 =	sld [smem:$0x7C4];
	_ =	sdelay $0x2  }
0x426: {  	[hbm4b:s0+s2] =	stream.linear.scatter [tilespmem:s17], [sflag:$0x1], $0x1900, $0x38;
	[tilespmem:$0x1C000] =	vst v63  }
0x427: {  	s0 =	sld [smem:$0x7C5];
	_ =	sdelay $0x2  }
0x428: {  	[hbm4b:s0+s2] =	stream.linear.scatter [tilespmem:s15], [sflag:$0x1], $0x1900, $0x38;
	[tilespmem:$0x1C000] =	vst v63  }
0x429: {  	s0 =	sld [smem:$0x7C6];
	_ =	sdelay $0x2  }
0x42a: {  	[hbm4b:s0+s2] =	stream.linear.scatter [tilespmem:s13], [sflag:$0x1], $0x1900, $0x38;
	[tilespmem:$0x1C000] =	vst v63  }
0x42b: {  	s0 =	sld [smem:$0x7C7];
	_ =	sdelay $0x2  }
0x42c: {  	[hbm4b:s0+s2] =	stream.linear.scatter [tilespmem:s18], [sflag:$0x1], $0x1900, $0x38;
	[tilespmem:$0x1C000] =	vst v63  }
0x42d: {  	s0 =	sld [smem:$0x7C8];
	_ =	sdelay $0x2  }
0x42e: {  	[hbm4b:s0+s2] =	stream.linear.scatter [tilespmem:s16], [sflag:$0x1], $0x1900, $0x38;
	[tilespmem:$0x1C000] =	vst v63  }
0x42f: {  	s0 =	sld [smem:$0x7C9];
	_ =	sdelay $0x2  }
0x430: {  	[hbm4b:s0+s2] =	stream.linear.scatter [tilespmem:s14], [sflag:$0x1], $0x1900, $0x38;
	[tilespmem:$0x1C000] =	vst v63  }
0x431: {  	s0 =	sld [smem:$0x7CA];
	_ =	sdelay $0x2  }
0x432: {  	[hbm4b:s0+s2] =	stream.linear.scatter [tilespmem:s12], [sflag:$0x1], $0x1900, $0x38;
	[tilespmem:$0x1C000] =	vst v63  }
0x433: {  	s0 =	sld [smem:$0x7CB];
	_ =	sdelay $0x2  }
0x434: {  	[hbm4b:s0+s2] =	stream.linear.scatter [tilespmem:s11], [sflag:$0x1], $0x1900, $0x38;
	[tilespmem:$0x1C000] =	vst v63  }
0x435: {  	s0 =	sld [smem:$0x7CC];
	_ =	sdelay $0x2  }
0x436: {  	[hbm4b:s0+s2] =	stream.linear.scatter [tilespmem:s9], [sflag:$0x1], $0x1900, $0x38;
	[tilespmem:$0x1C000] =	vst v63  }
0x437: {  	s0 =	sld [smem:$0x7CD];
	_ =	sdelay $0x2  }
0x438: {  	[hbm4b:s0+s2] =	stream.linear.scatter [tilespmem:s8], [sflag:$0x1], $0x1900, $0x38;
	[tilespmem:$0x1C000] =	vst v63  }
0x439: {  	s0 =	sld [smem:$0x7CE];
	_ =	sdelay $0x2  }
0x43a: {  	[hbm4b:s0+s2] =	stream.linear.scatter [tilespmem:s7], [sflag:$0x1], $0x1900, $0x38;
	[tilespmem:$0x1C000] =	vst v63  }
0x43b: {  	s0 =	sld [smem:$0x7CF];
	_ =	sdelay $0x2  }
0x43c: {  	[hbm4b:s0+s2] =	stream.linear.scatter [tilespmem:s6], [sflag:$0x1], $0x1900, $0x38;
	[tilespmem:$0x1C000] =	vst v63  }
0x43d: {  	s0 =	sld [smem:$0x7D0];
	_ =	sdelay $0x2  }
0x43e: {  	[hbm4b:s0+s2] =	stream.linear.scatter [tilespmem:s5], [sflag:$0x1], $0x1900, $0x38;
	[tilespmem:$0x1C000] =	vst v63  }
0x43f: {  	s0 =	sld [smem:$0x7F6];
	_ =	sdelay $0x2  }
0x440: {  	[hbm4b:s0+s2] =	stream.linear.scatter [tilespmem:s2], [sflag:$0x1], $0x1900, $0x38;
	[tilespmem:$0x1C000] =	vst v63  }
0x441: {  	s0 =	sld [smem:$0x7D1];
	_ =	sdelay $0x2  }
0x442: {  	[hbm4b:s0+s2] =	stream.linear.scatter [tilespmem:s20], [sflag:$0x1], $0x1900, $0x38;
	[tilespmem:$0x1C000] =	vst v63  }
0x443: {  	s0 =	sld [smem:$0x7D2];
	_ =	sdelay $0x2  }
0x444: {  	[hbm4b:s0+s2] =	stream.linear.scatter [tilespmem:s19], [sflag:$0x1], $0x1900, $0x38;
	[tilespmem:$0x1C000] =	vst v63  }
0x445: {  	s0 =	sld [smem:$0x7D3];
	_ =	sdelay $0x2  }
0x446: {  	[hbm4b:s0+s2] =	stream.linear.scatter [tilespmem:s17], [sflag:$0x1], $0x1900, $0x38;
	[tilespmem:$0x1C000] =	vst v63  }
0x447: {  	s0 =	sld [smem:$0x7D4];
	_ =	sdelay $0x2  }
0x448: {  	[hbm4b:s0+s2] =	stream.linear.scatter [tilespmem:s15], [sflag:$0x1], $0x1900, $0x38;
	[tilespmem:$0x1C000] =	vst v63  }
0x449: {  	s0 =	sld [smem:$0x7D5];
	_ =	sdelay $0x2  }
0x44a: {  	[hbm4b:s0+s2] =	stream.linear.scatter [tilespmem:s13], [sflag:$0x1], $0x1900, $0x38;
	[tilespmem:$0x1C000] =	vst v63  }
0x44b: {  	s0 =	sld [smem:$0x7D6];
	_ =	sdelay $0x2  }
0x44c: {  	[hbm4b:s0+s2] =	stream.linear.scatter [tilespmem:s18], [sflag:$0x1], $0x1900, $0x38;
	[tilespmem:$0x1C000] =	vst v63  }
0x44d: {  	s0 =	sld [smem:$0x7D7];
	_ =	sdelay $0x2  }
0x44e: {  	[hbm4b:s0+s2] =	stream.linear.scatter [tilespmem:s16], [sflag:$0x1], $0x1900, $0x38;
	[tilespmem:$0x1C000] =	vst v63  }
0x44f: {  	s0 =	sld [smem:$0x7D8];
	_ =	sdelay $0x2  }
0x450: {  	[hbm4b:s0+s2] =	stream.linear.scatter [tilespmem:s14], [sflag:$0x1], $0x1900, $0x38;
	[tilespmem:$0x1C000] =	vst v63  }
0x451: {  	s0 =	sld [smem:$0x7D9];
	_ =	sdelay $0x2  }
0x452: {  	[hbm4b:s0+s2] =	stream.linear.scatter [tilespmem:s12], [sflag:$0x1], $0x1900, $0x38;
	[tilespmem:$0x1C000] =	vst v63  }
0x453: {  	s0 =	sld [smem:$0x7DA];
	_ =	sdelay $0x2  }
0x454: {  	[hbm4b:s0+s2] =	stream.linear.scatter [tilespmem:s11], [sflag:$0x1], $0x1900, $0x38;
	[tilespmem:$0x1C000] =	vst v63  }
0x455: {  	s0 =	sld [smem:$0x7DB];
	_ =	sdelay $0x2  }
0x456: {  	[hbm4b:s0+s2] =	stream.linear.scatter [tilespmem:s9], [sflag:$0x1], $0x1900, $0x38;
	[tilespmem:$0x1C000] =	vst v63  }
0x457: {  	s0 =	sld [smem:$0x7DC];
	_ =	sdelay $0x2  }
0x458: {  	[hbm4b:s0+s2] =	stream.linear.scatter [tilespmem:s8], [sflag:$0x1], $0x1900, $0x38;
	[tilespmem:$0x1C000] =	vst v63  }
0x459: {  	s0 =	sld [smem:$0x7DD];
	_ =	sdelay $0x2  }
0x45a: {  	[hbm4b:s0+s2] =	stream.linear.scatter [tilespmem:s7], [sflag:$0x1], $0x1900, $0x38;
	[tilespmem:$0x1C000] =	vst v63  }
0x45b: {  	s0 =	sld [smem:$0x7DE];
	_ =	sdelay $0x2  }
0x45c: {  	[hbm4b:s0+s2] =	stream.linear.scatter [tilespmem:s6], [sflag:$0x1], $0x1900, $0x38;
	[tilespmem:$0x1C000] =	vst v63  }
0x45d: {  	s0 =	sld [smem:$0x7DF];
	_ =	sdelay $0x2  }
0x45e: {  	[hbm4b:s0+s2] =	stream.linear.scatter [tilespmem:s5], [sflag:$0x1], $0x1900, $0x38;
	[tilespmem:$0x1C000] =	vst v63  }
0x45f: {  	s0 =	sld [smem:$0x7E0]  }
0x460: {  	[hbm4b:s31+s2] =	stream.linear.scatter [tilespmem:s2], [sflag:$0x1], $0x1900, $0x38;
	[tilespmem:$0x1C000] =	vst v63  }
0x461: {  	_ = 	snop  }
0x462: {  	[hbm4b:s0+s2] =	stream.linear.scatter [tilespmem:s20], [sflag:$0x1], $0x1900, $0x38;
	[tilespmem:$0x1C000] =	vst v63  }
0x463: {  	s0 =	sld [smem:$0x7E1];
	_ =	sdelay $0x2  }
0x464: {  	[hbm4b:s0+s2] =	stream.linear.scatter [tilespmem:s19], [sflag:$0x1], $0x1900, $0x38;
	[tilespmem:$0x1C000] =	vst v63  }
0x465: {  	s0 =	sld [smem:$0x7E2];
	_ =	sdelay $0x2  }
0x466: {  	[hbm4b:s0+s2] =	stream.linear.scatter [tilespmem:s17], [sflag:$0x1], $0x1900, $0x38;
	[tilespmem:$0x1C000] =	vst v63  }
0x467: {  	s0 =	sld [smem:$0x7E3];
	_ =	sdelay $0x2  }
0x468: {  	[hbm4b:s0+s2] =	stream.linear.scatter [tilespmem:s15], [sflag:$0x1], $0x1900, $0x38;
	[tilespmem:$0x1C000] =	vst v63  }
0x469: {  	s0 =	sld [smem:$0x7E4];
	_ =	sdelay $0x2  }
0x46a: {  	[hbm4b:s0+s2] =	stream.linear.scatter [tilespmem:s13], [sflag:$0x1], $0x1900, $0x38;
	[tilespmem:$0x1C000] =	vst v63  }
0x46b: {  	s0 =	sld [smem:$0x7E5];
	_ =	sdelay $0x2  }
0x46c: {  	[hbm4b:s0+s2] =	stream.linear.scatter [tilespmem:s18], [sflag:$0x1], $0x1900, $0x38;
	[tilespmem:$0x1C000] =	vst v63  }
0x46d: {  	s0 =	sld [smem:$0x7E6];
	_ =	sdelay $0x2  }
0x46e: {  	[hbm4b:s0+s2] =	stream.linear.scatter [tilespmem:s16], [sflag:$0x1], $0x1900, $0x38;
	[tilespmem:$0x1C000] =	vst v63  }
0x46f: {  	s0 =	sld [smem:$0x7E7];
	_ =	sdelay $0x2  }
0x470: {  	[hbm4b:s0+s2] =	stream.linear.scatter [tilespmem:s14], [sflag:$0x1], $0x1900, $0x38;
	[tilespmem:$0x1C000] =	vst v63  }
0x471: {  	s0 =	sld [smem:$0x7E8];
	_ =	sdelay $0x2  }
0x472: {  	[hbm4b:s0+s2] =	stream.linear.scatter [tilespmem:s12], [sflag:$0x1], $0x1900, $0x38;
	[tilespmem:$0x1C000] =	vst v63  }
0x473: {  	s0 =	sld [smem:$0x7E9];
	_ =	sdelay $0x2  }
0x474: {  	[hbm4b:s0+s2] =	stream.linear.scatter [tilespmem:s11], [sflag:$0x1], $0x1900, $0x38;
	[tilespmem:$0x1C000] =	vst v63  }
0x475: {  	s0 =	sld [smem:$0x7EA];
	_ =	sdelay $0x2  }
0x476: {  	[hbm4b:s0+s2] =	stream.linear.scatter [tilespmem:s9], [sflag:$0x1], $0x1900, $0x38;
	[tilespmem:$0x1C000] =	vst v63  }
0x477: {  	s0 =	sld [smem:$0x7EB];
	_ =	sdelay $0x2  }
0x478: {  	[hbm4b:s0+s2] =	stream.linear.scatter [tilespmem:s8], [sflag:$0x1], $0x1900, $0x38;
	[tilespmem:$0x1C000] =	vst v63  }
0x479: {  	s0 =	sld [smem:$0x7EC];
	_ =	sdelay $0x2  }
0x47a: {  	[hbm4b:s0+s2] =	stream.linear.scatter [tilespmem:s7], [sflag:$0x1], $0x1900, $0x38;
	[tilespmem:$0x1C000] =	vst v63  }
0x47b: {  	s0 =	sld [smem:$0x7ED];
	_ =	sdelay $0x2  }
0x47c: {  	[hbm4b:s0+s2] =	stream.linear.scatter [tilespmem:s6], [sflag:$0x1], $0x1900, $0x38;
	[tilespmem:$0x1C000] =	vst v63  }
0x47d: {  	s0 =	sld [smem:$0x7EE];
	_ =	sdelay $0x2  }
0x47e: {  	[hbm4b:s0+s2] =	stream.linear.scatter [tilespmem:s5], [sflag:$0x1], $0x1900, $0x38;
	[tilespmem:$0x1C000] =	vst v63  }
0x47f: {  	_ = 	snop  }
0x480: {  	[hbm4b:s1+s2] =	stream.linear.scatter [tilespmem:s2], [sflag:$0x1], $0x1900, $0x38;
	[tilespmem:$0x1C000] =	vst v63  }
0x481: {  	s30 =	smov.u32 s1;
	s1 =	sld [smem:$0x7EF];
	_ =	sdelay $0x2  }
0x482: {  	[hbm4b:s1+s2] =	stream.linear.scatter [tilespmem:s20], [sflag:$0x1], $0x1900, $0x38;
	[tilespmem:$0x1C000] =	vst v63  }
0x483: {  	s1 =	sld [smem:$0x7F0];
	_ =	sdelay $0x2  }
0x484: {  	[hbm4b:s1+s2] =	stream.linear.scatter [tilespmem:s19], [sflag:$0x1], $0x1900, $0x38;
	[tilespmem:$0x1C000] =	vst v63  }
0x485: {  	s1 =	sld [smem:$0x7F1];
	_ =	sdelay $0x2  }
0x486: {  	[hbm4b:s1+s2] =	stream.linear.scatter [tilespmem:s17], [sflag:$0x1], $0x1900, $0x38;
	[tilespmem:$0x1C000] =	vst v63  }
0x487: {  	s1 =	sld [smem:$0x7F2];
	_ =	sdelay $0x2  }
0x488: {  	[hbm4b:s1+s2] =	stream.linear.scatter [tilespmem:s15], [sflag:$0x1], $0x1900, $0x38;
	[tilespmem:$0x1C000] =	vst v63  }
0x489: {  	s1 =	sld [smem:$0x7F3];
	_ =	sdelay $0x2  }
0x48a: {  	[hbm4b:s1+s2] =	stream.linear.scatter [tilespmem:s13], [sflag:$0x1], $0x1900, $0x38;
	[tilespmem:$0x1C000] =	vst v63  }
0x48b: {  	s1 =	sld [smem:$0x7F4];
	_ =	sdelay $0x2  }
0x48c: {  	[hbm4b:s1+s2] =	stream.linear.scatter [tilespmem:s18], [sflag:$0x1], $0x1900, $0x38;
	[tilespmem:$0x1C000] =	vst v63  }
0x48d: {  	s1 =	sld [smem:$0x7F5];
	_ =	sdelay $0x2  }
0x48e: {  	[hbm4b:s1+s2] =	stream.linear.scatter [tilespmem:s16], [sflag:$0x1], $0x1900, $0x38;
	[tilespmem:$0x1C000] =	vst v63  }
0x48f: {  	s1 =	sld [smem:$0x7F7];
	_ =	sdelay $0x2  }
0x490: {  	[hbm4b:s1+s2] =	stream.linear.scatter [tilespmem:s14], [sflag:$0x1], $0x1900, $0x38;
	[tilespmem:$0x1C000] =	vst v63  }
0x491: {  	s1 =	sld [smem:$0x7F8];
	_ =	sdelay $0x2  }
0x492: {  	[hbm4b:s1+s2] =	stream.linear.scatter [tilespmem:s12], [sflag:$0x1], $0x1900, $0x38;
	[tilespmem:$0x1C000] =	vst v63  }
0x493: {  	_ = 	snop  }
0x494: {  	[hbm4b:s23+s2] =	stream.linear.scatter [tilespmem:s11], [sflag:$0x1], $0x1900, $0x38;
	[tilespmem:$0x1C000] =	vst v63  }
0x495: {  	_ = 	snop  }
0x496: {  	[hbm4b:s22+s2] =	stream.linear.scatter [tilespmem:s9], [sflag:$0x1], $0x1900, $0x38;
	[tilespmem:$0x1C000] =	vst v63  }
0x497: {  	_ = 	snop  }
0x498: {  	[hbm4b:s28+s2] =	stream.linear.scatter [tilespmem:s8], [sflag:$0x1], $0x1900, $0x38;
	[tilespmem:$0x1C000] =	vst v63  }
0x499: {  	_ = 	snop  }
0x49a: {  	[hbm4b:s10+s2] =	stream.linear.scatter [tilespmem:s7], [sflag:$0x1], $0x1900, $0x38;
	[tilespmem:$0x1C000] =	vst v63  }
0x49b: {  	_ = 	snop  }
0x49c: {  	[hbm4b:s26+s2] =	stream.linear.scatter [tilespmem:s6], [sflag:$0x1], $0x1900, $0x38;
	[tilespmem:$0x1C000] =	vst v63  }
0x49d: {  	_ = 	snop  }
0x49e: {  	[hbm4b:s4+s2] =	stream.linear.scatter [tilespmem:s5], [sflag:$0x1], $0x1900, $0x38;
	[tilespmem:$0x1C000] =	vst v63  }
0x49f: {  	_ =	swait.ge [sflag:s3], $0x19000  }
0x4a0: {  	[sflag:s3] =	ssyncset.done $0x0  }
0x4a1: {  	[sflag:s3] =	ssyncadd.s32 $0xFFFE7000  }
0x4a2: {  	_ =	swait.ge [sflag:s3], $0x19000  }
0x4a3: {  	[sflag:s3] =	ssyncset.done $0x0  }
0x4a4: {  	[sflag:s3] =	ssyncadd.s32 $0xFFFE7000  }
0x4a5: {  	_ =	swait.ge [sflag:s3], $0x19000  }
0x4a6: {  	[sflag:s3] =	ssyncset.done $0x0  }
0x4a7: {  	[sflag:s3] =	ssyncadd.s32 $0xFFFE7000  }
0x4a8: {  	_ =	swait.ge [sflag:s3], $0x19000  }
0x4a9: {  	[sflag:s3] =	ssyncset.done $0x0  }
0x4aa: {  	[sflag:s3] =	ssyncadd.s32 $0xFFFE7000  }
0x4ab: {  	_ =	swait.ge [sflag:s3], $0x19000  }
0x4ac: {  	[sflag:s3] =	ssyncset.done $0x0  }
0x4ad: {  	[sflag:s3] =	ssyncadd.s32 $0xFFFE7000  }
0x4ae: {  	_ =	swait.ge [sflag:s3], $0x19000  }
0x4af: {  	[sflag:s3] =	ssyncset.done $0x0  }
0x4b0: {  	[sflag:s3] =	ssyncadd.s32 $0xFFFE7000  }
0x4b1: {  	_ =	swait.ge [sflag:s3], $0x19000  }
0x4b2: {  	[sflag:s3] =	ssyncset.done $0x0  }
0x4b3: {  	[sflag:s3] =	ssyncadd.s32 $0xFFFE7000  }
0x4b4: {  	_ =	swait.ge [sflag:s3], $0x19000  }
0x4b5: {  	[sflag:s3] =	ssyncset.done $0x0  }
0x4b6: {  	[sflag:s3] =	ssyncadd.s32 $0xFFFE7000  }
0x4b7: {  	_ =	swait.ge [sflag:s3], $0x19000  }
0x4b8: {  	[sflag:s3] =	ssyncset.done $0x0  }
0x4b9: {  	[sflag:s3] =	ssyncadd.s32 $0xFFFE7000  }
0x4ba: {  	_ =	swait.ge [sflag:s3], $0x19000  }
0x4bb: {  	[sflag:s3] =	ssyncset.done $0x0  }
0x4bc: {  	[sflag:s3] =	ssyncadd.s32 $0xFFFE7000  }
0x4bd: {  	_ =	swait.ge [sflag:s3], $0x19000  }
0x4be: {  	[sflag:s3] =	ssyncset.done $0x0  }
0x4bf: {  	[sflag:s3] =	ssyncadd.s32 $0xFFFE7000  }
0x4c0: {  	_ =	swait.ge [sflag:s3], $0x19000  }
0x4c1: {  	[sflag:s3] =	ssyncset.done $0x0  }
0x4c2: {  	[sflag:s3] =	ssyncadd.s32 $0xFFFE7000  }
0x4c3: {  	_ =	swait.ge [sflag:s3], $0x19000  }
0x4c4: {  	[sflag:s3] =	ssyncset.done $0x0  }
0x4c5: {  	[sflag:s3] =	ssyncadd.s32 $0xFFFE7000  }
0x4c6: {  	_ =	swait.ge [sflag:s3], $0x19000  }
0x4c7: {  	[sflag:s3] =	ssyncset.done $0x0  }
0x4c8: {  	p1 =	sne.s32 s29, $0x1;
	[sflag:s3] =	ssyncadd.s32 $0xFFFE7000  }
.Ltmp2:
0x4c9: {  	_ =	swait.ge [sflag:s3], $0x19000;
	(pc) =	sbr.rel @p1 .LBB2_3-.Ltmp2, $4  }
0x4ca: {  	[sflag:s3] =	ssyncset.done $0x0  }
0x4cb: {  	[sflag:s3] =	ssyncadd.s32 $0xFFFE7000  }
0x4cc: {  	_ =	swait.ge [sflag:s3], $0x19000  }
0x4cd: {  	s29 =	sadd.s32 $0xFFFFFFFF, s29;
	[sflag:s3] =	ssyncset.done $0x0  }
0x4ce: {  	s23 =	rddreg [dreg:$0x2]  }
0x4cf: {  	s29 =	sld [smem:$0x7F6]  }
0x4d0: {  	s28 =	sld [smem:$0x7FA]  }
0x4d1: {  	s10 =	sld [smem:$0x7FB]  }
0x4d2: {  	s26 =	sld [smem:$0x7FC]  }
0x4d3: {  	s22 =	stileid.u32;
	s21 =	sld [smem:$0x7F9];
	s4 =	simm.s32 $0x2  }
.LBB2_5:
0x4d4: {  	_ = 	snop  }
0x4d5: {  	[sflag:s3] =	ssyncadd.s32 @p0 $0xFFFE7000  }
0x4d6: {  	[tilespmem:s2], [sflag:$0x2] =	stream.linear.gather [hbm4b:s21+s2], $0x1900, $0x38;
	[tilespmem:$0x1C000] =	vst v63  }
0x4d7: {  	s0 =	rddreg [dreg:$0x3]  }
0x4d8: {  	[tilespmem:s20], [sflag:$0x2] =	stream.linear.gather [hbm4b:s0+s2], $0x1900, $0x38;
	[tilespmem:$0x1C000] =	vst v63  }
0x4d9: {  	s1 =	rddreg [dreg:$0x4]  }
0x4da: {  	[tilespmem:s19], [sflag:$0x2] =	stream.linear.gather [hbm4b:s1+s2], $0x1900, $0x38;
	[tilespmem:$0x1C000] =	vst v63  }
0x4db: {  	s21 =	rddreg [dreg:$0x5]  }
0x4dc: {  	[tilespmem:s17], [sflag:$0x2] =	stream.linear.gather [hbm4b:s21+s2], $0x1900, $0x38;
	[tilespmem:$0x1C000] =	vst v63  }
0x4dd: {  	s1 =	rddreg [dreg:$0x6]  }
0x4de: {  	[tilespmem:s15], [sflag:$0x2] =	stream.linear.gather [hbm4b:s1+s2], $0x1900, $0x38;
	[tilespmem:$0x1C000] =	vst v63  }
0x4df: {  	s21 =	rddreg [dreg:$0x7]  }
0x4e0: {  	[tilespmem:s13], [sflag:$0x2] =	stream.linear.gather [hbm4b:s21+s2], $0x1900, $0x38;
	[tilespmem:$0x1C000] =	vst v63  }
0x4e1: {  	s1 =	rddreg [dreg:$0x8]  }
0x4e2: {  	[tilespmem:s18], [sflag:$0x2] =	stream.linear.gather [hbm4b:s1+s2], $0x1900, $0x38;
	[tilespmem:$0x1C000] =	vst v63  }
0x4e3: {  	s21 =	rddreg [dreg:$0x9]  }
0x4e4: {  	[tilespmem:s16], [sflag:$0x2] =	stream.linear.gather [hbm4b:s21+s2], $0x1900, $0x38;
	[tilespmem:$0x1C000] =	vst v63  }
0x4e5: {  	s1 =	rddreg [dreg:$0xa]  }
0x4e6: {  	[tilespmem:s14], [sflag:$0x2] =	stream.linear.gather [hbm4b:s1+s2], $0x1900, $0x38;
	[tilespmem:$0x1C000] =	vst v63  }
0x4e7: {  	s21 =	rddreg [dreg:$0xb]  }
0x4e8: {  	[tilespmem:s12], [sflag:$0x2] =	stream.linear.gather [hbm4b:s21+s2], $0x1900, $0x38;
	[tilespmem:$0x1C000] =	vst v63  }
0x4e9: {  	s1 =	rddreg [dreg:$0xc]  }
0x4ea: {  	[tilespmem:s11], [sflag:$0x2] =	stream.linear.gather [hbm4b:s1+s2], $0x1900, $0x38;
	[tilespmem:$0x1C000] =	vst v63  }
0x4eb: {  	s21 =	rddreg [dreg:$0xd]  }
0x4ec: {  	[tilespmem:s9], [sflag:$0x2] =	stream.linear.gather [hbm4b:s21+s2], $0x1900, $0x38;
	[tilespmem:$0x1C000] =	vst v63  }
0x4ed: {  	s1 =	rddreg [dreg:$0xe]  }
0x4ee: {  	[tilespmem:s8], [sflag:$0x2] =	stream.linear.gather [hbm4b:s1+s2], $0x1900, $0x38;
	[tilespmem:$0x1C000] =	vst v63  }
0x4ef: {  	s21 =	rddreg [dreg:$0xf]  }
0x4f0: {  	[tilespmem:s7], [sflag:$0x2] =	stream.linear.gather [hbm4b:s21+s2], $0x1900, $0x38;
	[tilespmem:$0x1C000] =	vst v63  }
0x4f1: {  	s1 =	rddreg [dreg:$0x10]  }
0x4f2: {  	[tilespmem:s6], [sflag:$0x2] =	stream.linear.gather [hbm4b:s1+s2], $0x1900, $0x38;
	[tilespmem:$0x1C000] =	vst v63  }
0x4f3: {  	s21 =	rddreg [dreg:$0x11]  }
0x4f4: {  	[tilespmem:s5], [sflag:$0x2] =	stream.linear.gather [hbm4b:s21+s2], $0x1900, $0x38;
	[tilespmem:$0x1C000] =	vst v63  }
0x4f5: {  	_ =	swait.ge [sflag:s4], $0x19000  }
0x4f6: {  	[sflag:s4] =	ssyncset.done $0x0  }
0x4f7: {  	s1 =	rddreg [dreg:$0x19];
	[sflag:s4] =	ssyncadd.s32 $0xFFFE7000  }
0x4f8: {  	[hbm4b:s1+s2] =	stream.linear.scatter [tilespmem:s2], [sflag:$0x1], $0x1900, $0x38;
	[tilespmem:$0x1C000] =	vst v63  }
0x4f9: {  	s4 =	sadd.s32 $0x380, s1  }
0x4fa: {  	[hbm4b:s4+s2] =	stream.linear.scatter [tilespmem:s20], [sflag:$0x1], $0x1900, $0x38;
	[tilespmem:$0x1C000] =	vst v63  }
0x4fb: {  	s21 =	sadd.s32 $0x700, s1  }
0x4fc: {  	[hbm4b:s21+s2] =	stream.linear.scatter [tilespmem:s19], [sflag:$0x1], $0x1900, $0x38;
	[tilespmem:$0x1C000] =	vst v63  }
0x4fd: {  	s4 =	sadd.s32 $0xA80, s1  }
0x4fe: {  	[hbm4b:s4+s2] =	stream.linear.scatter [tilespmem:s17], [sflag:$0x1], $0x1900, $0x38;
	[tilespmem:$0x1C000] =	vst v63  }
0x4ff: {  	s21 =	sadd.s32 $0xE00, s1  }
0x500: {  	[hbm4b:s21+s2] =	stream.linear.scatter [tilespmem:s15], [sflag:$0x1], $0x1900, $0x38;
	[tilespmem:$0x1C000] =	vst v63  }
0x501: {  	s4 =	sadd.s32 $0x1180, s1  }
0x502: {  	[hbm4b:s4+s2] =	stream.linear.scatter [tilespmem:s13], [sflag:$0x1], $0x1900, $0x38;
	[tilespmem:$0x1C000] =	vst v63  }
0x503: {  	s21 =	sadd.s32 $0x1500, s1  }
0x504: {  	[hbm4b:s21+s2] =	stream.linear.scatter [tilespmem:s18], [sflag:$0x1], $0x1900, $0x38;
	[tilespmem:$0x1C000] =	vst v63  }
0x505: {  	s4 =	sadd.s32 $0x1880, s1  }
0x506: {  	[hbm4b:s4+s2] =	stream.linear.scatter [tilespmem:s16], [sflag:$0x1], $0x1900, $0x38;
	[tilespmem:$0x1C000] =	vst v63  }
0x507: {  	s21 =	sadd.s32 $0x1C00, s1  }
0x508: {  	[hbm4b:s21+s2] =	stream.linear.scatter [tilespmem:s14], [sflag:$0x1], $0x1900, $0x38;
	[tilespmem:$0x1C000] =	vst v63  }
0x509: {  	s4 =	sadd.s32 $0x1F80, s1  }
0x50a: {  	[hbm4b:s4+s2] =	stream.linear.scatter [tilespmem:s12], [sflag:$0x1], $0x1900, $0x38;
	[tilespmem:$0x1C000] =	vst v63  }
0x50b: {  	s21 =	sadd.s32 $0x2300, s1  }
0x50c: {  	[hbm4b:s21+s2] =	stream.linear.scatter [tilespmem:s11], [sflag:$0x1], $0x1900, $0x38;
	[tilespmem:$0x1C000] =	vst v63  }
0x50d: {  	s4 =	sadd.s32 $0x2680, s1  }
0x50e: {  	[hbm4b:s4+s2] =	stream.linear.scatter [tilespmem:s9], [sflag:$0x1], $0x1900, $0x38;
	[tilespmem:$0x1C000] =	vst v63  }
0x50f: {  	s21 =	sadd.s32 $0x2A00, s1  }
0x510: {  	[hbm4b:s21+s2] =	stream.linear.scatter [tilespmem:s8], [sflag:$0x1], $0x1900, $0x38;
	[tilespmem:$0x1C000] =	vst v63  }
0x511: {  	s4 =	sadd.s32 $0x2D80, s1  }
0x512: {  	[hbm4b:s4+s2] =	stream.linear.scatter [tilespmem:s7], [sflag:$0x1], $0x1900, $0x38;
	[tilespmem:$0x1C000] =	vst v63  }
0x513: {  	s21 =	sadd.s32 $0x3100, s1  }
0x514: {  	[hbm4b:s21+s2] =	stream.linear.scatter [tilespmem:s6], [sflag:$0x1], $0x1900, $0x38;
	[tilespmem:$0x1C000] =	vst v63  }
0x515: {  	s1 =	sadd.s32 $0x3480, s1  }
0x516: {  	[hbm4b:s1+s2] =	stream.linear.scatter [tilespmem:s5], [sflag:$0x1], $0x1900, $0x38;
	[tilespmem:$0x1C000] =	vst v63  }
0x517: {  	s1 =	rddreg [dreg:$0x18]  }
0x518: {  	[hbm4b:s1+s2] =	stream.linear.scatter [tilespmem:s2], [sflag:$0x1], $0x1900, $0x38;
	[tilespmem:$0x1C000] =	vst v63  }
0x519: {  	s4 =	sadd.s32 $0x380, s1  }
0x51a: {  	[hbm4b:s4+s2] =	stream.linear.scatter [tilespmem:s20], [sflag:$0x1], $0x1900, $0x38;
	[tilespmem:$0x1C000] =	vst v63  }
0x51b: {  	s21 =	sadd.s32 $0x700, s1  }
0x51c: {  	[hbm4b:s21+s2] =	stream.linear.scatter [tilespmem:s19], [sflag:$0x1], $0x1900, $0x38;
	[tilespmem:$0x1C000] =	vst v63  }
0x51d: {  	s4 =	sadd.s32 $0xA80, s1  }
0x51e: {  	[hbm4b:s4+s2] =	stream.linear.scatter [tilespmem:s17], [sflag:$0x1], $0x1900, $0x38;
	[tilespmem:$0x1C000] =	vst v63  }
0x51f: {  	s21 =	sadd.s32 $0xE00, s1  }
0x520: {  	[hbm4b:s21+s2] =	stream.linear.scatter [tilespmem:s15], [sflag:$0x1], $0x1900, $0x38;
	[tilespmem:$0x1C000] =	vst v63  }
0x521: {  	s4 =	sadd.s32 $0x1180, s1  }
0x522: {  	[hbm4b:s4+s2] =	stream.linear.scatter [tilespmem:s13], [sflag:$0x1], $0x1900, $0x38;
	[tilespmem:$0x1C000] =	vst v63  }
0x523: {  	s21 =	sadd.s32 $0x1500, s1  }
0x524: {  	[hbm4b:s21+s2] =	stream.linear.scatter [tilespmem:s18], [sflag:$0x1], $0x1900, $0x38;
	[tilespmem:$0x1C000] =	vst v63  }
0x525: {  	s4 =	sadd.s32 $0x1880, s1  }
0x526: {  	[hbm4b:s4+s2] =	stream.linear.scatter [tilespmem:s16], [sflag:$0x1], $0x1900, $0x38;
	[tilespmem:$0x1C000] =	vst v63  }
0x527: {  	s21 =	sadd.s32 $0x1C00, s1  }
0x528: {  	[hbm4b:s21+s2] =	stream.linear.scatter [tilespmem:s14], [sflag:$0x1], $0x1900, $0x38;
	[tilespmem:$0x1C000] =	vst v63  }
0x529: {  	s4 =	sadd.s32 $0x1F80, s1  }
0x52a: {  	[hbm4b:s4+s2] =	stream.linear.scatter [tilespmem:s12], [sflag:$0x1], $0x1900, $0x38;
	[tilespmem:$0x1C000] =	vst v63  }
0x52b: {  	s21 =	sadd.s32 $0x2300, s1  }
0x52c: {  	[hbm4b:s21+s2] =	stream.linear.scatter [tilespmem:s11], [sflag:$0x1], $0x1900, $0x38;
	[tilespmem:$0x1C000] =	vst v63  }
0x52d: {  	s4 =	sadd.s32 $0x2680, s1  }
0x52e: {  	[hbm4b:s4+s2] =	stream.linear.scatter [tilespmem:s9], [sflag:$0x1], $0x1900, $0x38;
	[tilespmem:$0x1C000] =	vst v63  }
0x52f: {  	s21 =	sadd.s32 $0x2A00, s1  }
0x530: {  	[hbm4b:s21+s2] =	stream.linear.scatter [tilespmem:s8], [sflag:$0x1], $0x1900, $0x38;
	[tilespmem:$0x1C000] =	vst v63  }
0x531: {  	s4 =	sadd.s32 $0x2D80, s1  }
0x532: {  	[hbm4b:s4+s2] =	stream.linear.scatter [tilespmem:s7], [sflag:$0x1], $0x1900, $0x38;
	[tilespmem:$0x1C000] =	vst v63  }
0x533: {  	s21 =	sadd.s32 $0x3100, s1  }
0x534: {  	[hbm4b:s21+s2] =	stream.linear.scatter [tilespmem:s6], [sflag:$0x1], $0x1900, $0x38;
	[tilespmem:$0x1C000] =	vst v63  }
0x535: {  	s1 =	sadd.s32 $0x3480, s1  }
0x536: {  	[hbm4b:s1+s2] =	stream.linear.scatter [tilespmem:s5], [sflag:$0x1], $0x1900, $0x38;
	[tilespmem:$0x1C000] =	vst v63  }
0x537: {  	s1 =	rddreg [dreg:$0x17]  }
0x538: {  	[hbm4b:s1+s2] =	stream.linear.scatter [tilespmem:s2], [sflag:$0x1], $0x1900, $0x38;
	[tilespmem:$0x1C000] =	vst v63  }
0x539: {  	s4 =	sadd.s32 $0x380, s1  }
0x53a: {  	[hbm4b:s4+s2] =	stream.linear.scatter [tilespmem:s20], [sflag:$0x1], $0x1900, $0x38;
	[tilespmem:$0x1C000] =	vst v63  }
0x53b: {  	s21 =	sadd.s32 $0x700, s1  }
0x53c: {  	[hbm4b:s21+s2] =	stream.linear.scatter [tilespmem:s19], [sflag:$0x1], $0x1900, $0x38;
	[tilespmem:$0x1C000] =	vst v63  }
0x53d: {  	s4 =	sadd.s32 $0xA80, s1  }
0x53e: {  	[hbm4b:s4+s2] =	stream.linear.scatter [tilespmem:s17], [sflag:$0x1], $0x1900, $0x38;
	[tilespmem:$0x1C000] =	vst v63  }
0x53f: {  	s21 =	sadd.s32 $0xE00, s1  }
0x540: {  	[hbm4b:s21+s2] =	stream.linear.scatter [tilespmem:s15], [sflag:$0x1], $0x1900, $0x38;
	[tilespmem:$0x1C000] =	vst v63  }
0x541: {  	s4 =	sadd.s32 $0x1180, s1  }
0x542: {  	[hbm4b:s4+s2] =	stream.linear.scatter [tilespmem:s13], [sflag:$0x1], $0x1900, $0x38;
	[tilespmem:$0x1C000] =	vst v63  }
0x543: {  	s21 =	sadd.s32 $0x1500, s1  }
0x544: {  	[hbm4b:s21+s2] =	stream.linear.scatter [tilespmem:s18], [sflag:$0x1], $0x1900, $0x38;
	[tilespmem:$0x1C000] =	vst v63  }
0x545: {  	s4 =	sadd.s32 $0x1880, s1  }
0x546: {  	[hbm4b:s4+s2] =	stream.linear.scatter [tilespmem:s16], [sflag:$0x1], $0x1900, $0x38;
	[tilespmem:$0x1C000] =	vst v63  }
0x547: {  	s21 =	sadd.s32 $0x1C00, s1  }
0x548: {  	[hbm4b:s21+s2] =	stream.linear.scatter [tilespmem:s14], [sflag:$0x1], $0x1900, $0x38;
	[tilespmem:$0x1C000] =	vst v63  }
0x549: {  	s4 =	sadd.s32 $0x1F80, s1  }
0x54a: {  	[hbm4b:s4+s2] =	stream.linear.scatter [tilespmem:s12], [sflag:$0x1], $0x1900, $0x38;
	[tilespmem:$0x1C000] =	vst v63  }
0x54b: {  	s21 =	sadd.s32 $0x2300, s1  }
0x54c: {  	[hbm4b:s21+s2] =	stream.linear.scatter [tilespmem:s11], [sflag:$0x1], $0x1900, $0x38;
	[tilespmem:$0x1C000] =	vst v63  }
0x54d: {  	s4 =	sadd.s32 $0x2680, s1  }
0x54e: {  	[hbm4b:s4+s2] =	stream.linear.scatter [tilespmem:s9], [sflag:$0x1], $0x1900, $0x38;
	[tilespmem:$0x1C000] =	vst v63  }
0x54f: {  	s21 =	sadd.s32 $0x2A00, s1  }
0x550: {  	[hbm4b:s21+s2] =	stream.linear.scatter [tilespmem:s8], [sflag:$0x1], $0x1900, $0x38;
	[tilespmem:$0x1C000] =	vst v63  }
0x551: {  	s4 =	sadd.s32 $0x2D80, s1  }
0x552: {  	[hbm4b:s4+s2] =	stream.linear.scatter [tilespmem:s7], [sflag:$0x1], $0x1900, $0x38;
	[tilespmem:$0x1C000] =	vst v63  }
0x553: {  	s21 =	sadd.s32 $0x3100, s1  }
0x554: {  	[hbm4b:s21+s2] =	stream.linear.scatter [tilespmem:s6], [sflag:$0x1], $0x1900, $0x38;
	[tilespmem:$0x1C000] =	vst v63  }
0x555: {  	s1 =	sadd.s32 $0x3480, s1  }
0x556: {  	[hbm4b:s1+s2] =	stream.linear.scatter [tilespmem:s5], [sflag:$0x1], $0x1900, $0x38;
	[tilespmem:$0x1C000] =	vst v63  }
0x557: {  	s1 =	rddreg [dreg:$0x16]  }
0x558: {  	[hbm4b:s1+s2] =	stream.linear.scatter [tilespmem:s2], [sflag:$0x1], $0x1900, $0x38;
	[tilespmem:$0x1C000] =	vst v63  }
0x559: {  	s4 =	sadd.s32 $0x380, s1  }
0x55a: {  	[hbm4b:s4+s2] =	stream.linear.scatter [tilespmem:s20], [sflag:$0x1], $0x1900, $0x38;
	[tilespmem:$0x1C000] =	vst v63  }
0x55b: {  	s21 =	sadd.s32 $0x700, s1  }
0x55c: {  	[hbm4b:s21+s2] =	stream.linear.scatter [tilespmem:s19], [sflag:$0x1], $0x1900, $0x38;
	[tilespmem:$0x1C000] =	vst v63  }
0x55d: {  	s4 =	sadd.s32 $0xA80, s1  }
0x55e: {  	[hbm4b:s4+s2] =	stream.linear.scatter [tilespmem:s17], [sflag:$0x1], $0x1900, $0x38;
	[tilespmem:$0x1C000] =	vst v63  }
0x55f: {  	s21 =	sadd.s32 $0xE00, s1  }
0x560: {  	[hbm4b:s21+s2] =	stream.linear.scatter [tilespmem:s15], [sflag:$0x1], $0x1900, $0x38;
	[tilespmem:$0x1C000] =	vst v63  }
0x561: {  	s4 =	sadd.s32 $0x1180, s1  }
0x562: {  	[hbm4b:s4+s2] =	stream.linear.scatter [tilespmem:s13], [sflag:$0x1], $0x1900, $0x38;
	[tilespmem:$0x1C000] =	vst v63  }
0x563: {  	s21 =	sadd.s32 $0x1500, s1  }
0x564: {  	[hbm4b:s21+s2] =	stream.linear.scatter [tilespmem:s18], [sflag:$0x1], $0x1900, $0x38;
	[tilespmem:$0x1C000] =	vst v63  }
0x565: {  	s4 =	sadd.s32 $0x1880, s1  }
0x566: {  	[hbm4b:s4+s2] =	stream.linear.scatter [tilespmem:s16], [sflag:$0x1], $0x1900, $0x38;
	[tilespmem:$0x1C000] =	vst v63  }
0x567: {  	s21 =	sadd.s32 $0x1C00, s1  }
0x568: {  	[hbm4b:s21+s2] =	stream.linear.scatter [tilespmem:s14], [sflag:$0x1], $0x1900, $0x38;
	[tilespmem:$0x1C000] =	vst v63  }
0x569: {  	s4 =	sadd.s32 $0x1F80, s1  }
0x56a: {  	[hbm4b:s4+s2] =	stream.linear.scatter [tilespmem:s12], [sflag:$0x1], $0x1900, $0x38;
	[tilespmem:$0x1C000] =	vst v63  }
0x56b: {  	s21 =	sadd.s32 $0x2300, s1  }
0x56c: {  	[hbm4b:s21+s2] =	stream.linear.scatter [tilespmem:s11], [sflag:$0x1], $0x1900, $0x38;
	[tilespmem:$0x1C000] =	vst v63  }
0x56d: {  	s4 =	sadd.s32 $0x2680, s1  }
0x56e: {  	[hbm4b:s4+s2] =	stream.linear.scatter [tilespmem:s9], [sflag:$0x1], $0x1900, $0x38;
	[tilespmem:$0x1C000] =	vst v63  }
0x56f: {  	s21 =	sadd.s32 $0x2A00, s1  }
0x570: {  	[hbm4b:s21+s2] =	stream.linear.scatter [tilespmem:s8], [sflag:$0x1], $0x1900, $0x38;
	[tilespmem:$0x1C000] =	vst v63  }
0x571: {  	s4 =	sadd.s32 $0x2D80, s1  }
0x572: {  	[hbm4b:s4+s2] =	stream.linear.scatter [tilespmem:s7], [sflag:$0x1], $0x1900, $0x38;
	[tilespmem:$0x1C000] =	vst v63  }
0x573: {  	s21 =	sadd.s32 $0x3100, s1  }
0x574: {  	[hbm4b:s21+s2] =	stream.linear.scatter [tilespmem:s6], [sflag:$0x1], $0x1900, $0x38;
	[tilespmem:$0x1C000] =	vst v63  }
0x575: {  	s1 =	sadd.s32 $0x3480, s1  }
0x576: {  	[hbm4b:s1+s2] =	stream.linear.scatter [tilespmem:s5], [sflag:$0x1], $0x1900, $0x38;
	[tilespmem:$0x1C000] =	vst v63  }
0x577: {  	s1 =	rddreg [dreg:$0x15]  }
0x578: {  	[hbm4b:s1+s2] =	stream.linear.scatter [tilespmem:s2], [sflag:$0x1], $0x1900, $0x38;
	[tilespmem:$0x1C000] =	vst v63  }
0x579: {  	s4 =	sadd.s32 $0x380, s1  }
0x57a: {  	[hbm4b:s4+s2] =	stream.linear.scatter [tilespmem:s20], [sflag:$0x1], $0x1900, $0x38;
	[tilespmem:$0x1C000] =	vst v63  }
0x57b: {  	s21 =	sadd.s32 $0x700, s1  }
0x57c: {  	[hbm4b:s21+s2] =	stream.linear.scatter [tilespmem:s19], [sflag:$0x1], $0x1900, $0x38;
	[tilespmem:$0x1C000] =	vst v63  }
0x57d: {  	s4 =	sadd.s32 $0xA80, s1  }
0x57e: {  	[hbm4b:s4+s2] =	stream.linear.scatter [tilespmem:s17], [sflag:$0x1], $0x1900, $0x38;
	[tilespmem:$0x1C000] =	vst v63  }
0x57f: {  	s21 =	sadd.s32 $0xE00, s1  }
0x580: {  	[hbm4b:s21+s2] =	stream.linear.scatter [tilespmem:s15], [sflag:$0x1], $0x1900, $0x38;
	[tilespmem:$0x1C000] =	vst v63  }
0x581: {  	s4 =	sadd.s32 $0x1180, s1  }
0x582: {  	[hbm4b:s4+s2] =	stream.linear.scatter [tilespmem:s13], [sflag:$0x1], $0x1900, $0x38;
	[tilespmem:$0x1C000] =	vst v63  }
0x583: {  	s21 =	sadd.s32 $0x1500, s1  }
0x584: {  	[hbm4b:s21+s2] =	stream.linear.scatter [tilespmem:s18], [sflag:$0x1], $0x1900, $0x38;
	[tilespmem:$0x1C000] =	vst v63  }
0x585: {  	s4 =	sadd.s32 $0x1880, s1  }
0x586: {  	[hbm4b:s4+s2] =	stream.linear.scatter [tilespmem:s16], [sflag:$0x1], $0x1900, $0x38;
	[tilespmem:$0x1C000] =	vst v63  }
0x587: {  	s21 =	sadd.s32 $0x1C00, s1  }
0x588: {  	[hbm4b:s21+s2] =	stream.linear.scatter [tilespmem:s14], [sflag:$0x1], $0x1900, $0x38;
	[tilespmem:$0x1C000] =	vst v63  }
0x589: {  	s4 =	sadd.s32 $0x1F80, s1  }
0x58a: {  	[hbm4b:s4+s2] =	stream.linear.scatter [tilespmem:s12], [sflag:$0x1], $0x1900, $0x38;
	[tilespmem:$0x1C000] =	vst v63  }
0x58b: {  	s21 =	sadd.s32 $0x2300, s1  }
0x58c: {  	[hbm4b:s21+s2] =	stream.linear.scatter [tilespmem:s11], [sflag:$0x1], $0x1900, $0x38;
	[tilespmem:$0x1C000] =	vst v63  }
0x58d: {  	s4 =	sadd.s32 $0x2680, s1  }
0x58e: {  	[hbm4b:s4+s2] =	stream.linear.scatter [tilespmem:s9], [sflag:$0x1], $0x1900, $0x38;
	[tilespmem:$0x1C000] =	vst v63  }
0x58f: {  	s21 =	sadd.s32 $0x2A00, s1  }
0x590: {  	[hbm4b:s21+s2] =	stream.linear.scatter [tilespmem:s8], [sflag:$0x1], $0x1900, $0x38;
	[tilespmem:$0x1C000] =	vst v63  }
0x591: {  	s4 =	sadd.s32 $0x2D80, s1  }
0x592: {  	[hbm4b:s4+s2] =	stream.linear.scatter [tilespmem:s7], [sflag:$0x1], $0x1900, $0x38;
	[tilespmem:$0x1C000] =	vst v63  }
0x593: {  	s21 =	sadd.s32 $0x3100, s1  }
0x594: {  	[hbm4b:s21+s2] =	stream.linear.scatter [tilespmem:s6], [sflag:$0x1], $0x1900, $0x38;
	[tilespmem:$0x1C000] =	vst v63  }
0x595: {  	s1 =	sadd.s32 $0x3480, s1  }
0x596: {  	[hbm4b:s1+s2] =	stream.linear.scatter [tilespmem:s5], [sflag:$0x1], $0x1900, $0x38;
	[tilespmem:$0x1C000] =	vst v63  }
0x597: {  	s1 =	rddreg [dreg:$0x14]  }
0x598: {  	[hbm4b:s1+s2] =	stream.linear.scatter [tilespmem:s2], [sflag:$0x1], $0x1900, $0x38;
	[tilespmem:$0x1C000] =	vst v63  }
0x599: {  	s4 =	sadd.s32 $0x380, s1  }
0x59a: {  	[hbm4b:s4+s2] =	stream.linear.scatter [tilespmem:s20], [sflag:$0x1], $0x1900, $0x38;
	[tilespmem:$0x1C000] =	vst v63  }
0x59b: {  	s21 =	sadd.s32 $0x700, s1  }
0x59c: {  	[hbm4b:s21+s2] =	stream.linear.scatter [tilespmem:s19], [sflag:$0x1], $0x1900, $0x38;
	[tilespmem:$0x1C000] =	vst v63  }
0x59d: {  	s4 =	sadd.s32 $0xA80, s1  }
0x59e: {  	[hbm4b:s4+s2] =	stream.linear.scatter [tilespmem:s17], [sflag:$0x1], $0x1900, $0x38;
	[tilespmem:$0x1C000] =	vst v63  }
0x59f: {  	s21 =	sadd.s32 $0xE00, s1  }
0x5a0: {  	[hbm4b:s21+s2] =	stream.linear.scatter [tilespmem:s15], [sflag:$0x1], $0x1900, $0x38;
	[tilespmem:$0x1C000] =	vst v63  }
0x5a1: {  	s4 =	sadd.s32 $0x1180, s1  }
0x5a2: {  	[hbm4b:s4+s2] =	stream.linear.scatter [tilespmem:s13], [sflag:$0x1], $0x1900, $0x38;
	[tilespmem:$0x1C000] =	vst v63  }
0x5a3: {  	s21 =	sadd.s32 $0x1500, s1  }
0x5a4: {  	[hbm4b:s21+s2] =	stream.linear.scatter [tilespmem:s18], [sflag:$0x1], $0x1900, $0x38;
	[tilespmem:$0x1C000] =	vst v63  }
0x5a5: {  	s4 =	sadd.s32 $0x1880, s1  }
0x5a6: {  	[hbm4b:s4+s2] =	stream.linear.scatter [tilespmem:s16], [sflag:$0x1], $0x1900, $0x38;
	[tilespmem:$0x1C000] =	vst v63  }
0x5a7: {  	s21 =	sadd.s32 $0x1C00, s1  }
0x5a8: {  	[hbm4b:s21+s2] =	stream.linear.scatter [tilespmem:s14], [sflag:$0x1], $0x1900, $0x38;
	[tilespmem:$0x1C000] =	vst v63  }
0x5a9: {  	s4 =	sadd.s32 $0x1F80, s1  }
0x5aa: {  	[hbm4b:s4+s2] =	stream.linear.scatter [tilespmem:s12], [sflag:$0x1], $0x1900, $0x38;
	[tilespmem:$0x1C000] =	vst v63  }
0x5ab: {  	s21 =	sadd.s32 $0x2300, s1  }
0x5ac: {  	[hbm4b:s21+s2] =	stream.linear.scatter [tilespmem:s11], [sflag:$0x1], $0x1900, $0x38;
	[tilespmem:$0x1C000] =	vst v63  }
0x5ad: {  	s4 =	sadd.s32 $0x2680, s1  }
0x5ae: {  	[hbm4b:s4+s2] =	stream.linear.scatter [tilespmem:s9], [sflag:$0x1], $0x1900, $0x38;
	[tilespmem:$0x1C000] =	vst v63  }
0x5af: {  	s21 =	sadd.s32 $0x2A00, s1  }
0x5b0: {  	[hbm4b:s21+s2] =	stream.linear.scatter [tilespmem:s8], [sflag:$0x1], $0x1900, $0x38;
	[tilespmem:$0x1C000] =	vst v63  }
0x5b1: {  	s4 =	sadd.s32 $0x2D80, s1  }
0x5b2: {  	[hbm4b:s4+s2] =	stream.linear.scatter [tilespmem:s7], [sflag:$0x1], $0x1900, $0x38;
	[tilespmem:$0x1C000] =	vst v63  }
0x5b3: {  	s21 =	sadd.s32 $0x3100, s1  }
0x5b4: {  	[hbm4b:s21+s2] =	stream.linear.scatter [tilespmem:s6], [sflag:$0x1], $0x1900, $0x38;
	[tilespmem:$0x1C000] =	vst v63  }
0x5b5: {  	s1 =	sadd.s32 $0x3480, s1  }
0x5b6: {  	[hbm4b:s1+s2] =	stream.linear.scatter [tilespmem:s5], [sflag:$0x1], $0x1900, $0x38;
	[tilespmem:$0x1C000] =	vst v63  }
0x5b7: {  	s1 =	rddreg [dreg:$0x13]  }
0x5b8: {  	[hbm4b:s1+s2] =	stream.linear.scatter [tilespmem:s2], [sflag:$0x1], $0x1900, $0x38;
	[tilespmem:$0x1C000] =	vst v63  }
0x5b9: {  	s4 =	sadd.s32 $0x380, s1  }
0x5ba: {  	[hbm4b:s4+s2] =	stream.linear.scatter [tilespmem:s20], [sflag:$0x1], $0x1900, $0x38;
	[tilespmem:$0x1C000] =	vst v63  }
0x5bb: {  	s21 =	sadd.s32 $0x700, s1  }
0x5bc: {  	[hbm4b:s21+s2] =	stream.linear.scatter [tilespmem:s19], [sflag:$0x1], $0x1900, $0x38;
	[tilespmem:$0x1C000] =	vst v63  }
0x5bd: {  	s4 =	sadd.s32 $0xA80, s1  }
0x5be: {  	[hbm4b:s4+s2] =	stream.linear.scatter [tilespmem:s17], [sflag:$0x1], $0x1900, $0x38;
	[tilespmem:$0x1C000] =	vst v63  }
0x5bf: {  	s21 =	sadd.s32 $0xE00, s1  }
0x5c0: {  	[hbm4b:s21+s2] =	stream.linear.scatter [tilespmem:s15], [sflag:$0x1], $0x1900, $0x38;
	[tilespmem:$0x1C000] =	vst v63  }
0x5c1: {  	s4 =	sadd.s32 $0x1180, s1  }
0x5c2: {  	[hbm4b:s4+s2] =	stream.linear.scatter [tilespmem:s13], [sflag:$0x1], $0x1900, $0x38;
	[tilespmem:$0x1C000] =	vst v63  }
0x5c3: {  	s21 =	sadd.s32 $0x1500, s1  }
0x5c4: {  	[hbm4b:s21+s2] =	stream.linear.scatter [tilespmem:s18], [sflag:$0x1], $0x1900, $0x38;
	[tilespmem:$0x1C000] =	vst v63  }
0x5c5: {  	s4 =	sadd.s32 $0x1880, s1  }
0x5c6: {  	[hbm4b:s4+s2] =	stream.linear.scatter [tilespmem:s16], [sflag:$0x1], $0x1900, $0x38;
	[tilespmem:$0x1C000] =	vst v63  }
0x5c7: {  	s21 =	sadd.s32 $0x1C00, s1  }
0x5c8: {  	[hbm4b:s21+s2] =	stream.linear.scatter [tilespmem:s14], [sflag:$0x1], $0x1900, $0x38;
	[tilespmem:$0x1C000] =	vst v63  }
0x5c9: {  	s4 =	sadd.s32 $0x1F80, s1  }
0x5ca: {  	[hbm4b:s4+s2] =	stream.linear.scatter [tilespmem:s12], [sflag:$0x1], $0x1900, $0x38;
	[tilespmem:$0x1C000] =	vst v63  }
0x5cb: {  	s21 =	sadd.s32 $0x2300, s1  }
0x5cc: {  	[hbm4b:s21+s2] =	stream.linear.scatter [tilespmem:s11], [sflag:$0x1], $0x1900, $0x38;
	[tilespmem:$0x1C000] =	vst v63  }
0x5cd: {  	s4 =	sadd.s32 $0x2680, s1  }
0x5ce: {  	[hbm4b:s4+s2] =	stream.linear.scatter [tilespmem:s9], [sflag:$0x1], $0x1900, $0x38;
	[tilespmem:$0x1C000] =	vst v63  }
0x5cf: {  	s21 =	sadd.s32 $0x2A00, s1  }
0x5d0: {  	[hbm4b:s21+s2] =	stream.linear.scatter [tilespmem:s8], [sflag:$0x1], $0x1900, $0x38;
	[tilespmem:$0x1C000] =	vst v63  }
0x5d1: {  	s4 =	sadd.s32 $0x2D80, s1  }
0x5d2: {  	[hbm4b:s4+s2] =	stream.linear.scatter [tilespmem:s7], [sflag:$0x1], $0x1900, $0x38;
	[tilespmem:$0x1C000] =	vst v63  }
0x5d3: {  	s21 =	sadd.s32 $0x3100, s1  }
0x5d4: {  	[hbm4b:s21+s2] =	stream.linear.scatter [tilespmem:s6], [sflag:$0x1], $0x1900, $0x38;
	[tilespmem:$0x1C000] =	vst v63  }
0x5d5: {  	s1 =	sadd.s32 $0x3480, s1  }
0x5d6: {  	[hbm4b:s1+s2] =	stream.linear.scatter [tilespmem:s5], [sflag:$0x1], $0x1900, $0x38;
	[tilespmem:$0x1C000] =	vst v63  }
0x5d7: {  	s1 =	rddreg [dreg:$0x12]  }
0x5d8: {  	[hbm4b:s1+s2] =	stream.linear.scatter [tilespmem:s2], [sflag:$0x1], $0x1900, $0x38;
	[tilespmem:$0x1C000] =	vst v63  }
0x5d9: {  	s4 =	sadd.s32 $0x380, s1  }
0x5da: {  	[hbm4b:s4+s2] =	stream.linear.scatter [tilespmem:s20], [sflag:$0x1], $0x1900, $0x38;
	[tilespmem:$0x1C000] =	vst v63  }
0x5db: {  	s21 =	sadd.s32 $0x700, s1  }
0x5dc: {  	[hbm4b:s21+s2] =	stream.linear.scatter [tilespmem:s19], [sflag:$0x1], $0x1900, $0x38;
	[tilespmem:$0x1C000] =	vst v63  }
0x5dd: {  	s4 =	sadd.s32 $0xA80, s1  }
0x5de: {  	[hbm4b:s4+s2] =	stream.linear.scatter [tilespmem:s17], [sflag:$0x1], $0x1900, $0x38;
	[tilespmem:$0x1C000] =	vst v63  }
0x5df: {  	s21 =	sadd.s32 $0xE00, s1  }
0x5e0: {  	[hbm4b:s21+s2] =	stream.linear.scatter [tilespmem:s15], [sflag:$0x1], $0x1900, $0x38;
	[tilespmem:$0x1C000] =	vst v63  }
0x5e1: {  	s4 =	sadd.s32 $0x1180, s1  }
0x5e2: {  	[hbm4b:s4+s2] =	stream.linear.scatter [tilespmem:s13], [sflag:$0x1], $0x1900, $0x38;
	[tilespmem:$0x1C000] =	vst v63  }
0x5e3: {  	s21 =	sadd.s32 $0x1500, s1  }
0x5e4: {  	[hbm4b:s21+s2] =	stream.linear.scatter [tilespmem:s18], [sflag:$0x1], $0x1900, $0x38;
	[tilespmem:$0x1C000] =	vst v63  }
0x5e5: {  	s4 =	sadd.s32 $0x1880, s1  }
0x5e6: {  	[hbm4b:s4+s2] =	stream.linear.scatter [tilespmem:s16], [sflag:$0x1], $0x1900, $0x38;
	[tilespmem:$0x1C000] =	vst v63  }
0x5e7: {  	s21 =	sadd.s32 $0x1C00, s1  }
0x5e8: {  	[hbm4b:s21+s2] =	stream.linear.scatter [tilespmem:s14], [sflag:$0x1], $0x1900, $0x38;
	[tilespmem:$0x1C000] =	vst v63  }
0x5e9: {  	s4 =	sadd.s32 $0x1F80, s1  }
0x5ea: {  	[hbm4b:s4+s2] =	stream.linear.scatter [tilespmem:s12], [sflag:$0x1], $0x1900, $0x38;
	[tilespmem:$0x1C000] =	vst v63  }
0x5eb: {  	s21 =	sadd.s32 $0x2300, s1  }
0x5ec: {  	[hbm4b:s21+s2] =	stream.linear.scatter [tilespmem:s11], [sflag:$0x1], $0x1900, $0x38;
	[tilespmem:$0x1C000] =	vst v63  }
0x5ed: {  	s4 =	sadd.s32 $0x2680, s1  }
0x5ee: {  	[hbm4b:s4+s2] =	stream.linear.scatter [tilespmem:s9], [sflag:$0x1], $0x1900, $0x38;
	[tilespmem:$0x1C000] =	vst v63  }
0x5ef: {  	s21 =	sadd.s32 $0x2A00, s1  }
0x5f0: {  	[hbm4b:s21+s2] =	stream.linear.scatter [tilespmem:s8], [sflag:$0x1], $0x1900, $0x38;
	[tilespmem:$0x1C000] =	vst v63  }
0x5f1: {  	s4 =	sadd.s32 $0x2D80, s1  }
0x5f2: {  	[hbm4b:s4+s2] =	stream.linear.scatter [tilespmem:s7], [sflag:$0x1], $0x1900, $0x38;
	[tilespmem:$0x1C000] =	vst v63  }
0x5f3: {  	s21 =	sadd.s32 $0x3100, s1  }
0x5f4: {  	[hbm4b:s21+s2] =	stream.linear.scatter [tilespmem:s6], [sflag:$0x1], $0x1900, $0x38;
	[tilespmem:$0x1C000] =	vst v63  }
0x5f5: {  	s4 =	sadd.s32 $0x3480, s1  }
0x5f6: {  	[hbm4b:s4+s2] =	stream.linear.scatter [tilespmem:s5], [sflag:$0x1], $0x1900, $0x38;
	[tilespmem:$0x1C000] =	vst v63  }
0x5f7: {  	_ = 	snop  }
0x5f8: {  	[hbm4b:s25+s2] =	stream.linear.scatter [tilespmem:s2], [sflag:$0x1], $0x1900, $0x38;
	[tilespmem:$0x1C000] =	vst v63  }
0x5f9: {  	s21 =	sadd.s32 $0x380, s25  }
0x5fa: {  	[hbm4b:s21+s2] =	stream.linear.scatter [tilespmem:s20], [sflag:$0x1], $0x1900, $0x38;
	[tilespmem:$0x1C000] =	vst v63  }
0x5fb: {  	s1 =	sadd.s32 $0x700, s25  }
0x5fc: {  	[hbm4b:s1+s2] =	stream.linear.scatter [tilespmem:s19], [sflag:$0x1], $0x1900, $0x38;
	[tilespmem:$0x1C000] =	vst v63  }
0x5fd: {  	s4 =	sadd.s32 $0xA80, s25  }
0x5fe: {  	[hbm4b:s4+s2] =	stream.linear.scatter [tilespmem:s17], [sflag:$0x1], $0x1900, $0x38;
	[tilespmem:$0x1C000] =	vst v63  }
0x5ff: {  	s21 =	sadd.s32 $0xE00, s25  }
0x600: {  	[hbm4b:s21+s2] =	stream.linear.scatter [tilespmem:s15], [sflag:$0x1], $0x1900, $0x38;
	[tilespmem:$0x1C000] =	vst v63  }
0x601: {  	s1 =	sadd.s32 $0x1180, s25  }
0x602: {  	[hbm4b:s1+s2] =	stream.linear.scatter [tilespmem:s13], [sflag:$0x1], $0x1900, $0x38;
	[tilespmem:$0x1C000] =	vst v63  }
0x603: {  	s4 =	sadd.s32 $0x1500, s25  }
0x604: {  	[hbm4b:s4+s2] =	stream.linear.scatter [tilespmem:s18], [sflag:$0x1], $0x1900, $0x38;
	[tilespmem:$0x1C000] =	vst v63  }
0x605: {  	s21 =	sadd.s32 $0x1880, s25  }
0x606: {  	[hbm4b:s21+s2] =	stream.linear.scatter [tilespmem:s16], [sflag:$0x1], $0x1900, $0x38;
	[tilespmem:$0x1C000] =	vst v63  }
0x607: {  	s1 =	sadd.s32 $0x1C00, s25  }
0x608: {  	[hbm4b:s1+s2] =	stream.linear.scatter [tilespmem:s14], [sflag:$0x1], $0x1900, $0x38;
	[tilespmem:$0x1C000] =	vst v63  }
0x609: {  	s4 =	sadd.s32 $0x1F80, s25  }
0x60a: {  	[hbm4b:s4+s2] =	stream.linear.scatter [tilespmem:s12], [sflag:$0x1], $0x1900, $0x38;
	[tilespmem:$0x1C000] =	vst v63  }
0x60b: {  	s21 =	sadd.s32 $0x2300, s25  }
0x60c: {  	[hbm4b:s21+s2] =	stream.linear.scatter [tilespmem:s11], [sflag:$0x1], $0x1900, $0x38;
	[tilespmem:$0x1C000] =	vst v63  }
0x60d: {  	s1 =	sadd.s32 $0x2680, s25  }
0x60e: {  	[hbm4b:s1+s2] =	stream.linear.scatter [tilespmem:s9], [sflag:$0x1], $0x1900, $0x38;
	[tilespmem:$0x1C000] =	vst v63  }
0x60f: {  	s4 =	sadd.s32 $0x2A00, s25  }
0x610: {  	[hbm4b:s4+s2] =	stream.linear.scatter [tilespmem:s8], [sflag:$0x1], $0x1900, $0x38;
	[tilespmem:$0x1C000] =	vst v63  }
0x611: {  	s21 =	sadd.s32 $0x2D80, s25  }
0x612: {  	[hbm4b:s21+s2] =	stream.linear.scatter [tilespmem:s7], [sflag:$0x1], $0x1900, $0x38;
	[tilespmem:$0x1C000] =	vst v63  }
0x613: {  	s1 =	sadd.s32 $0x3100, s25  }
0x614: {  	[hbm4b:s1+s2] =	stream.linear.scatter [tilespmem:s6], [sflag:$0x1], $0x1900, $0x38;
	[tilespmem:$0x1C000] =	vst v63  }
0x615: {  	s4 =	sadd.s32 $0x3480, s25  }
0x616: {  	[hbm4b:s4+s2] =	stream.linear.scatter [tilespmem:s5], [sflag:$0x1], $0x1900, $0x38;
	[tilespmem:$0x1C000] =	vst v63  }
0x617: {  	_ = 	snop  }
0x618: {  	[hbm4b:s24+s2] =	stream.linear.scatter [tilespmem:s2], [sflag:$0x1], $0x1900, $0x38;
	[tilespmem:$0x1C000] =	vst v63  }
0x619: {  	s21 =	sadd.s32 $0x380, s24  }
0x61a: {  	[hbm4b:s21+s2] =	stream.linear.scatter [tilespmem:s20], [sflag:$0x1], $0x1900, $0x38;
	[tilespmem:$0x1C000] =	vst v63  }
0x61b: {  	s25 =	sadd.s32 $0x700, s24  }
0x61c: {  	[hbm4b:s25+s2] =	stream.linear.scatter [tilespmem:s19], [sflag:$0x1], $0x1900, $0x38;
	[tilespmem:$0x1C000] =	vst v63  }
0x61d: {  	s1 =	sadd.s32 $0xA80, s24  }
0x61e: {  	[hbm4b:s1+s2] =	stream.linear.scatter [tilespmem:s17], [sflag:$0x1], $0x1900, $0x38;
	[tilespmem:$0x1C000] =	vst v63  }
0x61f: {  	s4 =	sadd.s32 $0xE00, s24  }
0x620: {  	[hbm4b:s4+s2] =	stream.linear.scatter [tilespmem:s15], [sflag:$0x1], $0x1900, $0x38;
	[tilespmem:$0x1C000] =	vst v63  }
0x621: {  	s21 =	sadd.s32 $0x1180, s24  }
0x622: {  	[hbm4b:s21+s2] =	stream.linear.scatter [tilespmem:s13], [sflag:$0x1], $0x1900, $0x38;
	[tilespmem:$0x1C000] =	vst v63  }
0x623: {  	s25 =	sadd.s32 $0x1500, s24  }
0x624: {  	[hbm4b:s25+s2] =	stream.linear.scatter [tilespmem:s18], [sflag:$0x1], $0x1900, $0x38;
	[tilespmem:$0x1C000] =	vst v63  }
0x625: {  	s1 =	sadd.s32 $0x1880, s24  }
0x626: {  	[hbm4b:s1+s2] =	stream.linear.scatter [tilespmem:s16], [sflag:$0x1], $0x1900, $0x38;
	[tilespmem:$0x1C000] =	vst v63  }
0x627: {  	s4 =	sadd.s32 $0x1C00, s24  }
0x628: {  	[hbm4b:s4+s2] =	stream.linear.scatter [tilespmem:s14], [sflag:$0x1], $0x1900, $0x38;
	[tilespmem:$0x1C000] =	vst v63  }
0x629: {  	s21 =	sadd.s32 $0x1F80, s24  }
0x62a: {  	[hbm4b:s21+s2] =	stream.linear.scatter [tilespmem:s12], [sflag:$0x1], $0x1900, $0x38;
	[tilespmem:$0x1C000] =	vst v63  }
0x62b: {  	s25 =	sadd.s32 $0x2300, s24  }
0x62c: {  	[hbm4b:s25+s2] =	stream.linear.scatter [tilespmem:s11], [sflag:$0x1], $0x1900, $0x38;
	[tilespmem:$0x1C000] =	vst v63  }
0x62d: {  	s1 =	sadd.s32 $0x2680, s24  }
0x62e: {  	[hbm4b:s1+s2] =	stream.linear.scatter [tilespmem:s9], [sflag:$0x1], $0x1900, $0x38;
	[tilespmem:$0x1C000] =	vst v63  }
0x62f: {  	s4 =	sadd.s32 $0x2A00, s24  }
0x630: {  	[hbm4b:s4+s2] =	stream.linear.scatter [tilespmem:s8], [sflag:$0x1], $0x1900, $0x38;
	[tilespmem:$0x1C000] =	vst v63  }
0x631: {  	s21 =	sadd.s32 $0x2D80, s24  }
0x632: {  	[hbm4b:s21+s2] =	stream.linear.scatter [tilespmem:s7], [sflag:$0x1], $0x1900, $0x38;
	[tilespmem:$0x1C000] =	vst v63  }
0x633: {  	s25 =	sadd.s32 $0x3100, s24  }
0x634: {  	[hbm4b:s25+s2] =	stream.linear.scatter [tilespmem:s6], [sflag:$0x1], $0x1900, $0x38;
	[tilespmem:$0x1C000] =	vst v63  }
0x635: {  	s1 =	sadd.s32 $0x3480, s24  }
0x636: {  	[hbm4b:s1+s2] =	stream.linear.scatter [tilespmem:s5], [sflag:$0x1], $0x1900, $0x38;
	[tilespmem:$0x1C000] =	vst v63  }
0x637: {  	_ = 	snop  }
0x638: {  	[hbm4b:s26+s2] =	stream.linear.scatter [tilespmem:s2], [sflag:$0x1], $0x1900, $0x38;
	[tilespmem:$0x1C000] =	vst v63  }
0x639: {  	s4 =	sadd.s32 $0x380, s26  }
0x63a: {  	[hbm4b:s4+s2] =	stream.linear.scatter [tilespmem:s20], [sflag:$0x1], $0x1900, $0x38;
	[tilespmem:$0x1C000] =	vst v63  }
0x63b: {  	s21 =	sadd.s32 $0x700, s26  }
0x63c: {  	[hbm4b:s21+s2] =	stream.linear.scatter [tilespmem:s19], [sflag:$0x1], $0x1900, $0x38;
	[tilespmem:$0x1C000] =	vst v63  }
0x63d: {  	s24 =	sadd.s32 $0xA80, s26  }
0x63e: {  	[hbm4b:s24+s2] =	stream.linear.scatter [tilespmem:s17], [sflag:$0x1], $0x1900, $0x38;
	[tilespmem:$0x1C000] =	vst v63  }
0x63f: {  	s25 =	sadd.s32 $0xE00, s26  }
0x640: {  	[hbm4b:s25+s2] =	stream.linear.scatter [tilespmem:s15], [sflag:$0x1], $0x1900, $0x38;
	[tilespmem:$0x1C000] =	vst v63  }
0x641: {  	s1 =	sadd.s32 $0x1180, s26  }
0x642: {  	[hbm4b:s1+s2] =	stream.linear.scatter [tilespmem:s13], [sflag:$0x1], $0x1900, $0x38;
	[tilespmem:$0x1C000] =	vst v63  }
0x643: {  	s4 =	sadd.s32 $0x1500, s26  }
0x644: {  	[hbm4b:s4+s2] =	stream.linear.scatter [tilespmem:s18], [sflag:$0x1], $0x1900, $0x38;
	[tilespmem:$0x1C000] =	vst v63  }
0x645: {  	s21 =	sadd.s32 $0x1880, s26  }
0x646: {  	[hbm4b:s21+s2] =	stream.linear.scatter [tilespmem:s16], [sflag:$0x1], $0x1900, $0x38;
	[tilespmem:$0x1C000] =	vst v63  }
0x647: {  	s24 =	sadd.s32 $0x1C00, s26  }
0x648: {  	[hbm4b:s24+s2] =	stream.linear.scatter [tilespmem:s14], [sflag:$0x1], $0x1900, $0x38;
	[tilespmem:$0x1C000] =	vst v63  }
0x649: {  	s25 =	sadd.s32 $0x1F80, s26  }
0x64a: {  	[hbm4b:s25+s2] =	stream.linear.scatter [tilespmem:s12], [sflag:$0x1], $0x1900, $0x38;
	[tilespmem:$0x1C000] =	vst v63  }
0x64b: {  	s1 =	sadd.s32 $0x2300, s26  }
0x64c: {  	[hbm4b:s1+s2] =	stream.linear.scatter [tilespmem:s11], [sflag:$0x1], $0x1900, $0x38;
	[tilespmem:$0x1C000] =	vst v63  }
0x64d: {  	s4 =	sadd.s32 $0x2680, s26  }
0x64e: {  	[hbm4b:s4+s2] =	stream.linear.scatter [tilespmem:s9], [sflag:$0x1], $0x1900, $0x38;
	[tilespmem:$0x1C000] =	vst v63  }
0x64f: {  	s21 =	sadd.s32 $0x2A00, s26  }
0x650: {  	[hbm4b:s21+s2] =	stream.linear.scatter [tilespmem:s8], [sflag:$0x1], $0x1900, $0x38;
	[tilespmem:$0x1C000] =	vst v63  }
0x651: {  	s24 =	sadd.s32 $0x2D80, s26  }
0x652: {  	[hbm4b:s24+s2] =	stream.linear.scatter [tilespmem:s7], [sflag:$0x1], $0x1900, $0x38;
	[tilespmem:$0x1C000] =	vst v63  }
0x653: {  	s25 =	sadd.s32 $0x3100, s26  }
0x654: {  	[hbm4b:s25+s2] =	stream.linear.scatter [tilespmem:s6], [sflag:$0x1], $0x1900, $0x38;
	[tilespmem:$0x1C000] =	vst v63  }
0x655: {  	s26 =	sadd.s32 $0x3480, s26  }
0x656: {  	[hbm4b:s26+s2] =	stream.linear.scatter [tilespmem:s5], [sflag:$0x1], $0x1900, $0x38;
	[tilespmem:$0x1C000] =	vst v63  }
0x657: {  	_ = 	snop  }
0x658: {  	[hbm4b:s10+s2] =	stream.linear.scatter [tilespmem:s2], [sflag:$0x1], $0x1900, $0x38;
	[tilespmem:$0x1C000] =	vst v63  }
0x659: {  	s1 =	sadd.s32 $0x380, s10  }
0x65a: {  	[hbm4b:s1+s2] =	stream.linear.scatter [tilespmem:s20], [sflag:$0x1], $0x1900, $0x38;
	[tilespmem:$0x1C000] =	vst v63  }
0x65b: {  	s4 =	sadd.s32 $0x700, s10  }
0x65c: {  	[hbm4b:s4+s2] =	stream.linear.scatter [tilespmem:s19], [sflag:$0x1], $0x1900, $0x38;
	[tilespmem:$0x1C000] =	vst v63  }
0x65d: {  	s21 =	sadd.s32 $0xA80, s10  }
0x65e: {  	[hbm4b:s21+s2] =	stream.linear.scatter [tilespmem:s17], [sflag:$0x1], $0x1900, $0x38;
	[tilespmem:$0x1C000] =	vst v63  }
0x65f: {  	s24 =	sadd.s32 $0xE00, s10  }
0x660: {  	[hbm4b:s24+s2] =	stream.linear.scatter [tilespmem:s15], [sflag:$0x1], $0x1900, $0x38;
	[tilespmem:$0x1C000] =	vst v63  }
0x661: {  	s25 =	sadd.s32 $0x1180, s10  }
0x662: {  	[hbm4b:s25+s2] =	stream.linear.scatter [tilespmem:s13], [sflag:$0x1], $0x1900, $0x38;
	[tilespmem:$0x1C000] =	vst v63  }
0x663: {  	s26 =	sadd.s32 $0x1500, s10  }
0x664: {  	[hbm4b:s26+s2] =	stream.linear.scatter [tilespmem:s18], [sflag:$0x1], $0x1900, $0x38;
	[tilespmem:$0x1C000] =	vst v63  }
0x665: {  	s1 =	sadd.s32 $0x1880, s10  }
0x666: {  	[hbm4b:s1+s2] =	stream.linear.scatter [tilespmem:s16], [sflag:$0x1], $0x1900, $0x38;
	[tilespmem:$0x1C000] =	vst v63  }
0x667: {  	s4 =	sadd.s32 $0x1C00, s10  }
0x668: {  	[hbm4b:s4+s2] =	stream.linear.scatter [tilespmem:s14], [sflag:$0x1], $0x1900, $0x38;
	[tilespmem:$0x1C000] =	vst v63  }
0x669: {  	s21 =	sadd.s32 $0x1F80, s10  }
0x66a: {  	[hbm4b:s21+s2] =	stream.linear.scatter [tilespmem:s12], [sflag:$0x1], $0x1900, $0x38;
	[tilespmem:$0x1C000] =	vst v63  }
0x66b: {  	s24 =	sadd.s32 $0x2300, s10  }
0x66c: {  	[hbm4b:s24+s2] =	stream.linear.scatter [tilespmem:s11], [sflag:$0x1], $0x1900, $0x38;
	[tilespmem:$0x1C000] =	vst v63  }
0x66d: {  	s25 =	sadd.s32 $0x2680, s10  }
0x66e: {  	[hbm4b:s25+s2] =	stream.linear.scatter [tilespmem:s9], [sflag:$0x1], $0x1900, $0x38;
	[tilespmem:$0x1C000] =	vst v63  }
0x66f: {  	s26 =	sadd.s32 $0x2A00, s10  }
0x670: {  	[hbm4b:s26+s2] =	stream.linear.scatter [tilespmem:s8], [sflag:$0x1], $0x1900, $0x38;
	[tilespmem:$0x1C000] =	vst v63  }
0x671: {  	s1 =	sadd.s32 $0x2D80, s10  }
0x672: {  	[hbm4b:s1+s2] =	stream.linear.scatter [tilespmem:s7], [sflag:$0x1], $0x1900, $0x38;
	[tilespmem:$0x1C000] =	vst v63  }
0x673: {  	s4 =	sadd.s32 $0x3100, s10  }
0x674: {  	[hbm4b:s4+s2] =	stream.linear.scatter [tilespmem:s6], [sflag:$0x1], $0x1900, $0x38;
	[tilespmem:$0x1C000] =	vst v63  }
0x675: {  	s10 =	sadd.s32 $0x3480, s10  }
0x676: {  	[hbm4b:s10+s2] =	stream.linear.scatter [tilespmem:s5], [sflag:$0x1], $0x1900, $0x38;
	[tilespmem:$0x1C000] =	vst v63  }
0x677: {  	_ = 	snop  }
0x678: {  	[hbm4b:s28+s2] =	stream.linear.scatter [tilespmem:s2], [sflag:$0x1], $0x1900, $0x38;
	[tilespmem:$0x1C000] =	vst v63  }
0x679: {  	s21 =	sadd.s32 $0x380, s28  }
0x67a: {  	[hbm4b:s21+s2] =	stream.linear.scatter [tilespmem:s20], [sflag:$0x1], $0x1900, $0x38;
	[tilespmem:$0x1C000] =	vst v63  }
0x67b: {  	s24 =	sadd.s32 $0x700, s28  }
0x67c: {  	[hbm4b:s24+s2] =	stream.linear.scatter [tilespmem:s19], [sflag:$0x1], $0x1900, $0x38;
	[tilespmem:$0x1C000] =	vst v63  }
0x67d: {  	s25 =	sadd.s32 $0xA80, s28  }
0x67e: {  	[hbm4b:s25+s2] =	stream.linear.scatter [tilespmem:s17], [sflag:$0x1], $0x1900, $0x38;
	[tilespmem:$0x1C000] =	vst v63  }
0x67f: {  	s26 =	sadd.s32 $0xE00, s28  }
0x680: {  	[hbm4b:s26+s2] =	stream.linear.scatter [tilespmem:s15], [sflag:$0x1], $0x1900, $0x38;
	[tilespmem:$0x1C000] =	vst v63  }
0x681: {  	s1 =	sadd.s32 $0x1180, s28  }
0x682: {  	[hbm4b:s1+s2] =	stream.linear.scatter [tilespmem:s13], [sflag:$0x1], $0x1900, $0x38;
	[tilespmem:$0x1C000] =	vst v63  }
0x683: {  	s4 =	sadd.s32 $0x1500, s28  }
0x684: {  	[hbm4b:s4+s2] =	stream.linear.scatter [tilespmem:s18], [sflag:$0x1], $0x1900, $0x38;
	[tilespmem:$0x1C000] =	vst v63  }
0x685: {  	s10 =	sadd.s32 $0x1880, s28  }
0x686: {  	[hbm4b:s10+s2] =	stream.linear.scatter [tilespmem:s16], [sflag:$0x1], $0x1900, $0x38;
	[tilespmem:$0x1C000] =	vst v63  }
0x687: {  	s21 =	sadd.s32 $0x1C00, s28  }
0x688: {  	[hbm4b:s21+s2] =	stream.linear.scatter [tilespmem:s14], [sflag:$0x1], $0x1900, $0x38;
	[tilespmem:$0x1C000] =	vst v63  }
0x689: {  	s24 =	sadd.s32 $0x1F80, s28  }
0x68a: {  	[hbm4b:s24+s2] =	stream.linear.scatter [tilespmem:s12], [sflag:$0x1], $0x1900, $0x38;
	[tilespmem:$0x1C000] =	vst v63  }
0x68b: {  	s25 =	sadd.s32 $0x2300, s28  }
0x68c: {  	[hbm4b:s25+s2] =	stream.linear.scatter [tilespmem:s11], [sflag:$0x1], $0x1900, $0x38;
	[tilespmem:$0x1C000] =	vst v63  }
0x68d: {  	s26 =	sadd.s32 $0x2680, s28  }
0x68e: {  	[hbm4b:s26+s2] =	stream.linear.scatter [tilespmem:s9], [sflag:$0x1], $0x1900, $0x38;
	[tilespmem:$0x1C000] =	vst v63  }
0x68f: {  	s1 =	sadd.s32 $0x2A00, s28  }
0x690: {  	[hbm4b:s1+s2] =	stream.linear.scatter [tilespmem:s8], [sflag:$0x1], $0x1900, $0x38;
	[tilespmem:$0x1C000] =	vst v63  }
0x691: {  	s4 =	sadd.s32 $0x2D80, s28  }
0x692: {  	[hbm4b:s4+s2] =	stream.linear.scatter [tilespmem:s7], [sflag:$0x1], $0x1900, $0x38;
	[tilespmem:$0x1C000] =	vst v63  }
0x693: {  	s10 =	sadd.s32 $0x3100, s28  }
0x694: {  	[hbm4b:s10+s2] =	stream.linear.scatter [tilespmem:s6], [sflag:$0x1], $0x1900, $0x38;
	[tilespmem:$0x1C000] =	vst v63  }
0x695: {  	s21 =	sadd.s32 $0x3480, s28  }
0x696: {  	[hbm4b:s21+s2] =	stream.linear.scatter [tilespmem:s5], [sflag:$0x1], $0x1900, $0x38;
	[tilespmem:$0x1C000] =	vst v63  }
0x697: {  	_ = 	snop  }
0x698: {  	[hbm4b:s29+s2] =	stream.linear.scatter [tilespmem:s2], [sflag:$0x1], $0x1900, $0x38;
	[tilespmem:$0x1C000] =	vst v63  }
0x699: {  	s24 =	sadd.s32 $0x380, s29  }
0x69a: {  	[hbm4b:s24+s2] =	stream.linear.scatter [tilespmem:s20], [sflag:$0x1], $0x1900, $0x38;
	[tilespmem:$0x1C000] =	vst v63  }
0x69b: {  	s25 =	sadd.s32 $0x700, s29  }
0x69c: {  	[hbm4b:s25+s2] =	stream.linear.scatter [tilespmem:s19], [sflag:$0x1], $0x1900, $0x38;
	[tilespmem:$0x1C000] =	vst v63  }
0x69d: {  	s26 =	sadd.s32 $0xA80, s29  }
0x69e: {  	[hbm4b:s26+s2] =	stream.linear.scatter [tilespmem:s17], [sflag:$0x1], $0x1900, $0x38;
	[tilespmem:$0x1C000] =	vst v63  }
0x69f: {  	s28 =	sadd.s32 $0xE00, s29  }
0x6a0: {  	[hbm4b:s28+s2] =	stream.linear.scatter [tilespmem:s15], [sflag:$0x1], $0x1900, $0x38;
	[tilespmem:$0x1C000] =	vst v63  }
0x6a1: {  	s1 =	sadd.s32 $0x1180, s29  }
0x6a2: {  	[hbm4b:s1+s2] =	stream.linear.scatter [tilespmem:s13], [sflag:$0x1], $0x1900, $0x38;
	[tilespmem:$0x1C000] =	vst v63  }
0x6a3: {  	s4 =	sadd.s32 $0x1500, s29  }
0x6a4: {  	[hbm4b:s4+s2] =	stream.linear.scatter [tilespmem:s18], [sflag:$0x1], $0x1900, $0x38;
	[tilespmem:$0x1C000] =	vst v63  }
0x6a5: {  	s10 =	sadd.s32 $0x1880, s29  }
0x6a6: {  	[hbm4b:s10+s2] =	stream.linear.scatter [tilespmem:s16], [sflag:$0x1], $0x1900, $0x38;
	[tilespmem:$0x1C000] =	vst v63  }
0x6a7: {  	s21 =	sadd.s32 $0x1C00, s29  }
0x6a8: {  	[hbm4b:s21+s2] =	stream.linear.scatter [tilespmem:s14], [sflag:$0x1], $0x1900, $0x38;
	[tilespmem:$0x1C000] =	vst v63  }
0x6a9: {  	s24 =	sadd.s32 $0x1F80, s29  }
0x6aa: {  	[hbm4b:s24+s2] =	stream.linear.scatter [tilespmem:s12], [sflag:$0x1], $0x1900, $0x38;
	[tilespmem:$0x1C000] =	vst v63  }
0x6ab: {  	s25 =	sadd.s32 $0x2300, s29  }
0x6ac: {  	[hbm4b:s25+s2] =	stream.linear.scatter [tilespmem:s11], [sflag:$0x1], $0x1900, $0x38;
	[tilespmem:$0x1C000] =	vst v63  }
0x6ad: {  	s26 =	sadd.s32 $0x2680, s29  }
0x6ae: {  	[hbm4b:s26+s2] =	stream.linear.scatter [tilespmem:s9], [sflag:$0x1], $0x1900, $0x38;
	[tilespmem:$0x1C000] =	vst v63  }
0x6af: {  	s28 =	sadd.s32 $0x2A00, s29  }
0x6b0: {  	[hbm4b:s28+s2] =	stream.linear.scatter [tilespmem:s8], [sflag:$0x1], $0x1900, $0x38;
	[tilespmem:$0x1C000] =	vst v63  }
0x6b1: {  	s1 =	sadd.s32 $0x2D80, s29  }
0x6b2: {  	[hbm4b:s1+s2] =	stream.linear.scatter [tilespmem:s7], [sflag:$0x1], $0x1900, $0x38;
	[tilespmem:$0x1C000] =	vst v63  }
0x6b3: {  	s4 =	sadd.s32 $0x3100, s29  }
0x6b4: {  	[hbm4b:s4+s2] =	stream.linear.scatter [tilespmem:s6], [sflag:$0x1], $0x1900, $0x38;
	[tilespmem:$0x1C000] =	vst v63  }
0x6b5: {  	s10 =	sadd.s32 $0x3480, s29  }
0x6b6: {  	[hbm4b:s10+s2] =	stream.linear.scatter [tilespmem:s5], [sflag:$0x1], $0x1900, $0x38;
	[tilespmem:$0x1C000] =	vst v63  }
0x6b7: {  	_ = 	snop  }
0x6b8: {  	[hbm4b:s31+s2] =	stream.linear.scatter [tilespmem:s2], [sflag:$0x1], $0x1900, $0x38;
	[tilespmem:$0x1C000] =	vst v63  }
0x6b9: {  	s21 =	sadd.s32 $0x380, s31  }
0x6ba: {  	[hbm4b:s21+s2] =	stream.linear.scatter [tilespmem:s20], [sflag:$0x1], $0x1900, $0x38;
	[tilespmem:$0x1C000] =	vst v63  }
0x6bb: {  	s24 =	sadd.s32 $0x700, s31  }
0x6bc: {  	[hbm4b:s24+s2] =	stream.linear.scatter [tilespmem:s19], [sflag:$0x1], $0x1900, $0x38;
	[tilespmem:$0x1C000] =	vst v63  }
0x6bd: {  	s25 =	sadd.s32 $0xA80, s31  }
0x6be: {  	[hbm4b:s25+s2] =	stream.linear.scatter [tilespmem:s17], [sflag:$0x1], $0x1900, $0x38;
	[tilespmem:$0x1C000] =	vst v63  }
0x6bf: {  	s26 =	sadd.s32 $0xE00, s31  }
0x6c0: {  	[hbm4b:s26+s2] =	stream.linear.scatter [tilespmem:s15], [sflag:$0x1], $0x1900, $0x38;
	[tilespmem:$0x1C000] =	vst v63  }
0x6c1: {  	s28 =	sadd.s32 $0x1180, s31  }
0x6c2: {  	[hbm4b:s28+s2] =	stream.linear.scatter [tilespmem:s13], [sflag:$0x1], $0x1900, $0x38;
	[tilespmem:$0x1C000] =	vst v63  }
0x6c3: {  	s29 =	sadd.s32 $0x1500, s31  }
0x6c4: {  	[hbm4b:s29+s2] =	stream.linear.scatter [tilespmem:s18], [sflag:$0x1], $0x1900, $0x38;
	[tilespmem:$0x1C000] =	vst v63  }
0x6c5: {  	s1 =	sadd.s32 $0x1880, s31  }
0x6c6: {  	[hbm4b:s1+s2] =	stream.linear.scatter [tilespmem:s16], [sflag:$0x1], $0x1900, $0x38;
	[tilespmem:$0x1C000] =	vst v63  }
0x6c7: {  	s4 =	sadd.s32 $0x1C00, s31  }
0x6c8: {  	[hbm4b:s4+s2] =	stream.linear.scatter [tilespmem:s14], [sflag:$0x1], $0x1900, $0x38;
	[tilespmem:$0x1C000] =	vst v63  }
0x6c9: {  	s10 =	sadd.s32 $0x1F80, s31  }
0x6ca: {  	[hbm4b:s10+s2] =	stream.linear.scatter [tilespmem:s12], [sflag:$0x1], $0x1900, $0x38;
	[tilespmem:$0x1C000] =	vst v63  }
0x6cb: {  	s21 =	sadd.s32 $0x2300, s31  }
0x6cc: {  	[hbm4b:s21+s2] =	stream.linear.scatter [tilespmem:s11], [sflag:$0x1], $0x1900, $0x38;
	[tilespmem:$0x1C000] =	vst v63  }
0x6cd: {  	s24 =	sadd.s32 $0x2680, s31  }
0x6ce: {  	[hbm4b:s24+s2] =	stream.linear.scatter [tilespmem:s9], [sflag:$0x1], $0x1900, $0x38;
	[tilespmem:$0x1C000] =	vst v63  }
0x6cf: {  	s25 =	sadd.s32 $0x2A00, s31  }
0x6d0: {  	[hbm4b:s25+s2] =	stream.linear.scatter [tilespmem:s8], [sflag:$0x1], $0x1900, $0x38;
	[tilespmem:$0x1C000] =	vst v63  }
0x6d1: {  	s26 =	sadd.s32 $0x2D80, s31  }
0x6d2: {  	[hbm4b:s26+s2] =	stream.linear.scatter [tilespmem:s7], [sflag:$0x1], $0x1900, $0x38;
	[tilespmem:$0x1C000] =	vst v63  }
0x6d3: {  	s28 =	sadd.s32 $0x3100, s31  }
0x6d4: {  	[hbm4b:s28+s2] =	stream.linear.scatter [tilespmem:s6], [sflag:$0x1], $0x1900, $0x38;
	[tilespmem:$0x1C000] =	vst v63  }
0x6d5: {  	s29 =	sadd.s32 $0x3480, s31  }
0x6d6: {  	[hbm4b:s29+s2] =	stream.linear.scatter [tilespmem:s5], [sflag:$0x1], $0x1900, $0x38;
	[tilespmem:$0x1C000] =	vst v63  }
0x6d7: {  	_ = 	snop  }
0x6d8: {  	[hbm4b:s30+s2] =	stream.linear.scatter [tilespmem:s2], [sflag:$0x1], $0x1900, $0x38;
	[tilespmem:$0x1C000] =	vst v63  }
0x6d9: {  	s31 =	sadd.s32 $0x380, s30  }
0x6da: {  	[hbm4b:s31+s2] =	stream.linear.scatter [tilespmem:s20], [sflag:$0x1], $0x1900, $0x38;
	[tilespmem:$0x1C000] =	vst v63  }
0x6db: {  	s1 =	sadd.s32 $0x700, s30  }
0x6dc: {  	[hbm4b:s1+s2] =	stream.linear.scatter [tilespmem:s19], [sflag:$0x1], $0x1900, $0x38;
	[tilespmem:$0x1C000] =	vst v63  }
0x6dd: {  	s4 =	sadd.s32 $0xA80, s30  }
0x6de: {  	[hbm4b:s4+s2] =	stream.linear.scatter [tilespmem:s17], [sflag:$0x1], $0x1900, $0x38;
	[tilespmem:$0x1C000] =	vst v63  }
0x6df: {  	s10 =	sadd.s32 $0xE00, s30  }
0x6e0: {  	[hbm4b:s10+s2] =	stream.linear.scatter [tilespmem:s15], [sflag:$0x1], $0x1900, $0x38;
	[tilespmem:$0x1C000] =	vst v63  }
0x6e1: {  	s15 =	sadd.s32 $0x1180, s30  }
0x6e2: {  	[hbm4b:s15+s2] =	stream.linear.scatter [tilespmem:s13], [sflag:$0x1], $0x1900, $0x38;
	[tilespmem:$0x1C000] =	vst v63  }
0x6e3: {  	s17 =	sadd.s32 $0x1500, s30  }
0x6e4: {  	[hbm4b:s17+s2] =	stream.linear.scatter [tilespmem:s18], [sflag:$0x1], $0x1900, $0x38;
	[tilespmem:$0x1C000] =	vst v63  }
0x6e5: {  	s19 =	sadd.s32 $0x1880, s30  }
0x6e6: {  	[hbm4b:s19+s2] =	stream.linear.scatter [tilespmem:s16], [sflag:$0x1], $0x1900, $0x38;
	[tilespmem:$0x1C000] =	vst v63  }
0x6e7: {  	s20 =	sadd.s32 $0x1C00, s30  }
0x6e8: {  	[hbm4b:s20+s2] =	stream.linear.scatter [tilespmem:s14], [sflag:$0x1], $0x1900, $0x38;
	[tilespmem:$0x1C000] =	vst v63  }
0x6e9: {  	s21 =	sadd.s32 $0x1F80, s30  }
0x6ea: {  	[hbm4b:s21+s2] =	stream.linear.scatter [tilespmem:s12], [sflag:$0x1], $0x1900, $0x38;
	[tilespmem:$0x1C000] =	vst v63  }
0x6eb: {  	s24 =	sadd.s32 $0x2300, s30  }
0x6ec: {  	[hbm4b:s24+s2] =	stream.linear.scatter [tilespmem:s11], [sflag:$0x1], $0x1900, $0x38;
	[tilespmem:$0x1C000] =	vst v63  }
0x6ed: {  	s25 =	sadd.s32 $0x2680, s30  }
0x6ee: {  	[hbm4b:s25+s2] =	stream.linear.scatter [tilespmem:s9], [sflag:$0x1], $0x1900, $0x38;
	[tilespmem:$0x1C000] =	vst v63  }
0x6ef: {  	s26 =	sadd.s32 $0x2A00, s30  }
0x6f0: {  	[hbm4b:s26+s2] =	stream.linear.scatter [tilespmem:s8], [sflag:$0x1], $0x1900, $0x38;
	[tilespmem:$0x1C000] =	vst v63  }
0x6f1: {  	s28 =	sadd.s32 $0x2D80, s30  }
0x6f2: {  	[hbm4b:s28+s2] =	stream.linear.scatter [tilespmem:s7], [sflag:$0x1], $0x1900, $0x38;
	[tilespmem:$0x1C000] =	vst v63  }
0x6f3: {  	s29 =	sadd.s32 $0x3100, s30  }
0x6f4: {  	[hbm4b:s29+s2] =	stream.linear.scatter [tilespmem:s6], [sflag:$0x1], $0x1900, $0x38;
	[tilespmem:$0x1C000] =	vst v63  }
0x6f5: {  	s31 =	sadd.s32 $0x3480, s30  }
0x6f6: {  	[hbm4b:s31+s2] =	stream.linear.scatter [tilespmem:s5], [sflag:$0x1], $0x1900, $0x38;
	[tilespmem:$0x1C000] =	vst v63  }
0x6f7: {  	_ =	swait.ge [sflag:s3], $0x19000  }
0x6f8: {  	[sflag:s3] =	ssyncset.done $0x0  }
0x6f9: {  	[sflag:s3] =	ssyncadd.s32 $0xFFFE7000  }
0x6fa: {  	_ =	swait.ge [sflag:s3], $0x19000  }
0x6fb: {  	[sflag:s3] =	ssyncset.done $0x0  }
0x6fc: {  	[sflag:s3] =	ssyncadd.s32 $0xFFFE7000  }
0x6fd: {  	_ =	swait.ge [sflag:s3], $0x19000  }
0x6fe: {  	[sflag:s3] =	ssyncset.done $0x0  }
0x6ff: {  	[sflag:s3] =	ssyncadd.s32 $0xFFFE7000  }
0x700: {  	_ =	swait.ge [sflag:s3], $0x19000  }
0x701: {  	[sflag:s3] =	ssyncset.done $0x0  }
0x702: {  	[sflag:s3] =	ssyncadd.s32 $0xFFFE7000  }
0x703: {  	_ =	swait.ge [sflag:s3], $0x19000  }
0x704: {  	[sflag:s3] =	ssyncset.done $0x0  }
0x705: {  	[sflag:s3] =	ssyncadd.s32 $0xFFFE7000  }
0x706: {  	_ =	swait.ge [sflag:s3], $0x19000  }
0x707: {  	[sflag:s3] =	ssyncset.done $0x0  }
0x708: {  	[sflag:s3] =	ssyncadd.s32 $0xFFFE7000  }
0x709: {  	_ =	swait.ge [sflag:s3], $0x19000  }
0x70a: {  	[sflag:s3] =	ssyncset.done $0x0  }
0x70b: {  	[sflag:s3] =	ssyncadd.s32 $0xFFFE7000  }
0x70c: {  	_ =	swait.ge [sflag:s3], $0x19000  }
0x70d: {  	[sflag:s3] =	ssyncset.done $0x0  }
0x70e: {  	[sflag:s3] =	ssyncadd.s32 $0xFFFE7000  }
0x70f: {  	_ =	swait.ge [sflag:s3], $0x19000  }
0x710: {  	[sflag:s3] =	ssyncset.done $0x0  }
0x711: {  	[sflag:s3] =	ssyncadd.s32 $0xFFFE7000  }
0x712: {  	_ =	swait.ge [sflag:s3], $0x19000  }
0x713: {  	[sflag:s3] =	ssyncset.done $0x0  }
0x714: {  	[sflag:s3] =	ssyncadd.s32 $0xFFFE7000  }
0x715: {  	_ =	swait.ge [sflag:s3], $0x19000  }
0x716: {  	[sflag:s3] =	ssyncset.done $0x0  }
0x717: {  	[sflag:s3] =	ssyncadd.s32 $0xFFFE7000  }
0x718: {  	_ =	swait.ge [sflag:s3], $0x19000  }
0x719: {  	[sflag:s3] =	ssyncset.done $0x0  }
0x71a: {  	[sflag:s3] =	ssyncadd.s32 $0xFFFE7000  }
0x71b: {  	_ =	swait.ge [sflag:s3], $0x19000  }
0x71c: {  	[sflag:s3] =	ssyncset.done $0x0  }
0x71d: {  	[sflag:s3] =	ssyncadd.s32 $0xFFFE7000  }
0x71e: {  	_ =	swait.ge [sflag:s3], $0x19000  }
0x71f: {  	[sflag:s3] =	ssyncset.done $0x0  }
0x720: {  	[sflag:s3] =	ssyncadd.s32 $0xFFFE7000  }
0x721: {  	_ =	swait.ge [sflag:s3], $0x19000  }
0x722: {  	[sflag:s3] =	ssyncset.done $0x0  }
0x723: {  	[sflag:s3] =	ssyncadd.s32 $0xFFFE7000  }
0x724: {  	_ =	swait.ge [sflag:s3], $0x19000  }
0x725: {  	[sflag:s3] =	ssyncset.done $0x0  }
0x726: {  	[sflag:s3] =	ssyncadd.s32 $0xFFFE7000  }
0x727: {  	_ =	sfence.sel $0x180000  }
0x728: {  	[bflag:$0x0] =	sbarrier.arrive $0xFFFF  }
0x729: {  	p0 =	sne.s32 s22, $0x0;
	_ =	strace $0x90000047  }
0x72a: {  	s0 =	sadd.s32 @!p0 $0x100000, s23;
	[bflag:$0x2] =	sbarrier.arrive $0xFFFF  }
0x72b: {  	[sflag:s0] =	ssyncadd.tile.s32 @!p0 $0x1;
	_ =	shalt  }
.LBB2_2:
0x72c: {  	s23 =	rddreg [dreg:$0x2]  }
.Ltmp3:
0x72d: {  	s29 =	sld [smem:$0x7F6];
	(pc) =	sbr.rel .LBB2_5-.Ltmp3, $4  }
0x72e: {  	s28 =	sld [smem:$0x7FA]  }
0x72f: {  	s10 =	sld [smem:$0x7FB]  }
0x730: {  	s26 =	sld [smem:$0x7FC]  }
0x731: {  	s22 =	stileid.u32;
	s21 =	sld [smem:$0x7F9];
	s4 =	simm.s32 $0x2  }
.Lfunc_end2:
_tile_overlayer_lowered:
.L_overlay_start_2:
0x732: {  	(tag) =	ssettag $0x2  }
0x733: {  	s0 =	rddreg [dreg:$0x0];
	s2 =	stileid.u32  }
0x734: {  	s1 =	rddreg [dreg:$0x1];
	p0 =	sne.s32 s2, $0x0  }
0x735: {  	s3 =	rddreg [dreg:$0x2];
	[bflag:$0x3] =	sbarrier.arrive $0xFFFF;
	s2 =	simm.s32 @!p0 $0x1C02  }
0x736: {  	[timem:s3], [sflag:s2] =	dma.local @!p0 [hbm:s0], s1  }
0x737: {  	s0 =	simm.s32 @!p0 $0x2  }
0x738: {  	_ =	swait.ge @!p0 [sflag:s0], s1  }
0x739: {  	s1 =	ssub.s32 @!p0 $0x0, s1;
	[sflag:s0] =	ssyncset.done @!p0 $0x0  }
0x73a: {  	[sflag:s0] =	ssyncadd.s32 @!p0 s1  }
0x73b: {  	[bflag:$0x3] =	sbarrier.arrive $0xFFFF  }
0x73c: {  	_ =	shalt  }

</sc_bundles>
